<compile_context>
chip_gen: v7x
topology: tpu7x:2x2x1
jax: 0.10.2.dev20260603
libtpu: 0.0.44.dev20260713+nightly
codegen_flags: <defaults>
</compile_context>

<pallas_src>
import numpy as np
import jax
import jax.numpy as jnp
from jax.experimental import pallas as pl
from jax.experimental.pallas import tpu as pltpu

_V = 25
_C = 60
_KG = 13
_KD = 6
_N = 64
_T = 300
_F32 = jnp.float32

_EDGE_LIST = [(1, 2), (2, 21), (3, 21), (4, 3), (5, 21), (6, 5), (7, 6),
              (8, 7), (9, 21), (10, 9), (11, 10), (12, 11), (13, 1),
              (14, 13), (15, 14), (16, 15), (17, 1), (18, 17), (19, 18),
              (20, 19), (22, 23), (23, 8), (24, 25), (25, 12)]


def _adj_bin():
    A = np.zeros((_V, _V), dtype=np.float64)
    for i, j in _EDGE_LIST:
        A[i - 1, j - 1] = 1.0
        A[j - 1, i - 1] = 1.0
    return A


def _k_adj(A, k):
    n = A.shape[0]
    I = np.eye(n)
    if k == 0:
        return I
    Ak = ((np.linalg.matrix_power(A + I, k) >= 1).astype(np.float64)
          - (np.linalg.matrix_power(A + I, k - 1) >= 1).astype(np.float64))
    return Ak + I


def _norm_adj(A):
    d = A.sum(-1)
    dinv = np.where(d > 0, 1.0 / d, 0.0)
    return A * dinv[:, None]


def _a_pow(A, K):
    return np.concatenate([_norm_adj(_k_adj(A, k)) for k in range(K)], axis=0)


_A1S = _a_pow(_adj_bin(), _KG).reshape(_KG, _V, _V).astype(np.float32)


def _g3d_struct(window):
    A = _adj_bin()
    B = ((A + np.eye(_V)) > 0).astype(np.float64)
    Dall = np.zeros((_V, _KD * _V), dtype=np.float64)
    beta = np.zeros((_KD, _V), dtype=np.float64)
    beta[0, :] = 1.0
    reach_prev = np.eye(_V) > 0
    Bp = np.eye(_V)
    for k in range(1, _KD):
        Bp = Bp @ B
        reach = Bp >= 1
        if k == 1:
            Dk = reach.astype(np.float64)
            ak = 1.0 / (window * Dk.sum(axis=1))
        else:
            Dk = (reach & ~reach_prev).astype(np.float64)
            ak = 1.0 / (window * Dk.sum(axis=1) + 1.0)
            beta[k, :] = ak
        reach_prev = reach
        Dall[:, k * _V:(k + 1) * _V] = (Dk * ak[:, None]).T
    return Dall[:, _V:].astype(np.float32), beta.astype(np.float32)


_D3, _BETA3 = _g3d_struct(3)
_D5, _BETA5 = _g3d_struct(5)


def _dg(a, b, dims):
    return jax.lax.dot_general(a, b, (dims, ((), ())),
                               preferred_element_type=_F32)


_BF16 = jnp.bfloat16


def _dgb(a, b, dims):
    return jax.lax.dot_general(a.astype(_BF16), b.astype(_BF16),
                               (dims, ((), ())),
                               preferred_element_type=_F32)


def _dotb(a, b):
    return jnp.dot(a.astype(_BF16), b.astype(_BF16),
                   preferred_element_type=_F32)



def _gcn1_body(x_ref, m_ref, o_ref):
    o_ref[0] = jnp.maximum(_dotb(x_ref[0], m_ref[...]), 0.0)



def _tcn_a_body(x_ref, w1_ref, w2_ref, wr_ref, o_ref):
    x3 = x_ref[0]
    x2 = x3.reshape(_T * _V, _C)
    y = _dgb(x2, w1_ref[...], ((1,), (1,)))
    y3 = y.reshape(_T, _V, _C)
    yr = jnp.maximum(y3[:, :, :50], 0.0)
    yp = jnp.pad(yr[:, :, :40], ((4, 4), (0, 0), (0, 0)))
    taps = []
    for j in range(3):
        for i in range(4):
            d = i + 1
            off = 4 + (j - 1) * d
            sl = yp[off:off + _T, :, 10 * i:10 * i + 10]
            taps.append(sl.reshape(150, 2, _V, 10)[:, 0])
    G = jnp.concatenate(taps, axis=2)
    z = _dgb(G.reshape(150 * _V, 120), w2_ref[...], ((1,), (0,)))
    cp = jnp.pad(yr[:, :, 40:50], ((1, 1), (0, 0), (0, 0)),
                 constant_values=-1e30)
    mp = jnp.maximum(jnp.maximum(cp[0:_T], cp[1:_T + 1]), cp[2:_T + 2])
    mp = mp.reshape(150, 2, _V, 10)[:, 0].reshape(150 * _V, 10)
    b5 = y3[:, :, 50:60].reshape(150, 2, _V, 10)[:, 0].reshape(150 * _V, 10)
    xs = x3.reshape(150, 2, _V, _C)[:, 0].reshape(150 * _V, _C)
    r = _dgb(xs, wr_ref[...], ((1,), (1,)))
    out = jnp.concatenate([z, mp, b5], axis=1) + r
    o_ref[0] = jnp.maximum(out, 0.0).reshape(150, _V, _C)



def _make_tcn_s1_body(act, prologue):
    T2 = 150

    def body(*refs):
        if prologue:
            a_ref, b_ref, c_ref, w1_ref, w2_ref, o_ref = refs
            x3 = jnp.maximum(a_ref[0] + b_ref[0] + c_ref[0], 0.0)
        else:
            x_ref, w1_ref, w2_ref, o_ref = refs
            x3 = x_ref[0]
        x2 = x3.reshape(T2 * _V, _C)
        y = _dgb(x2, w1_ref[...], ((1,), (1,)))
        y3 = y.reshape(T2, _V, _C)
        yr = jnp.maximum(y3[:, :, :50], 0.0)
        yp = jnp.pad(yr[:, :, :40], ((4, 4), (0, 0), (0, 0)))
        taps = []
        for j in range(3):
            for i in range(4):
                d = i + 1
                off = 4 + (j - 1) * d
                taps.append(yp[off:off + T2, :, 10 * i:10 * i + 10])
        G = jnp.concatenate(taps, axis=2)
        z = _dgb(G.reshape(T2 * _V, 120), w2_ref[...], ((1,), (0,)))
        cp = jnp.pad(yr[:, :, 40:50], ((1, 1), (0, 0), (0, 0)),
                     constant_values=-1e30)
        mp = jnp.maximum(jnp.maximum(cp[0:T2], cp[1:T2 + 1]), cp[2:T2 + 2])
        mp = mp.reshape(T2 * _V, 10)
        b5 = y3[:, :, 50:60].reshape(T2 * _V, 10)
        out = jnp.concatenate([z, mp, b5], axis=1) + x2
        if act:
            out = jnp.maximum(out, 0.0)
        o_ref[0] = out.reshape(T2, _V, _C)

    return body



def _make_g3d_body(window):
    pad = (window - 1) // 2
    T2 = 150

    def body(x_ref, dall_ref, wg_ref, wp_ref, wo_ref, o_ref):
        x3 = x_ref[0]
        xp = jnp.pad(x3, ((pad, pad), (0, 0), (0, 0)))
        cols = []
        for j in range(window):
            cols.append(xp[j:j + _T].reshape(T2, 2, _V, _C)[:, 0])
        P = cols[0]
        for c in cols[1:]:
            P = P + c
        Qs = _dgb(P, dall_ref[...], ((1,), (0,)))
        QW = None
        for kk in range(_KD - 1):
            qk = Qs[:, :, kk * _V:(kk + 1) * _V]
            wgk = wg_ref[...][:, (kk + 1) * _C:(kk + 2) * _C]
            zqk = _dgb(qk, wgk, ((1,), (1,)))
            QW = zqk if QW is None else QW + zqk
        xw4 = jnp.concatenate([c[:, None] for c in cols], axis=1)
        hs = []
        for v in range(_V):
            xv = xw4[:, :, v, :]
            zv = _dgb(xv, wp_ref[v], ((2,), (1,)))
            hv = jnp.maximum(zv + QW[:, v, :][:, None, :], 0.0)
            hs.append(hv[:, :, None, :])
        h4 = jnp.concatenate(hs, axis=2)
        out = None
        for j in range(window):
            hj = h4[:, j].reshape(T2 * _V, _C)
            oj = _dotb(hj, wo_ref[j])
            out = oj if out is None else out + oj
        o_ref[0] = out.reshape(T2, _V, _C)

    return body



def _pool_body(x_ref, w_ref, b_ref, o_ref):
    x4 = x_ref[...].reshape(8, _V, _C, 150)
    p = jnp.sum(x4, axis=(1, 3))
    pr = _dg(p, w_ref[...], ((1,), (0,)))
    logits = pr * (1.0 / 3750.0) + b_ref[...]
    m = jnp.max(logits, axis=1, keepdims=True)
    zz = logits - m
    lse = jnp.log(jnp.sum(jnp.exp(zz), axis=1, keepdims=True))
    o_ref[...] = zz - lse


def _full(shape):
    nd = len(shape)
    return pl.BlockSpec(shape, lambda n, *, _nd=nd: (0,) * _nd)


def _per_n(shape_tail):
    nd = len(shape_tail)
    return pl.BlockSpec((1,) + shape_tail,
                        lambda n, *, _nd=nd: (n,) + (0,) * _nd)


def _call(body, grid_n, in_arrays, in_specs, out_shape, out_spec):
    return pl.pallas_call(
        body,
        grid=(grid_n,),
        in_specs=in_specs,
        out_specs=out_spec,
        out_shape=jax.ShapeDtypeStruct(out_shape, _F32),
        compiler_params=pltpu.CompilerParams(
            dimension_semantics=("parallel",),
            vmem_limit_bytes=100 * 1024 * 1024),
    )(*in_arrays)


def _w2cat(w2):
    eye = jnp.eye(4, dtype=_F32)
    return jnp.einsum('ionj,ik->jinko', w2, eye).reshape(120, 40)


def kernel(x, W_gcn1, tcn_a_w1, tcn_a_w2, tcn_a_res, tcn_b_w1, tcn_b_w2,
           g3d_w3_gcn, g3d_w3_out, g3d_w5_gcn, g3d_w5_out, tcn3_w1, tcn3_w2,
           fc_w, fc_b):
    VC = _V * _C
    x2d = x.reshape(_N, _T, VC)
    M2 = jnp.einsum('kvu,okc->ucvo', _A1S,
                    W_gcn1.reshape(_C, _KG, _C)).reshape(VC, VC)
    h1 = _call(_gcn1_body, _N, (x2d, M2),
               [_per_n((_T, VC)), _full((VC, VC))],
               (_N, _T, VC), _per_n((_T, VC)))
    h1v = h1.reshape(_N, _T, _V, _C)

    ha = _call(_tcn_a_body, _N,
               (h1v, tcn_a_w1.reshape(_C, _C), _w2cat(tcn_a_w2), tcn_a_res),
               [_per_n((_T, _V, _C)), _full((_C, _C)), _full((120, 40)),
                _full((_C, _C))],
               (_N, 150, _V, _C), _per_n((150, _V, _C)))

    hb = _call(_make_tcn_s1_body(False, False), _N,
               (ha, tcn_b_w1.reshape(_C, _C), _w2cat(tcn_b_w2)),
               [_per_n((150, _V, _C)), _full((_C, _C)), _full((120, 40))],
               (_N, 150, _V, _C), _per_n((150, _V, _C)))

    outs_g = []
    for window, dall, beta, wg, wo in (
            (3, _D3, _BETA3, g3d_w3_gcn, g3d_w3_out),
            (5, _D5, _BETA5, g3d_w5_gcn, g3d_w5_out)):
        wp = jnp.einsum('kv,ikc->vic', beta, wg.reshape(_C, _KD, _C))
        woT = jnp.transpose(wo, (2, 1, 0))
        g = _call(_make_g3d_body(window), _N,
                  (x, dall, wg, wp, woT),
                  [_per_n((_T, _V, _C)), _full((_V, (_KD - 1) * _V)),
                   _full((_C, _KD * _C)), _full((_V, _C, _C)),
                   _full((window, _C, _C))],
                  (_N, 150, _V, _C), _per_n((150, _V, _C)))
        outs_g.append(g)

    h2 = _call(_make_tcn_s1_body(True, True), _N,
               (hb, outs_g[0], outs_g[1], tcn3_w1.reshape(_C, _C),
                _w2cat(tcn3_w2)),
               [_per_n((150, _V, _C)), _per_n((150, _V, _C)),
                _per_n((150, _V, _C)), _full((_C, _C)), _full((120, 40))],
               (_N, 150, _V, _C), _per_n((150, _V, _C)))

    h2t = jnp.transpose(h2, (0, 3, 1, 2)).reshape(_N, VC, 150)
    out = _call(_pool_body, _N // 8,
                (h2t, fc_w.T, fc_b.reshape(1, _C)),
                [pl.BlockSpec((8, VC, 150), lambda n: (n, 0, 0)),
                 _full((_C, _C)), _full((1, _C))],
                (_N, _C), pl.BlockSpec((8, _C), lambda n: (n, 0)))
    return out

# --- scband reference (transcript-rebuilt; emitter-appended) ---
"""Pipeline reference for scband-model2-26792005992545 (READ-ONLY COPY).

The authoritative reference and input builder live on the scoring server;
editing this copy changes nothing except your own understanding.
"""

import jax, jax.numpy as jnp
import numpy as np

V = 25
C1 = 60
NUM_CLASS = 60
K_GCN = 13
K_G3D = 6
N_BATCH = 64
T_LEN = 300

_EDGES = [(1,2),(2,21),(3,21),(4,3),(5,21),(6,5),(7,6),(8,7),(9,21),(10,9),(11,10),(12,11),(13,1),(14,13),(15,14),(16,15),(17,1),(18,17),(19,18),(20,19),(22,23),(23,8),(24,25),(25,12)]

_PARAM_NAMES = ('W_gcn1','tcn_a_w1','tcn_a_w2','tcn_a_res','tcn_b_w1','tcn_b_w2','g3d_w3_gcn','g3d_w3_out','g3d_w5_gcn','g3d_w5_out','tcn3_w1','tcn3_w2','fc_w','fc_b')

def _adj_binary():
    A = np.zeros((V, V), dtype=np.float64)
    for i, j in _EDGES:
        A[i - 1, j - 1] = 1.0
        A[j - 1, i - 1] = 1.0
    return A

def _k_adjacency(A, k):
    n = A.shape[0]
    I = np.eye(n)
    if k == 0:
        return I
    Ak = (np.linalg.matrix_power(A + I, k) >= 1).astype(np.float64) - (np.linalg.matrix_power(A + I, k - 1) >= 1).astype(np.float64)
    return Ak + I

def _normalize(A):
    d = A.sum(-1)
    dinv = np.where(d > 0, 1.0 / d, 0.0)
    return A * dinv[:, None]

def _a_powers(A, K):
    return np.concatenate([_normalize(_k_adjacency(A, k)) for k in range(K)], axis=0)

def _conv1x1(x, w, stride=1):
    return jax.lax.conv_general_dilated(x, w[:, :, None, None], (stride, 1), [(0, 0), (0, 0)], dimension_numbers=('NCHW', 'OIHW', 'NCHW'))

def _tconv(x, w, stride, dilation):
    kt = w.shape[2]
    pad = (kt + (kt - 1) * (dilation - 1) - 1) // 2
    return jax.lax.conv_general_dilated(x, w[:, :, :, None], (stride, 1), [(pad, pad), (0, 0)], rhs_dilation=(dilation, 1), dimension_numbers=('NCHW', 'OIHW', 'NCHW'))

def _maxpool_t(x, stride):
    return jax.lax.reduce_window(x, -jnp.inf, jax.lax.max, (1, 1, 3, 1), (1, 1, stride, 1), [(0, 0), (0, 0), (1, 1), (0, 0)])

def _ms_gcn(x, A_powers, W):
    N, C, T, Vv = x.shape
    K = A_powers.shape[0] // Vv
    support = jnp.einsum('vu,nctu->nctv', A_powers, x)
    support = support.reshape(N, C, T, K, Vv)
    support = jnp.transpose(support, (0, 3, 1, 2, 4)).reshape(N, K * C, T, Vv)
    return jnp.einsum('ok,nktv->notv', W, support)

def _ms_tcn(x, w1, w2, res_w, stride, act):
    branches = []
    for i, d in enumerate((1, 2, 3, 4)):
        h = jax.nn.relu(_conv1x1(x, w1[i]))
        branches.append(_tconv(h, w2[i], stride, d))
    h = jax.nn.relu(_conv1x1(x, w1[4]))
    branches.append(_maxpool_t(h, stride))
    branches.append(_conv1x1(x, w1[5], stride=stride))
    out = jnp.concatenate(branches, axis=1)
    if res_w is None:
        out = out + x
    else:
        out = out + _conv1x1(x, res_w, stride=stride)
    if act:
        out = jax.nn.relu(out)
    return out

def _ms_g3d(x, A_powers_large, W_gcn, w_out, window, stride):
    N, C, T, Vv = x.shape
    pad = (window - 1) // 2
    xp = jnp.pad(x, ((0, 0), (0, 0), (pad, pad), (0, 0)))
    T2 = (T + 2 * pad - window) // stride + 1
    starts = jnp.arange(T2) * stride
    win = xp[:, :, starts[:, None] + jnp.arange(window)[None, :], :]
    xw = win.reshape(N, C, T2, window * Vv)
    h = jax.nn.relu(_ms_gcn(xw, A_powers_large, W_gcn))
    O = h.shape[1]
    h = h.reshape(N, O, T2, window, Vv)
    return jnp.einsum('oiw,nitwv->notv', w_out, h)

def _forward(x, params):
    x = jnp.transpose(x, (0, 3, 1, 2))
    N = x.shape[0]
    M = x.shape[-1]
    A = _adj_binary()
    Ap = jnp.asarray(_a_powers(A, K_GCN), dtype=x.dtype)
    h = jax.nn.relu(_ms_gcn(x, Ap, params['W_gcn1']))
    h = _ms_tcn(h, params['tcn_a_w1'], params['tcn_a_w2'], params['tcn_a_res'], 2, True)
    h = _ms_tcn(h, params['tcn_b_w1'], params['tcn_b_w2'], None, 1, False)
    I = np.eye(V)
    g = 0.0
    for window, gk, ok in ((3, 'g3d_w3_gcn', 'g3d_w3_out'), (5, 'g3d_w5_gcn', 'g3d_w5_out')):
        A_large = (np.tile(A + I, (window, window)) > 0).astype(np.float64)
        ApL = jnp.asarray(_a_powers(A_large, K_G3D), dtype=x.dtype)
        g = g + _ms_g3d(x, ApL, params[gk], params[ok], window, 2)
    h = jax.nn.relu(h + g)
    h = _ms_tcn(h, params['tcn3_w1'], params['tcn3_w2'], None, 1, True)
    oc = h.shape[1]
    out = h.reshape(N, M, oc, -1).mean(3).mean(1)
    out = out @ params['fc_w'].T + params['fc_b']
    return jax.nn.log_softmax(out, axis=1)

def setup_inputs(seed: int = 0):
    key = jax.random.key(seed)
    ks = jax.random.split(key, 16)
    bc = C1 // 6
    def tcn_params(k1, k2):
        return (jax.random.normal(k1, (6, bc, C1), jnp.float32) * 0.05,
                jax.random.normal(k2, (4, bc, bc, 3), jnp.float32) * 0.05)
    inp = {}
    inp['x'] = jax.random.normal(ks[0], (N_BATCH, T_LEN, V, C1), jnp.float32)
    inp['W_gcn1'] = jax.random.normal(ks[1], (C1, K_GCN * C1), jnp.float32) * 0.05
    inp['tcn_a_w1'], inp['tcn_a_w2'] = tcn_params(ks[2], ks[3])
    inp['tcn_a_res'] = jax.random.normal(ks[4], (C1, C1), jnp.float32) * 0.05
    inp['tcn_b_w1'], inp['tcn_b_w2'] = tcn_params(ks[5], ks[6])
    inp['g3d_w3_gcn'] = jax.random.normal(ks[7], (C1, K_G3D * C1), jnp.float32) * 0.05
    inp['g3d_w3_out'] = jax.random.normal(ks[8], (C1, C1, 3), jnp.float32) * 0.05
    inp['g3d_w5_gcn'] = jax.random.normal(ks[9], (C1, K_G3D * C1), jnp.float32) * 0.05
    inp['g3d_w5_out'] = jax.random.normal(ks[10], (C1, C1, 5), jnp.float32) * 0.05
    inp['tcn3_w1'], inp['tcn3_w2'] = tcn_params(ks[11], ks[12])
    inp['fc_w'] = jax.random.normal(ks[13], (NUM_CLASS, C1), jnp.float32) * 0.05
    inp['fc_b'] = jnp.zeros((NUM_CLASS,), jnp.float32)
    return inp

def reference(x, W_gcn1, tcn_a_w1, tcn_a_w2, tcn_a_res, tcn_b_w1, tcn_b_w2, g3d_w3_gcn, g3d_w3_out, g3d_w5_gcn, g3d_w5_out, tcn3_w1, tcn3_w2, fc_w, fc_b):
    params = {'W_gcn1': W_gcn1, 'tcn_a_w1': tcn_a_w1, 'tcn_a_w2': tcn_a_w2, 'tcn_a_res': tcn_a_res, 'tcn_b_w1': tcn_b_w1, 'tcn_b_w2': tcn_b_w2, 'g3d_w3_gcn': g3d_w3_gcn, 'g3d_w3_out': g3d_w3_out, 'g3d_w5_gcn': g3d_w5_gcn, 'g3d_w5_out': g3d_w5_out, 'tcn3_w1': tcn3_w1, 'tcn3_w2': tcn3_w2, 'fc_w': fc_w, 'fc_b': fc_b}
    return _forward(x, params)

if __name__ == "__main__":
    import jax
    _d = setup_inputs()
    print(jax.jit(kernel)(*tuple(_d.values())))

</pallas_src>

<mosaic_0001>
module attributes {stable_mosaic.version = 14 : i64} {
  func.func @_gcn1_body(%arg0: i32, %arg1: memref<1x300x1500xf32, #tpu.memory_space<vmem>>, %arg2: memref<1500x1500xf32, #tpu.memory_space<vmem>>, %arg3: memref<1x300x1500xf32, #tpu.memory_space<vmem>>) attributes {dimension_semantics = [#tpu.dimension_semantics<parallel>], iteration_bounds = array<i64: 64>, scalar_prefetch = 0 : i64, scratch_operands = 0 : i64, tpu.core_type = #tpu.core_type<tc>, window_params = [{transform_indices = @transform_0, window_bounds = array<i64: 1, 300, 1500>}, {pipeline_mode = #tpu.pipeline_mode<synchronous>, transform_indices = @transform_1, window_bounds = array<i64: 1500, 1500>}, {transform_indices = @transform_2, window_bounds = array<i64: 1, 300, 1500>}]} {
    %get3A = arith.constant 0 : index
    %get3A_0 = arith.constant 0 : index
    %get3A_1 = arith.constant 0 : index
    %get3A_2 = vector.load %arg1[%get3A, %get3A_0, %get3A_1] : memref<1x300x1500xf32, #tpu.memory_space<vmem>>, vector<1x300x1500xf32>
    %get3A_3 = vector.shape_cast %get3A_2 : vector<1x300x1500xf32> to vector<300x1500xf32>
    %get3A_4 = arith.constant 0 : index
    %get3A_5 = arith.constant 0 : index
    %get3A_6 = vector.load %arg2[%get3A_4, %get3A_5] : memref<1500x1500xf32, #tpu.memory_space<vmem>>, vector<1500x1500xf32>
    %convert_element_type3A = arith.truncf %get3A_3 : vector<300x1500xf32> to vector<300x1500xbf16>
    %convert_element_type3A_7 = arith.truncf %get3A_6 : vector<1500x1500xf32> to vector<1500x1500xbf16>
    %dot_general3A = arith.constant dense<0.000000e+00> : vector<300x1500xf32>
    %dot_general3A_8 = tpu.matmul %convert_element_type3A, %convert_element_type3A_7, %dot_general3A {dimension_numbers = #tpu.dot_dimension_numbers<[1], [0], [0], [1], [0, 0, 1, 1], [], []>, transpose_lhs_hint = false} : vector<300x1500xbf16>, vector<1500x1500xbf16>, vector<300x1500xf32> -> vector<300x1500xf32>
    %max3A = arith.constant 0.000000e+00 : f32
    %max3A_9 = vector.broadcast %max3A : f32 to vector<300x1500xf32>
    %max3A_10 = arith.maximumf %dot_general3A_8, %max3A_9 : vector<300x1500xf32>
    %swap3A = arith.constant 0 : index
    %swap3A_11 = arith.constant 0 : index
    %swap3A_12 = arith.constant 0 : index
    %swap3A_13 = vector.load %arg3[%swap3A, %swap3A_11, %swap3A_12] : memref<1x300x1500xf32, #tpu.memory_space<vmem>>, vector<1x300x1500xf32>
    %swap3A_14 = vector.shape_cast %swap3A_13 : vector<1x300x1500xf32> to vector<300x1500xf32>
    %swap3A_15 = vector.shape_cast %max3A_10 : vector<300x1500xf32> to vector<1x300x1500xf32>
    tpu.vector_store %arg3[%swap3A, %swap3A_11, %swap3A_12], %swap3A_15 {strides = array<i32>} : memref<1x300x1500xf32, #tpu.memory_space<vmem>>, vector<1x300x1500xf32>,
    return
  }
  func.func @transform_0(%arg0: i32) -> (i32, i32, i32) {
    %c0_i32 = arith.constant 0 : i32
    %c0_i32_0 = arith.constant 0 : i32
    %c0_i32_1 = arith.constant 0 : i32
    return %arg0, %c0_i32, %c0_i32_0 : i32, i32, i32
  }
  func.func @transform_1(%arg0: i32) -> (i32, i32) {
    %c0_i32 = arith.constant 0 : i32
    %c0_i32_0 = arith.constant 0 : i32
    %c0_i32_1 = arith.constant 0 : i32
    return %c0_i32, %c0_i32_0 : i32, i32
  }
  func.func @transform_2(%arg0: i32) -> (i32, i32, i32) {
    %c0_i32 = arith.constant 0 : i32
    %c0_i32_0 = arith.constant 0 : i32
    %c0_i32_1 = arith.constant 0 : i32
    return %arg0, %c0_i32, %c0_i32_0 : i32, i32, i32
  }
}

module attributes {stable_mosaic.version = 14 : i64} {
  func.func @_tcn_a_body(%arg0: i32, %arg1: memref<1x300x25x60xf32, #tpu.memory_space<vmem>>, %arg2: memref<60x60xf32, #tpu.memory_space<vmem>>, %arg3: memref<120x40xf32, #tpu.memory_space<vmem>>, %arg4: memref<60x60xf32, #tpu.memory_space<vmem>>, %arg5: memref<1x150x25x60xf32, #tpu.memory_space<vmem>>) attributes {dimension_semantics = [#tpu.dimension_semantics<parallel>], iteration_bounds = array<i64: 64>, scalar_prefetch = 0 : i64, scratch_operands = 0 : i64, tpu.core_type = #tpu.core_type<tc>, window_params = [{transform_indices = @transform_0, window_bounds = array<i64: 1, 300, 25, 60>}, {pipeline_mode = #tpu.pipeline_mode<synchronous>, transform_indices = @transform_1, window_bounds = array<i64: 60, 60>}, {pipeline_mode = #tpu.pipeline_mode<synchronous>, transform_indices = @transform_2, window_bounds = array<i64: 120, 40>}, {pipeline_mode = #tpu.pipeline_mode<synchronous>, transform_indices = @transform_3, window_bounds = array<i64: 60, 60>}, {transform_indices = @transform_4, window_bounds = array<i64: 1, 150, 25, 60>}]} {
    %get3A = arith.constant 0 : index
    %get3A_0 = arith.constant 0 : index
    %get3A_1 = arith.constant 0 : index
    %get3A_2 = arith.constant 0 : index
    %get3A_3 = vector.load %arg1[%get3A, %get3A_0, %get3A_1, %get3A_2] : memref<1x300x25x60xf32, #tpu.memory_space<vmem>>, vector<1x300x25x60xf32>
    %get3A_4 = vector.shape_cast %get3A_3 : vector<1x300x25x60xf32> to vector<300x25x60xf32>
    %reshape3A = vector.shape_cast %get3A_4 : vector<300x25x60xf32> to vector<7500x60xf32>
    %get3A_5 = arith.constant 0 : index
    %get3A_6 = arith.constant 0 : index
    %get3A_7 = vector.load %arg2[%get3A_5, %get3A_6] : memref<60x60xf32, #tpu.memory_space<vmem>>, vector<60x60xf32>
    %convert_element_type3A = arith.truncf %reshape3A : vector<7500x60xf32> to vector<7500x60xbf16>
    %convert_element_type3A_8 = arith.truncf %get3A_7 : vector<60x60xf32> to vector<60x60xbf16>
    %dot_general3A = arith.constant dense<0.000000e+00> : vector<7500x60xf32>
    %dot_general3A_9 = tpu.matmul %convert_element_type3A, %convert_element_type3A_8, %dot_general3A {dimension_numbers = #tpu.dot_dimension_numbers<[1], [1], [0], [0], [0, 0, 1, 0], [], []>, transpose_lhs_hint = false} : vector<7500x60xbf16>, vector<60x60xbf16>, vector<7500x60xf32> -> vector<7500x60xf32>
    %reshape3A_10 = vector.shape_cast %dot_general3A_9 : vector<7500x60xf32> to vector<300x25x60xf32>
    %slice3A = vector.extract_strided_slice %reshape3A_10 {offsets = [0, 0, 0], sizes = [300, 25, 50], strides = [1, 1, 1]} : vector<300x25x60xf32> to vector<300x25x50xf32>
    %max3A = arith.constant 0.000000e+00 : f32
    %max3A_11 = vector.broadcast %max3A : f32 to vector<300x25x50xf32>
    %max3A_12 = arith.maximumf %slice3A, %max3A_11 : vector<300x25x50xf32>
    %slice3A_13 = vector.extract_strided_slice %max3A_12 {offsets = [0, 0, 0], sizes = [300, 25, 40], strides = [1, 1, 1]} : vector<300x25x50xf32> to vector<300x25x40xf32>
    %jit3A = arith.constant 0 : i32
    %convert_element_type3A_14 = arith.sitofp %jit3A : i32 to f32
    %pad3A = vector.broadcast %convert_element_type3A_14 : f32 to vector<4x25x40xf32>
    %pad3A_15 = tpu.concatenate %pad3A, %slice3A_13 in 0 : vector<4x25x40xf32>, vector<300x25x40xf32> -> vector<304x25x40xf32>
    %pad3A_16 = vector.broadcast %convert_element_type3A_14 : f32 to vector<4x25x40xf32>
    %pad3A_17 = tpu.concatenate %pad3A_15, %pad3A_16 in 0 : vector<304x25x40xf32>, vector<4x25x40xf32> -> vector<308x25x40xf32>
    %slice3A_18 = vector.extract_strided_slice %pad3A_17 {offsets = [3, 0, 0], sizes = [300, 25, 10], strides = [1, 1, 1]} : vector<308x25x40xf32> to vector<300x25x10xf32>
    %reshape3A_19 = vector.shape_cast %slice3A_18 : vector<300x25x10xf32> to vector<150x2x25x10xf32>
    %slice3A_20 = vector.extract_strided_slice %reshape3A_19 {offsets = [0, 0, 0, 0], sizes = [150, 1, 25, 10], strides = [1, 1, 1, 1]} : vector<150x2x25x10xf32> to vector<150x1x25x10xf32>
    %squeeze3A = vector.shape_cast %slice3A_20 : vector<150x1x25x10xf32> to vector<150x25x10xf32>
    %slice3A_21 = vector.extract_strided_slice %pad3A_17 {offsets = [2, 0, 10], sizes = [300, 25, 10], strides = [1, 1, 1]} : vector<308x25x40xf32> to vector<300x25x10xf32>
    %reshape3A_22 = vector.shape_cast %slice3A_21 : vector<300x25x10xf32> to vector<150x2x25x10xf32>
    %slice3A_23 = vector.extract_strided_slice %reshape3A_22 {offsets = [0, 0, 0, 0], sizes = [150, 1, 25, 10], strides = [1, 1, 1, 1]} : vector<150x2x25x10xf32> to vector<150x1x25x10xf32>
    %squeeze3A_24 = vector.shape_cast %slice3A_23 : vector<150x1x25x10xf32> to vector<150x25x10xf32>
    %slice3A_25 = vector.extract_strided_slice %pad3A_17 {offsets = [1, 0, 20], sizes = [300, 25, 10], strides = [1, 1, 1]} : vector<308x25x40xf32> to vector<300x25x10xf32>
    %reshape3A_26 = vector.shape_cast %slice3A_25 : vector<300x25x10xf32> to vector<150x2x25x10xf32>
    %slice3A_27 = vector.extract_strided_slice %reshape3A_26 {offsets = [0, 0, 0, 0], sizes = [150, 1, 25, 10], strides = [1, 1, 1, 1]} : vector<150x2x25x10xf32> to vector<150x1x25x10xf32>
    %squeeze3A_28 = vector.shape_cast %slice3A_27 : vector<150x1x25x10xf32> to vector<150x25x10xf32>
    %slice3A_29 = vector.extract_strided_slice %pad3A_17 {offsets = [0, 0, 30], sizes = [300, 25, 10], strides = [1, 1, 1]} : vector<308x25x40xf32> to vector<300x25x10xf32>
    %reshape3A_30 = vector.shape_cast %slice3A_29 : vector<300x25x10xf32> to vector<150x2x25x10xf32>
    %slice3A_31 = vector.extract_strided_slice %reshape3A_30 {offsets = [0, 0, 0, 0], sizes = [150, 1, 25, 10], strides = [1, 1, 1, 1]} : vector<150x2x25x10xf32> to vector<150x1x25x10xf32>
    %squeeze3A_32 = vector.shape_cast %slice3A_31 : vector<150x1x25x10xf32> to vector<150x25x10xf32>
    %slice3A_33 = vector.extract_strided_slice %pad3A_17 {offsets = [4, 0, 0], sizes = [300, 25, 10], strides = [1, 1, 1]} : vector<308x25x40xf32> to vector<300x25x10xf32>
    %reshape3A_34 = vector.shape_cast %slice3A_33 : vector<300x25x10xf32> to vector<150x2x25x10xf32>
    %slice3A_35 = vector.extract_strided_slice %reshape3A_34 {offsets = [0, 0, 0, 0], sizes = [150, 1, 25, 10], strides = [1, 1, 1, 1]} : vector<150x2x25x10xf32> to vector<150x1x25x10xf32>
    %squeeze3A_36 = vector.shape_cast %slice3A_35 : vector<150x1x25x10xf32> to vector<150x25x10xf32>
    %slice3A_37 = vector.extract_strided_slice %pad3A_17 {offsets = [4, 0, 10], sizes = [300, 25, 10], strides = [1, 1, 1]} : vector<308x25x40xf32> to vector<300x25x10xf32>
    %reshape3A_38 = vector.shape_cast %slice3A_37 : vector<300x25x10xf32> to vector<150x2x25x10xf32>
    %slice3A_39 = vector.extract_strided_slice %reshape3A_38 {offsets = [0, 0, 0, 0], sizes = [150, 1, 25, 10], strides = [1, 1, 1, 1]} : vector<150x2x25x10xf32> to vector<150x1x25x10xf32>
    %squeeze3A_40 = vector.shape_cast %slice3A_39 : vector<150x1x25x10xf32> to vector<150x25x10xf32>
    %slice3A_41 = vector.extract_strided_slice %pad3A_17 {offsets = [4, 0, 20], sizes = [300, 25, 10], strides = [1, 1, 1]} : vector<308x25x40xf32> to vector<300x25x10xf32>
    %reshape3A_42 = vector.shape_cast %slice3A_41 : vector<300x25x10xf32> to vector<150x2x25x10xf32>
    %slice3A_43 = vector.extract_strided_slice %reshape3A_42 {offsets = [0, 0, 0, 0], sizes = [150, 1, 25, 10], strides = [1, 1, 1, 1]} : vector<150x2x25x10xf32> to vector<150x1x25x10xf32>
    %squeeze3A_44 = vector.shape_cast %slice3A_43 : vector<150x1x25x10xf32> to vector<150x25x10xf32>
    %slice3A_45 = vector.extract_strided_slice %pad3A_17 {offsets = [4, 0, 30], sizes = [300, 25, 10], strides = [1, 1, 1]} : vector<308x25x40xf32> to vector<300x25x10xf32>
    %reshape3A_46 = vector.shape_cast %slice3A_45 : vector<300x25x10xf32> to vector<150x2x25x10xf32>
    %slice3A_47 = vector.extract_strided_slice %reshape3A_46 {offsets = [0, 0, 0, 0], sizes = [150, 1, 25, 10], strides = [1, 1, 1, 1]} : vector<150x2x25x10xf32> to vector<150x1x25x10xf32>
    %squeeze3A_48 = vector.shape_cast %slice3A_47 : vector<150x1x25x10xf32> to vector<150x25x10xf32>
    %slice3A_49 = vector.extract_strided_slice %pad3A_17 {offsets = [5, 0, 0], sizes = [300, 25, 10], strides = [1, 1, 1]} : vector<308x25x40xf32> to vector<300x25x10xf32>
    %reshape3A_50 = vector.shape_cast %slice3A_49 : vector<300x25x10xf32> to vector<150x2x25x10xf32>
    %slice3A_51 = vector.extract_strided_slice %reshape3A_50 {offsets = [0, 0, 0, 0], sizes = [150, 1, 25, 10], strides = [1, 1, 1, 1]} : vector<150x2x25x10xf32> to vector<150x1x25x10xf32>
    %squeeze3A_52 = vector.shape_cast %slice3A_51 : vector<150x1x25x10xf32> to vector<150x25x10xf32>
    %slice3A_53 = vector.extract_strided_slice %pad3A_17 {offsets = [6, 0, 10], sizes = [300, 25, 10], strides = [1, 1, 1]} : vector<308x25x40xf32> to vector<300x25x10xf32>
    %reshape3A_54 = vector.shape_cast %slice3A_53 : vector<300x25x10xf32> to vector<150x2x25x10xf32>
    %slice3A_55 = vector.extract_strided_slice %reshape3A_54 {offsets = [0, 0, 0, 0], sizes = [150, 1, 25, 10], strides = [1, 1, 1, 1]} : vector<150x2x25x10xf32> to vector<150x1x25x10xf32>
    %squeeze3A_56 = vector.shape_cast %slice3A_55 : vector<150x1x25x10xf32> to vector<150x25x10xf32>
    %slice3A_57 = vector.extract_strided_slice %pad3A_17 {offsets = [7, 0, 20], sizes = [300, 25, 10], strides = [1, 1, 1]} : vector<308x25x40xf32> to vector<300x25x10xf32>
    %reshape3A_58 = vector.shape_cast %slice3A_57 : vector<300x25x10xf32> to vector<150x2x25x10xf32>
    %slice3A_59 = vector.extract_strided_slice %reshape3A_58 {offsets = [0, 0, 0, 0], sizes = [150, 1, 25, 10], strides = [1, 1, 1, 1]} : vector<150x2x25x10xf32> to vector<150x1x25x10xf32>
    %squeeze3A_60 = vector.shape_cast %slice3A_59 : vector<150x1x25x10xf32> to vector<150x25x10xf32>
    %slice3A_61 = vector.extract_strided_slice %pad3A_17 {offsets = [8, 0, 30], sizes = [300, 25, 10], strides = [1, 1, 1]} : vector<308x25x40xf32> to vector<300x25x10xf32>
    %reshape3A_62 = vector.shape_cast %slice3A_61 : vector<300x25x10xf32> to vector<150x2x25x10xf32>
    %slice3A_63 = vector.extract_strided_slice %reshape3A_62 {offsets = [0, 0, 0, 0], sizes = [150, 1, 25, 10], strides = [1, 1, 1, 1]} : vector<150x2x25x10xf32> to vector<150x1x25x10xf32>
    %squeeze3A_64 = vector.shape_cast %slice3A_63 : vector<150x1x25x10xf32> to vector<150x25x10xf32>
    %concatenate3A = tpu.concatenate %squeeze3A, %squeeze3A_24, %squeeze3A_28, %squeeze3A_32, %squeeze3A_36, %squeeze3A_40, %squeeze3A_44, %squeeze3A_48, %squeeze3A_52, %squeeze3A_56, %squeeze3A_60, %squeeze3A_64 in 2 : vector<150x25x10xf32>, vector<150x25x10xf32>, vector<150x25x10xf32>, vector<150x25x10xf32>, vector<150x25x10xf32>, vector<150x25x10xf32>, vector<150x25x10xf32>, vector<150x25x10xf32>, vector<150x25x10xf32>, vector<150x25x10xf32>, vector<150x25x10xf32>, vector<150x25x10xf32> -> vector<150x25x120xf32>
    %reshape3A_65 = vector.shape_cast %concatenate3A : vector<150x25x120xf32> to vector<3750x120xf32>
    %get3A_66 = arith.constant 0 : index
    %get3A_67 = arith.constant 0 : index
    %get3A_68 = vector.load %arg3[%get3A_66, %get3A_67] : memref<120x40xf32, #tpu.memory_space<vmem>>, vector<120x40xf32>
    %convert_element_type3A_69 = arith.truncf %reshape3A_65 : vector<3750x120xf32> to vector<3750x120xbf16>
    %convert_element_type3A_70 = arith.truncf %get3A_68 : vector<120x40xf32> to vector<120x40xbf16>
    %dot_general3A_71 = arith.constant dense<0.000000e+00> : vector<3750x40xf32>
    %dot_general3A_72 = tpu.matmul %convert_element_type3A_69, %convert_element_type3A_70, %dot_general3A_71 {dimension_numbers = #tpu.dot_dimension_numbers<[1], [0], [0], [1], [0, 0, 1, 1], [], []>, transpose_lhs_hint = false} : vector<3750x120xbf16>, vector<120x40xbf16>, vector<3750x40xf32> -> vector<3750x40xf32>
    %slice3A_73 = vector.extract_strided_slice %max3A_12 {offsets = [0, 0, 40], sizes = [300, 25, 10], strides = [1, 1, 1]} : vector<300x25x50xf32> to vector<300x25x10xf32>
    %jit3A_74 = arith.constant -1.000000e+30 : f32
    %pad3A_75 = vector.broadcast %jit3A_74 : f32 to vector<1x25x10xf32>
    %pad3A_76 = tpu.concatenate %pad3A_75, %slice3A_73 in 0 : vector<1x25x10xf32>, vector<300x25x10xf32> -> vector<301x25x10xf32>
    %pad3A_77 = vector.broadcast %jit3A_74 : f32 to vector<1x25x10xf32>
    %pad3A_78 = tpu.concatenate %pad3A_76, %pad3A_77 in 0 : vector<301x25x10xf32>, vector<1x25x10xf32> -> vector<302x25x10xf32>
    %slice3A_79 = vector.extract_strided_slice %pad3A_78 {offsets = [0, 0, 0], sizes = [300, 25, 10], strides = [1, 1, 1]} : vector<302x25x10xf32> to vector<300x25x10xf32>
    %slice3A_80 = vector.extract_strided_slice %pad3A_78 {offsets = [1, 0, 0], sizes = [300, 25, 10], strides = [1, 1, 1]} : vector<302x25x10xf32> to vector<300x25x10xf32>
    %max3A_81 = arith.maximumf %slice3A_79, %slice3A_80 : vector<300x25x10xf32>
    %slice3A_82 = vector.extract_strided_slice %pad3A_78 {offsets = [2, 0, 0], sizes = [300, 25, 10], strides = [1, 1, 1]} : vector<302x25x10xf32> to vector<300x25x10xf32>
    %max3A_83 = arith.maximumf %max3A_81, %slice3A_82 : vector<300x25x10xf32>
    %reshape3A_84 = vector.shape_cast %max3A_83 : vector<300x25x10xf32> to vector<150x2x25x10xf32>
    %slice3A_85 = vector.extract_strided_slice %reshape3A_84 {offsets = [0, 0, 0, 0], sizes = [150, 1, 25, 10], strides = [1, 1, 1, 1]} : vector<150x2x25x10xf32> to vector<150x1x25x10xf32>
    %squeeze3A_86 = vector.shape_cast %slice3A_85 : vector<150x1x25x10xf32> to vector<150x25x10xf32>
    %reshape3A_87 = vector.shape_cast %squeeze3A_86 : vector<150x25x10xf32> to vector<3750x10xf32>
    %slice3A_88 = vector.extract_strided_slice %reshape3A_10 {offsets = [0, 0, 50], sizes = [300, 25, 10], strides = [1, 1, 1]} : vector<300x25x60xf32> to vector<300x25x10xf32>
    %reshape3A_89 = vector.shape_cast %slice3A_88 : vector<300x25x10xf32> to vector<150x2x25x10xf32>
    %slice3A_90 = vector.extract_strided_slice %reshape3A_89 {offsets = [0, 0, 0, 0], sizes = [150, 1, 25, 10], strides = [1, 1, 1, 1]} : vector<150x2x25x10xf32> to vector<150x1x25x10xf32>
    %squeeze3A_91 = vector.shape_cast %slice3A_90 : vector<150x1x25x10xf32> to vector<150x25x10xf32>
    %reshape3A_92 = vector.shape_cast %squeeze3A_91 : vector<150x25x10xf32> to vector<3750x10xf32>
    %reshape3A_93 = vector.shape_cast %get3A_4 : vector<300x25x60xf32> to vector<150x2x25x60xf32>
    %slice3A_94 = vector.extract_strided_slice %reshape3A_93 {offsets = [0, 0, 0, 0], sizes = [150, 1, 25, 60], strides = [1, 1, 1, 1]} : vector<150x2x25x60xf32> to vector<150x1x25x60xf32>
    %squeeze3A_95 = vector.shape_cast %slice3A_94 : vector<150x1x25x60xf32> to vector<150x25x60xf32>
    %reshape3A_96 = vector.shape_cast %squeeze3A_95 : vector<150x25x60xf32> to vector<3750x60xf32>
    %get3A_97 = arith.constant 0 : index
    %get3A_98 = arith.constant 0 : index
    %get3A_99 = vector.load %arg4[%get3A_97, %get3A_98] : memref<60x60xf32, #tpu.memory_space<vmem>>, vector<60x60xf32>
    %convert_element_type3A_100 = arith.truncf %reshape3A_96 : vector<3750x60xf32> to vector<3750x60xbf16>
    %convert_element_type3A_101 = arith.truncf %get3A_99 : vector<60x60xf32> to vector<60x60xbf16>
    %dot_general3A_102 = arith.constant dense<0.000000e+00> : vector<3750x60xf32>
    %dot_general3A_103 = tpu.matmul %convert_element_type3A_100, %convert_element_type3A_101, %dot_general3A_102 {dimension_numbers = #tpu.dot_dimension_numbers<[1], [1], [0], [0], [0, 0, 1, 0], [], []>, transpose_lhs_hint = false} : vector<3750x60xbf16>, vector<60x60xbf16>, vector<3750x60xf32> -> vector<3750x60xf32>
    %concatenate3A_104 = tpu.concatenate %dot_general3A_72, %reshape3A_87, %reshape3A_92 in 1 : vector<3750x40xf32>, vector<3750x10xf32>, vector<3750x10xf32> -> vector<3750x60xf32>
    %add3A = arith.addf %concatenate3A_104, %dot_general3A_103 : vector<3750x60xf32>
    %max3A_105 = arith.constant 0.000000e+00 : f32
    %max3A_106 = vector.broadcast %max3A_105 : f32 to vector<3750x60xf32>
    %max3A_107 = arith.maximumf %add3A, %max3A_106 : vector<3750x60xf32>
    %reshape3A_108 = vector.shape_cast %max3A_107 : vector<3750x60xf32> to vector<150x25x60xf32>
    %swap3A = arith.constant 0 : index
    %swap3A_109 = arith.constant 0 : index
    %swap3A_110 = arith.constant 0 : index
    %swap3A_111 = arith.constant 0 : index
    %swap3A_112 = vector.load %arg5[%swap3A, %swap3A_109, %swap3A_110, %swap3A_111] : memref<1x150x25x60xf32, #tpu.memory_space<vmem>>, vector<1x150x25x60xf32>
    %swap3A_113 = vector.shape_cast %swap3A_112 : vector<1x150x25x60xf32> to vector<150x25x60xf32>
    %swap3A_114 = vector.shape_cast %reshape3A_108 : vector<150x25x60xf32> to vector<1x150x25x60xf32>
    tpu.vector_store %arg5[%swap3A, %swap3A_109, %swap3A_110, %swap3A_111], %swap3A_114 {strides = array<i32>} : memref<1x150x25x60xf32, #tpu.memory_space<vmem>>, vector<1x150x25x60xf32>,
    return
  }
  func.func @transform_0(%arg0: i32) -> (i32, i32, i32, i32) {
    %c0_i32 = arith.constant 0 : i32
    %c0_i32_0 = arith.constant 0 : i32
    %c0_i32_1 = arith.constant 0 : i32
    %c0_i32_2 = arith.constant 0 : i32
    return %arg0, %c0_i32, %c0_i32_0, %c0_i32_1 : i32, i32, i32, i32
  }
  func.func @transform_1(%arg0: i32) -> (i32, i32) {
    %c0_i32 = arith.constant 0 : i32
    %c0_i32_0 = arith.constant 0 : i32
    %c0_i32_1 = arith.constant 0 : i32
    return %c0_i32, %c0_i32_0 : i32, i32
  }
  func.func @transform_2(%arg0: i32) -> (i32, i32) {
    %c0_i32 = arith.constant 0 : i32
    %c0_i32_0 = arith.constant 0 : i32
    %c0_i32_1 = arith.constant 0 : i32
    return %c0_i32, %c0_i32_0 : i32, i32
  }
  func.func @transform_3(%arg0: i32) -> (i32, i32) {
    %c0_i32 = arith.constant 0 : i32
    %c0_i32_0 = arith.constant 0 : i32
    %c0_i32_1 = arith.constant 0 : i32
    return %c0_i32, %c0_i32_0 : i32, i32
  }
  func.func @transform_4(%arg0: i32) -> (i32, i32, i32, i32) {
    %c0_i32 = arith.constant 0 : i32
    %c0_i32_0 = arith.constant 0 : i32
    %c0_i32_1 = arith.constant 0 : i32
    %c0_i32_2 = arith.constant 0 : i32
    return %arg0, %c0_i32, %c0_i32_0, %c0_i32_1 : i32, i32, i32, i32
  }
}

module attributes {stable_mosaic.version = 14 : i64} {
  func.func @body(%arg0: i32, %arg1: memref<1x150x25x60xf32, #tpu.memory_space<vmem>>, %arg2: memref<60x60xf32, #tpu.memory_space<vmem>>, %arg3: memref<120x40xf32, #tpu.memory_space<vmem>>, %arg4: memref<1x150x25x60xf32, #tpu.memory_space<vmem>>) attributes {dimension_semantics = [#tpu.dimension_semantics<parallel>], iteration_bounds = array<i64: 64>, scalar_prefetch = 0 : i64, scratch_operands = 0 : i64, tpu.core_type = #tpu.core_type<tc>, window_params = [{transform_indices = @transform_0, window_bounds = array<i64: 1, 150, 25, 60>}, {pipeline_mode = #tpu.pipeline_mode<synchronous>, transform_indices = @transform_1, window_bounds = array<i64: 60, 60>}, {pipeline_mode = #tpu.pipeline_mode<synchronous>, transform_indices = @transform_2, window_bounds = array<i64: 120, 40>}, {transform_indices = @transform_3, window_bounds = array<i64: 1, 150, 25, 60>}]} {
    %get3A = arith.constant 0 : index
    %get3A_0 = arith.constant 0 : index
    %get3A_1 = arith.constant 0 : index
    %get3A_2 = arith.constant 0 : index
    %get3A_3 = vector.load %arg1[%get3A, %get3A_0, %get3A_1, %get3A_2] : memref<1x150x25x60xf32, #tpu.memory_space<vmem>>, vector<1x150x25x60xf32>
    %get3A_4 = vector.shape_cast %get3A_3 : vector<1x150x25x60xf32> to vector<150x25x60xf32>
    %reshape3A = vector.shape_cast %get3A_4 : vector<150x25x60xf32> to vector<3750x60xf32>
    %get3A_5 = arith.constant 0 : index
    %get3A_6 = arith.constant 0 : index
    %get3A_7 = vector.load %arg2[%get3A_5, %get3A_6] : memref<60x60xf32, #tpu.memory_space<vmem>>, vector<60x60xf32>
    %convert_element_type3A = arith.truncf %reshape3A : vector<3750x60xf32> to vector<3750x60xbf16>
    %convert_element_type3A_8 = arith.truncf %get3A_7 : vector<60x60xf32> to vector<60x60xbf16>
    %dot_general3A = arith.constant dense<0.000000e+00> : vector<3750x60xf32>
    %dot_general3A_9 = tpu.matmul %convert_element_type3A, %convert_element_type3A_8, %dot_general3A {dimension_numbers = #tpu.dot_dimension_numbers<[1], [1], [0], [0], [0, 0, 1, 0], [], []>, transpose_lhs_hint = false} : vector<3750x60xbf16>, vector<60x60xbf16>, vector<3750x60xf32> -> vector<3750x60xf32>
    %reshape3A_10 = vector.shape_cast %dot_general3A_9 : vector<3750x60xf32> to vector<150x25x60xf32>
    %slice3A = vector.extract_strided_slice %reshape3A_10 {offsets = [0, 0, 0], sizes = [150, 25, 50], strides = [1, 1, 1]} : vector<150x25x60xf32> to vector<150x25x50xf32>
    %max3A = arith.constant 0.000000e+00 : f32
    %max3A_11 = vector.broadcast %max3A : f32 to vector<150x25x50xf32>
    %max3A_12 = arith.maximumf %slice3A, %max3A_11 : vector<150x25x50xf32>
    %slice3A_13 = vector.extract_strided_slice %max3A_12 {offsets = [0, 0, 0], sizes = [150, 25, 40], strides = [1, 1, 1]} : vector<150x25x50xf32> to vector<150x25x40xf32>
    %jit3A = arith.constant 0 : i32
    %convert_element_type3A_14 = arith.sitofp %jit3A : i32 to f32
    %pad3A = vector.broadcast %convert_element_type3A_14 : f32 to vector<4x25x40xf32>
    %pad3A_15 = tpu.concatenate %pad3A, %slice3A_13 in 0 : vector<4x25x40xf32>, vector<150x25x40xf32> -> vector<154x25x40xf32>
    %pad3A_16 = vector.broadcast %convert_element_type3A_14 : f32 to vector<4x25x40xf32>
    %pad3A_17 = tpu.concatenate %pad3A_15, %pad3A_16 in 0 : vector<154x25x40xf32>, vector<4x25x40xf32> -> vector<158x25x40xf32>
    %slice3A_18 = vector.extract_strided_slice %pad3A_17 {offsets = [3, 0, 0], sizes = [150, 25, 10], strides = [1, 1, 1]} : vector<158x25x40xf32> to vector<150x25x10xf32>
    %slice3A_19 = vector.extract_strided_slice %pad3A_17 {offsets = [2, 0, 10], sizes = [150, 25, 10], strides = [1, 1, 1]} : vector<158x25x40xf32> to vector<150x25x10xf32>
    %slice3A_20 = vector.extract_strided_slice %pad3A_17 {offsets = [1, 0, 20], sizes = [150, 25, 10], strides = [1, 1, 1]} : vector<158x25x40xf32> to vector<150x25x10xf32>
    %slice3A_21 = vector.extract_strided_slice %pad3A_17 {offsets = [0, 0, 30], sizes = [150, 25, 10], strides = [1, 1, 1]} : vector<158x25x40xf32> to vector<150x25x10xf32>
    %slice3A_22 = vector.extract_strided_slice %pad3A_17 {offsets = [4, 0, 0], sizes = [150, 25, 10], strides = [1, 1, 1]} : vector<158x25x40xf32> to vector<150x25x10xf32>
    %slice3A_23 = vector.extract_strided_slice %pad3A_17 {offsets = [4, 0, 10], sizes = [150, 25, 10], strides = [1, 1, 1]} : vector<158x25x40xf32> to vector<150x25x10xf32>
    %slice3A_24 = vector.extract_strided_slice %pad3A_17 {offsets = [4, 0, 20], sizes = [150, 25, 10], strides = [1, 1, 1]} : vector<158x25x40xf32> to vector<150x25x10xf32>
    %slice3A_25 = vector.extract_strided_slice %pad3A_17 {offsets = [4, 0, 30], sizes = [150, 25, 10], strides = [1, 1, 1]} : vector<158x25x40xf32> to vector<150x25x10xf32>
    %slice3A_26 = vector.extract_strided_slice %pad3A_17 {offsets = [5, 0, 0], sizes = [150, 25, 10], strides = [1, 1, 1]} : vector<158x25x40xf32> to vector<150x25x10xf32>
    %slice3A_27 = vector.extract_strided_slice %pad3A_17 {offsets = [6, 0, 10], sizes = [150, 25, 10], strides = [1, 1, 1]} : vector<158x25x40xf32> to vector<150x25x10xf32>
    %slice3A_28 = vector.extract_strided_slice %pad3A_17 {offsets = [7, 0, 20], sizes = [150, 25, 10], strides = [1, 1, 1]} : vector<158x25x40xf32> to vector<150x25x10xf32>
    %slice3A_29 = vector.extract_strided_slice %pad3A_17 {offsets = [8, 0, 30], sizes = [150, 25, 10], strides = [1, 1, 1]} : vector<158x25x40xf32> to vector<150x25x10xf32>
    %concatenate3A = tpu.concatenate %slice3A_18, %slice3A_19, %slice3A_20, %slice3A_21, %slice3A_22, %slice3A_23, %slice3A_24, %slice3A_25, %slice3A_26, %slice3A_27, %slice3A_28, %slice3A_29 in 2 : vector<150x25x10xf32>, vector<150x25x10xf32>, vector<150x25x10xf32>, vector<150x25x10xf32>, vector<150x25x10xf32>, vector<150x25x10xf32>, vector<150x25x10xf32>, vector<150x25x10xf32>, vector<150x25x10xf32>, vector<150x25x10xf32>, vector<150x25x10xf32>, vector<150x25x10xf32> -> vector<150x25x120xf32>
    %reshape3A_30 = vector.shape_cast %concatenate3A : vector<150x25x120xf32> to vector<3750x120xf32>
    %get3A_31 = arith.constant 0 : index
    %get3A_32 = arith.constant 0 : index
    %get3A_33 = vector.load %arg3[%get3A_31, %get3A_32] : memref<120x40xf32, #tpu.memory_space<vmem>>, vector<120x40xf32>
    %convert_element_type3A_34 = arith.truncf %reshape3A_30 : vector<3750x120xf32> to vector<3750x120xbf16>
    %convert_element_type3A_35 = arith.truncf %get3A_33 : vector<120x40xf32> to vector<120x40xbf16>
    %dot_general3A_36 = arith.constant dense<0.000000e+00> : vector<3750x40xf32>
    %dot_general3A_37 = tpu.matmul %convert_element_type3A_34, %convert_element_type3A_35, %dot_general3A_36 {dimension_numbers = #tpu.dot_dimension_numbers<[1], [0], [0], [1], [0, 0, 1, 1], [], []>, transpose_lhs_hint = false} : vector<3750x120xbf16>, vector<120x40xbf16>, vector<3750x40xf32> -> vector<3750x40xf32>
    %slice3A_38 = vector.extract_strided_slice %max3A_12 {offsets = [0, 0, 40], sizes = [150, 25, 10], strides = [1, 1, 1]} : vector<150x25x50xf32> to vector<150x25x10xf32>
    %jit3A_39 = arith.constant -1.000000e+30 : f32
    %pad3A_40 = vector.broadcast %jit3A_39 : f32 to vector<1x25x10xf32>
    %pad3A_41 = tpu.concatenate %pad3A_40, %slice3A_38 in 0 : vector<1x25x10xf32>, vector<150x25x10xf32> -> vector<151x25x10xf32>
    %pad3A_42 = vector.broadcast %jit3A_39 : f32 to vector<1x25x10xf32>
    %pad3A_43 = tpu.concatenate %pad3A_41, %pad3A_42 in 0 : vector<151x25x10xf32>, vector<1x25x10xf32> -> vector<152x25x10xf32>
    %slice3A_44 = vector.extract_strided_slice %pad3A_43 {offsets = [0, 0, 0], sizes = [150, 25, 10], strides = [1, 1, 1]} : vector<152x25x10xf32> to vector<150x25x10xf32>
    %slice3A_45 = vector.extract_strided_slice %pad3A_43 {offsets = [1, 0, 0], sizes = [150, 25, 10], strides = [1, 1, 1]} : vector<152x25x10xf32> to vector<150x25x10xf32>
    %max3A_46 = arith.maximumf %slice3A_44, %slice3A_45 : vector<150x25x10xf32>
    %slice3A_47 = vector.extract_strided_slice %pad3A_43 {offsets = [2, 0, 0], sizes = [150, 25, 10], strides = [1, 1, 1]} : vector<152x25x10xf32> to vector<150x25x10xf32>
    %max3A_48 = arith.maximumf %max3A_46, %slice3A_47 : vector<150x25x10xf32>
    %reshape3A_49 = vector.shape_cast %max3A_48 : vector<150x25x10xf32> to vector<3750x10xf32>
    %slice3A_50 = vector.extract_strided_slice %reshape3A_10 {offsets = [0, 0, 50], sizes = [150, 25, 10], strides = [1, 1, 1]} : vector<150x25x60xf32> to vector<150x25x10xf32>
    %reshape3A_51 = vector.shape_cast %slice3A_50 : vector<150x25x10xf32> to vector<3750x10xf32>
    %concatenate3A_52 = tpu.concatenate %dot_general3A_37, %reshape3A_49, %reshape3A_51 in 1 : vector<3750x40xf32>, vector<3750x10xf32>, vector<3750x10xf32> -> vector<3750x60xf32>
    %add3A = arith.addf %concatenate3A_52, %reshape3A : vector<3750x60xf32>
    %reshape3A_53 = vector.shape_cast %add3A : vector<3750x60xf32> to vector<150x25x60xf32>
    %swap3A = arith.constant 0 : index
    %swap3A_54 = arith.constant 0 : index
    %swap3A_55 = arith.constant 0 : index
    %swap3A_56 = arith.constant 0 : index
    %swap3A_57 = vector.load %arg4[%swap3A, %swap3A_54, %swap3A_55, %swap3A_56] : memref<1x150x25x60xf32, #tpu.memory_space<vmem>>, vector<1x150x25x60xf32>
    %swap3A_58 = vector.shape_cast %swap3A_57 : vector<1x150x25x60xf32> to vector<150x25x60xf32>
    %swap3A_59 = vector.shape_cast %reshape3A_53 : vector<150x25x60xf32> to vector<1x150x25x60xf32>
    tpu.vector_store %arg4[%swap3A, %swap3A_54, %swap3A_55, %swap3A_56], %swap3A_59 {strides = array<i32>} : memref<1x150x25x60xf32, #tpu.memory_space<vmem>>, vector<1x150x25x60xf32>,
    return
  }
  func.func @transform_0(%arg0: i32) -> (i32, i32, i32, i32) {
    %c0_i32 = arith.constant 0 : i32
    %c0_i32_0 = arith.constant 0 : i32
    %c0_i32_1 = arith.constant 0 : i32
    %c0_i32_2 = arith.constant 0 : i32
    return %arg0, %c0_i32, %c0_i32_0, %c0_i32_1 : i32, i32, i32, i32
  }
  func.func @transform_1(%arg0: i32) -> (i32, i32) {
    %c0_i32 = arith.constant 0 : i32
    %c0_i32_0 = arith.constant 0 : i32
    %c0_i32_1 = arith.constant 0 : i32
    return %c0_i32, %c0_i32_0 : i32, i32
  }
  func.func @transform_2(%arg0: i32) -> (i32, i32) {
    %c0_i32 = arith.constant 0 : i32
    %c0_i32_0 = arith.constant 0 : i32
    %c0_i32_1 = arith.constant 0 : i32
    return %c0_i32, %c0_i32_0 : i32, i32
  }
  func.func @transform_3(%arg0: i32) -> (i32, i32, i32, i32) {
    %c0_i32 = arith.constant 0 : i32
    %c0_i32_0 = arith.constant 0 : i32
    %c0_i32_1 = arith.constant 0 : i32
    %c0_i32_2 = arith.constant 0 : i32
    return %arg0, %c0_i32, %c0_i32_0, %c0_i32_1 : i32, i32, i32, i32
  }
}

module attributes {stable_mosaic.version = 14 : i64} {
  func.func @body(%arg0: i32, %arg1: memref<1x300x25x60xf32, #tpu.memory_space<vmem>>, %arg2: memref<25x125xf32, #tpu.memory_space<vmem>>, %arg3: memref<60x360xf32, #tpu.memory_space<vmem>>, %arg4: memref<25x60x60xf32, #tpu.memory_space<vmem>>, %arg5: memref<5x60x60xf32, #tpu.memory_space<vmem>>, %arg6: memref<1x150x25x60xf32, #tpu.memory_space<vmem>>) attributes {dimension_semantics = [#tpu.dimension_semantics<parallel>], iteration_bounds = array<i64: 64>, scalar_prefetch = 0 : i64, scratch_operands = 0 : i64, tpu.core_type = #tpu.core_type<tc>, window_params = [{transform_indices = @transform_0, window_bounds = array<i64: 1, 300, 25, 60>}, {pipeline_mode = #tpu.pipeline_mode<synchronous>, transform_indices = @transform_1, window_bounds = array<i64: 25, 125>}, {pipeline_mode = #tpu.pipeline_mode<synchronous>, transform_indices = @transform_2, window_bounds = array<i64: 60, 360>}, {pipeline_mode = #tpu.pipeline_mode<synchronous>, transform_indices = @transform_3, window_bounds = array<i64: 25, 60, 60>}, {pipeline_mode = #tpu.pipeline_mode<synchronous>, transform_indices = @transform_4, window_bounds = array<i64: 5, 60, 60>}, {transform_indices = @transform_5, window_bounds = array<i64: 1, 150, 25, 60>}]} {
    %get3A = arith.constant 0 : index
    %get3A_0 = arith.constant 0 : index
    %get3A_1 = arith.constant 0 : index
    %get3A_2 = arith.constant 0 : index
    %get3A_3 = vector.load %arg1[%get3A, %get3A_0, %get3A_1, %get3A_2] : memref<1x300x25x60xf32, #tpu.memory_space<vmem>>, vector<1x300x25x60xf32>
    %get3A_4 = vector.shape_cast %get3A_3 : vector<1x300x25x60xf32> to vector<300x25x60xf32>
    %jit3A = arith.constant 0 : i32
    %convert_element_type3A = arith.sitofp %jit3A : i32 to f32
    %pad3A = vector.broadcast %convert_element_type3A : f32 to vector<2x25x60xf32>
    %pad3A_5 = tpu.concatenate %pad3A, %get3A_4 in 0 : vector<2x25x60xf32>, vector<300x25x60xf32> -> vector<302x25x60xf32>
    %pad3A_6 = vector.broadcast %convert_element_type3A : f32 to vector<2x25x60xf32>
    %pad3A_7 = tpu.concatenate %pad3A_5, %pad3A_6 in 0 : vector<302x25x60xf32>, vector<2x25x60xf32> -> vector<304x25x60xf32>
    %slice3A = vector.extract_strided_slice %pad3A_7 {offsets = [0, 0, 0], sizes = [300, 25, 60], strides = [1, 1, 1]} : vector<304x25x60xf32> to vector<300x25x60xf32>
    %reshape3A = vector.shape_cast %slice3A : vector<300x25x60xf32> to vector<150x2x25x60xf32>
    %slice3A_8 = vector.extract_strided_slice %reshape3A {offsets = [0, 0, 0, 0], sizes = [150, 1, 25, 60], strides = [1, 1, 1, 1]} : vector<150x2x25x60xf32> to vector<150x1x25x60xf32>
    %squeeze3A = vector.shape_cast %slice3A_8 : vector<150x1x25x60xf32> to vector<150x25x60xf32>
    %slice3A_9 = vector.extract_strided_slice %pad3A_7 {offsets = [1, 0, 0], sizes = [300, 25, 60], strides = [1, 1, 1]} : vector<304x25x60xf32> to vector<300x25x60xf32>
    %reshape3A_10 = vector.shape_cast %slice3A_9 : vector<300x25x60xf32> to vector<150x2x25x60xf32>
    %slice3A_11 = vector.extract_strided_slice %reshape3A_10 {offsets = [0, 0, 0, 0], sizes = [150, 1, 25, 60], strides = [1, 1, 1, 1]} : vector<150x2x25x60xf32> to vector<150x1x25x60xf32>
    %squeeze3A_12 = vector.shape_cast %slice3A_11 : vector<150x1x25x60xf32> to vector<150x25x60xf32>
    %slice3A_13 = vector.extract_strided_slice %pad3A_7 {offsets = [2, 0, 0], sizes = [300, 25, 60], strides = [1, 1, 1]} : vector<304x25x60xf32> to vector<300x25x60xf32>
    %reshape3A_14 = vector.shape_cast %slice3A_13 : vector<300x25x60xf32> to vector<150x2x25x60xf32>
    %slice3A_15 = vector.extract_strided_slice %reshape3A_14 {offsets = [0, 0, 0, 0], sizes = [150, 1, 25, 60], strides = [1, 1, 1, 1]} : vector<150x2x25x60xf32> to vector<150x1x25x60xf32>
    %squeeze3A_16 = vector.shape_cast %slice3A_15 : vector<150x1x25x60xf32> to vector<150x25x60xf32>
    %slice3A_17 = vector.extract_strided_slice %pad3A_7 {offsets = [3, 0, 0], sizes = [300, 25, 60], strides = [1, 1, 1]} : vector<304x25x60xf32> to vector<300x25x60xf32>
    %reshape3A_18 = vector.shape_cast %slice3A_17 : vector<300x25x60xf32> to vector<150x2x25x60xf32>
    %slice3A_19 = vector.extract_strided_slice %reshape3A_18 {offsets = [0, 0, 0, 0], sizes = [150, 1, 25, 60], strides = [1, 1, 1, 1]} : vector<150x2x25x60xf32> to vector<150x1x25x60xf32>
    %squeeze3A_20 = vector.shape_cast %slice3A_19 : vector<150x1x25x60xf32> to vector<150x25x60xf32>
    %slice3A_21 = vector.extract_strided_slice %pad3A_7 {offsets = [4, 0, 0], sizes = [300, 25, 60], strides = [1, 1, 1]} : vector<304x25x60xf32> to vector<300x25x60xf32>
    %reshape3A_22 = vector.shape_cast %slice3A_21 : vector<300x25x60xf32> to vector<150x2x25x60xf32>
    %slice3A_23 = vector.extract_strided_slice %reshape3A_22 {offsets = [0, 0, 0, 0], sizes = [150, 1, 25, 60], strides = [1, 1, 1, 1]} : vector<150x2x25x60xf32> to vector<150x1x25x60xf32>
    %squeeze3A_24 = vector.shape_cast %slice3A_23 : vector<150x1x25x60xf32> to vector<150x25x60xf32>
    %add3A = arith.addf %squeeze3A, %squeeze3A_12 : vector<150x25x60xf32>
    %add3A_25 = arith.addf %add3A, %squeeze3A_16 : vector<150x25x60xf32>
    %add3A_26 = arith.addf %add3A_25, %squeeze3A_20 : vector<150x25x60xf32>
    %add3A_27 = arith.addf %add3A_26, %squeeze3A_24 : vector<150x25x60xf32>
    %get3A_28 = arith.constant 0 : index
    %get3A_29 = arith.constant 0 : index
    %get3A_30 = vector.load %arg2[%get3A_28, %get3A_29] : memref<25x125xf32, #tpu.memory_space<vmem>>, vector<25x125xf32>
    %convert_element_type3A_31 = arith.truncf %add3A_27 : vector<150x25x60xf32> to vector<150x25x60xbf16>
    %convert_element_type3A_32 = arith.truncf %get3A_30 : vector<25x125xf32> to vector<25x125xbf16>
    %dot_general3A = arith.constant dense<0.000000e+00> : vector<150x60x125xf32>
    %dot_general3A_33 = tpu.matmul %convert_element_type3A_31, %convert_element_type3A_32, %dot_general3A {dimension_numbers = #tpu.dot_dimension_numbers<[1], [0], [0, 2], [1], [0, 0, 0, 2, 1, 1], [], []>, transpose_lhs_hint = false} : vector<150x25x60xbf16>, vector<25x125xbf16>, vector<150x60x125xf32> -> vector<150x60x125xf32>
    %slice3A_34 = vector.extract_strided_slice %dot_general3A_33 {offsets = [0, 0, 0], sizes = [150, 60, 25], strides = [1, 1, 1]} : vector<150x60x125xf32> to vector<150x60x25xf32>
    %get3A_35 = arith.constant 0 : index
    %get3A_36 = arith.constant 0 : index
    %get3A_37 = vector.load %arg3[%get3A_35, %get3A_36] : memref<60x360xf32, #tpu.memory_space<vmem>>, vector<60x360xf32>
    %slice3A_38 = vector.extract_strided_slice %get3A_37 {offsets = [0, 60], sizes = [60, 60], strides = [1, 1]} : vector<60x360xf32> to vector<60x60xf32>
    %convert_element_type3A_39 = arith.truncf %slice3A_34 : vector<150x60x25xf32> to vector<150x60x25xbf16>
    %convert_element_type3A_40 = arith.truncf %slice3A_38 : vector<60x60xf32> to vector<60x60xbf16>
    %dot_general3A_41 = arith.constant dense<0.000000e+00> : vector<150x25x60xf32>
    %dot_general3A_42 = tpu.matmul %convert_element_type3A_39, %convert_element_type3A_40, %dot_general3A_41 {dimension_numbers = #tpu.dot_dimension_numbers<[1], [1], [0, 2], [0], [0, 0, 0, 2, 1, 0], [], []>, transpose_lhs_hint = false} : vector<150x60x25xbf16>, vector<60x60xbf16>, vector<150x25x60xf32> -> vector<150x25x60xf32>
    %slice3A_43 = vector.extract_strided_slice %dot_general3A_33 {offsets = [0, 0, 25], sizes = [150, 60, 25], strides = [1, 1, 1]} : vector<150x60x125xf32> to vector<150x60x25xf32>
    %get3A_44 = arith.constant 0 : index
    %get3A_45 = arith.constant 0 : index
    %get3A_46 = vector.load %arg3[%get3A_44, %get3A_45] : memref<60x360xf32, #tpu.memory_space<vmem>>, vector<60x360xf32>
    %slice3A_47 = vector.extract_strided_slice %get3A_46 {offsets = [0, 120], sizes = [60, 60], strides = [1, 1]} : vector<60x360xf32> to vector<60x60xf32>
    %convert_element_type3A_48 = arith.truncf %slice3A_43 : vector<150x60x25xf32> to vector<150x60x25xbf16>
    %convert_element_type3A_49 = arith.truncf %slice3A_47 : vector<60x60xf32> to vector<60x60xbf16>
    %dot_general3A_50 = arith.constant dense<0.000000e+00> : vector<150x25x60xf32>
    %dot_general3A_51 = tpu.matmul %convert_element_type3A_48, %convert_element_type3A_49, %dot_general3A_50 {dimension_numbers = #tpu.dot_dimension_numbers<[1], [1], [0, 2], [0], [0, 0, 0, 2, 1, 0], [], []>, transpose_lhs_hint = false} : vector<150x60x25xbf16>, vector<60x60xbf16>, vector<150x25x60xf32> -> vector<150x25x60xf32>
    %add3A_52 = arith.addf %dot_general3A_42, %dot_general3A_51 : vector<150x25x60xf32>
    %slice3A_53 = vector.extract_strided_slice %dot_general3A_33 {offsets = [0, 0, 50], sizes = [150, 60, 25], strides = [1, 1, 1]} : vector<150x60x125xf32> to vector<150x60x25xf32>
    %get3A_54 = arith.constant 0 : index
    %get3A_55 = arith.constant 0 : index
    %get3A_56 = vector.load %arg3[%get3A_54, %get3A_55] : memref<60x360xf32, #tpu.memory_space<vmem>>, vector<60x360xf32>
    %slice3A_57 = vector.extract_strided_slice %get3A_56 {offsets = [0, 180], sizes = [60, 60], strides = [1, 1]} : vector<60x360xf32> to vector<60x60xf32>
    %convert_element_type3A_58 = arith.truncf %slice3A_53 : vector<150x60x25xf32> to vector<150x60x25xbf16>
    %convert_element_type3A_59 = arith.truncf %slice3A_57 : vector<60x60xf32> to vector<60x60xbf16>
    %dot_general3A_60 = arith.constant dense<0.000000e+00> : vector<150x25x60xf32>
    %dot_general3A_61 = tpu.matmul %convert_element_type3A_58, %convert_element_type3A_59, %dot_general3A_60 {dimension_numbers = #tpu.dot_dimension_numbers<[1], [1], [0, 2], [0], [0, 0, 0, 2, 1, 0], [], []>, transpose_lhs_hint = false} : vector<150x60x25xbf16>, vector<60x60xbf16>, vector<150x25x60xf32> -> vector<150x25x60xf32>
    %add3A_62 = arith.addf %add3A_52, %dot_general3A_61 : vector<150x25x60xf32>
    %slice3A_63 = vector.extract_strided_slice %dot_general3A_33 {offsets = [0, 0, 75], sizes = [150, 60, 25], strides = [1, 1, 1]} : vector<150x60x125xf32> to vector<150x60x25xf32>
    %get3A_64 = arith.constant 0 : index
    %get3A_65 = arith.constant 0 : index
    %get3A_66 = vector.load %arg3[%get3A_64, %get3A_65] : memref<60x360xf32, #tpu.memory_space<vmem>>, vector<60x360xf32>
    %slice3A_67 = vector.extract_strided_slice %get3A_66 {offsets = [0, 240], sizes = [60, 60], strides = [1, 1]} : vector<60x360xf32> to vector<60x60xf32>
    %convert_element_type3A_68 = arith.truncf %slice3A_63 : vector<150x60x25xf32> to vector<150x60x25xbf16>
    %convert_element_type3A_69 = arith.truncf %slice3A_67 : vector<60x60xf32> to vector<60x60xbf16>
    %dot_general3A_70 = arith.constant dense<0.000000e+00> : vector<150x25x60xf32>
    %dot_general3A_71 = tpu.matmul %convert_element_type3A_68, %convert_element_type3A_69, %dot_general3A_70 {dimension_numbers = #tpu.dot_dimension_numbers<[1], [1], [0, 2], [0], [0, 0, 0, 2, 1, 0], [], []>, transpose_lhs_hint = false} : vector<150x60x25xbf16>, vector<60x60xbf16>, vector<150x25x60xf32> -> vector<150x25x60xf32>
    %add3A_72 = arith.addf %add3A_62, %dot_general3A_71 : vector<150x25x60xf32>
    %slice3A_73 = vector.extract_strided_slice %dot_general3A_33 {offsets = [0, 0, 100], sizes = [150, 60, 25], strides = [1, 1, 1]} : vector<150x60x125xf32> to vector<150x60x25xf32>
    %get3A_74 = arith.constant 0 : index
    %get3A_75 = arith.constant 0 : index
    %get3A_76 = vector.load %arg3[%get3A_74, %get3A_75] : memref<60x360xf32, #tpu.memory_space<vmem>>, vector<60x360xf32>
    %slice3A_77 = vector.extract_strided_slice %get3A_76 {offsets = [0, 300], sizes = [60, 60], strides = [1, 1]} : vector<60x360xf32> to vector<60x60xf32>
    %convert_element_type3A_78 = arith.truncf %slice3A_73 : vector<150x60x25xf32> to vector<150x60x25xbf16>
    %convert_element_type3A_79 = arith.truncf %slice3A_77 : vector<60x60xf32> to vector<60x60xbf16>
    %dot_general3A_80 = arith.constant dense<0.000000e+00> : vector<150x25x60xf32>
    %dot_general3A_81 = tpu.matmul %convert_element_type3A_78, %convert_element_type3A_79, %dot_general3A_80 {dimension_numbers = #tpu.dot_dimension_numbers<[1], [1], [0, 2], [0], [0, 0, 0, 2, 1, 0], [], []>, transpose_lhs_hint = false} : vector<150x60x25xbf16>, vector<60x60xbf16>, vector<150x25x60xf32> -> vector<150x25x60xf32>
    %add3A_82 = arith.addf %add3A_72, %dot_general3A_81 : vector<150x25x60xf32>
    %broadcast_in_dim3A = vector.shape_cast %squeeze3A : vector<150x25x60xf32> to vector<150x1x25x60xf32>
    %broadcast_in_dim3A_83 = vector.shape_cast %squeeze3A_12 : vector<150x25x60xf32> to vector<150x1x25x60xf32>
    %broadcast_in_dim3A_84 = vector.shape_cast %squeeze3A_16 : vector<150x25x60xf32> to vector<150x1x25x60xf32>
    %broadcast_in_dim3A_85 = vector.shape_cast %squeeze3A_20 : vector<150x25x60xf32> to vector<150x1x25x60xf32>
    %broadcast_in_dim3A_86 = vector.shape_cast %squeeze3A_24 : vector<150x25x60xf32> to vector<150x1x25x60xf32>
    %concatenate3A = tpu.concatenate %broadcast_in_dim3A, %broadcast_in_dim3A_83, %broadcast_in_dim3A_84, %broadcast_in_dim3A_85, %broadcast_in_dim3A_86 in 1 : vector<150x1x25x60xf32>, vector<150x1x25x60xf32>, vector<150x1x25x60xf32>, vector<150x1x25x60xf32>, vector<150x1x25x60xf32> -> vector<150x5x25x60xf32>
    %slice3A_87 = vector.extract_strided_slice %concatenate3A {offsets = [0, 0, 0, 0], sizes = [150, 5, 1, 60], strides = [1, 1, 1, 1]} : vector<150x5x25x60xf32> to vector<150x5x1x60xf32>
    %squeeze3A_88 = vector.shape_cast %slice3A_87 : vector<150x5x1x60xf32> to vector<150x5x60xf32>
    %get3A_89 = arith.constant 0 : index
    %get3A_90 = arith.constant 0 : index
    %get3A_91 = arith.constant 0 : index
    %get3A_92 = vector.load %arg4[%get3A_89, %get3A_90, %get3A_91] : memref<25x60x60xf32, #tpu.memory_space<vmem>>, vector<1x60x60xf32>
    %get3A_93 = vector.shape_cast %get3A_92 : vector<1x60x60xf32> to vector<60x60xf32>
    %convert_element_type3A_94 = arith.truncf %squeeze3A_88 : vector<150x5x60xf32> to vector<150x5x60xbf16>
    %convert_element_type3A_95 = arith.truncf %get3A_93 : vector<60x60xf32> to vector<60x60xbf16>
    %dot_general3A_96 = arith.constant dense<0.000000e+00> : vector<150x5x60xf32>
    %dot_general3A_97 = tpu.matmul %convert_element_type3A_94, %convert_element_type3A_95, %dot_general3A_96 {dimension_numbers = #tpu.dot_dimension_numbers<[2], [1], [0, 1], [0], [0, 0, 0, 1, 1, 0], [], []>, transpose_lhs_hint = false} : vector<150x5x60xbf16>, vector<60x60xbf16>, vector<150x5x60xf32> -> vector<150x5x60xf32>
    %slice3A_98 = vector.extract_strided_slice %add3A_82 {offsets = [0, 0, 0], sizes = [150, 1, 60], strides = [1, 1, 1]} : vector<150x25x60xf32> to vector<150x1x60xf32>
    %squeeze3A_99 = vector.shape_cast %slice3A_98 : vector<150x1x60xf32> to vector<150x60xf32>
    %broadcast_in_dim3A_100 = vector.shape_cast %squeeze3A_99 : vector<150x60xf32> to vector<150x1x60xf32>
    %add3A_101 = vector.broadcast %broadcast_in_dim3A_100 : vector<150x1x60xf32> to vector<150x5x60xf32>
    %add3A_102 = arith.addf %dot_general3A_97, %add3A_101 : vector<150x5x60xf32>
    %max3A = arith.constant 0.000000e+00 : f32
    %max3A_103 = vector.broadcast %max3A : f32 to vector<150x5x60xf32>
    %max3A_104 = arith.maximumf %add3A_102, %max3A_103 : vector<150x5x60xf32>
    %broadcast_in_dim3A_105 = vector.shape_cast %max3A_104 : vector<150x5x60xf32> to vector<150x5x1x60xf32>
    %slice3A_106 = vector.extract_strided_slice %concatenate3A {offsets = [0, 0, 1, 0], sizes = [150, 5, 1, 60], strides = [1, 1, 1, 1]} : vector<150x5x25x60xf32> to vector<150x5x1x60xf32>
    %squeeze3A_107 = vector.shape_cast %slice3A_106 : vector<150x5x1x60xf32> to vector<150x5x60xf32>
    %get3A_108 = arith.constant 1 : index
    %get3A_109 = arith.constant 0 : index
    %get3A_110 = arith.constant 0 : index
    %get3A_111 = vector.load %arg4[%get3A_108, %get3A_109, %get3A_110] : memref<25x60x60xf32, #tpu.memory_space<vmem>>, vector<1x60x60xf32>
    %get3A_112 = vector.shape_cast %get3A_111 : vector<1x60x60xf32> to vector<60x60xf32>
    %convert_element_type3A_113 = arith.truncf %squeeze3A_107 : vector<150x5x60xf32> to vector<150x5x60xbf16>
    %convert_element_type3A_114 = arith.truncf %get3A_112 : vector<60x60xf32> to vector<60x60xbf16>
    %dot_general3A_115 = arith.constant dense<0.000000e+00> : vector<150x5x60xf32>
    %dot_general3A_116 = tpu.matmul %convert_element_type3A_113, %convert_element_type3A_114, %dot_general3A_115 {dimension_numbers = #tpu.dot_dimension_numbers<[2], [1], [0, 1], [0], [0, 0, 0, 1, 1, 0], [], []>, transpose_lhs_hint = false} : vector<150x5x60xbf16>, vector<60x60xbf16>, vector<150x5x60xf32> -> vector<150x5x60xf32>
    %slice3A_117 = vector.extract_strided_slice %add3A_82 {offsets = [0, 1, 0], sizes = [150, 1, 60], strides = [1, 1, 1]} : vector<150x25x60xf32> to vector<150x1x60xf32>
    %squeeze3A_118 = vector.shape_cast %slice3A_117 : vector<150x1x60xf32> to vector<150x60xf32>
    %broadcast_in_dim3A_119 = vector.shape_cast %squeeze3A_118 : vector<150x60xf32> to vector<150x1x60xf32>
    %add3A_120 = vector.broadcast %broadcast_in_dim3A_119 : vector<150x1x60xf32> to vector<150x5x60xf32>
    %add3A_121 = arith.addf %dot_general3A_116, %add3A_120 : vector<150x5x60xf32>
    %max3A_122 = arith.constant 0.000000e+00 : f32
    %max3A_123 = vector.broadcast %max3A_122 : f32 to vector<150x5x60xf32>
    %max3A_124 = arith.maximumf %add3A_121, %max3A_123 : vector<150x5x60xf32>
    %broadcast_in_dim3A_125 = vector.shape_cast %max3A_124 : vector<150x5x60xf32> to vector<150x5x1x60xf32>
    %slice3A_126 = vector.extract_strided_slice %concatenate3A {offsets = [0, 0, 2, 0], sizes = [150, 5, 1, 60], strides = [1, 1, 1, 1]} : vector<150x5x25x60xf32> to vector<150x5x1x60xf32>
    %squeeze3A_127 = vector.shape_cast %slice3A_126 : vector<150x5x1x60xf32> to vector<150x5x60xf32>
    %get3A_128 = arith.constant 2 : index
    %get3A_129 = arith.constant 0 : index
    %get3A_130 = arith.constant 0 : index
    %get3A_131 = vector.load %arg4[%get3A_128, %get3A_129, %get3A_130] : memref<25x60x60xf32, #tpu.memory_space<vmem>>, vector<1x60x60xf32>
    %get3A_132 = vector.shape_cast %get3A_131 : vector<1x60x60xf32> to vector<60x60xf32>
    %convert_element_type3A_133 = arith.truncf %squeeze3A_127 : vector<150x5x60xf32> to vector<150x5x60xbf16>
    %convert_element_type3A_134 = arith.truncf %get3A_132 : vector<60x60xf32> to vector<60x60xbf16>
    %dot_general3A_135 = arith.constant dense<0.000000e+00> : vector<150x5x60xf32>
    %dot_general3A_136 = tpu.matmul %convert_element_type3A_133, %convert_element_type3A_134, %dot_general3A_135 {dimension_numbers = #tpu.dot_dimension_numbers<[2], [1], [0, 1], [0], [0, 0, 0, 1, 1, 0], [], []>, transpose_lhs_hint = false} : vector<150x5x60xbf16>, vector<60x60xbf16>, vector<150x5x60xf32> -> vector<150x5x60xf32>
    %slice3A_137 = vector.extract_strided_slice %add3A_82 {offsets = [0, 2, 0], sizes = [150, 1, 60], strides = [1, 1, 1]} : vector<150x25x60xf32> to vector<150x1x60xf32>
    %squeeze3A_138 = vector.shape_cast %slice3A_137 : vector<150x1x60xf32> to vector<150x60xf32>
    %broadcast_in_dim3A_139 = vector.shape_cast %squeeze3A_138 : vector<150x60xf32> to vector<150x1x60xf32>
    %add3A_140 = vector.broadcast %broadcast_in_dim3A_139 : vector<150x1x60xf32> to vector<150x5x60xf32>
    %add3A_141 = arith.addf %dot_general3A_136, %add3A_140 : vector<150x5x60xf32>
    %max3A_142 = arith.constant 0.000000e+00 : f32
    %max3A_143 = vector.broadcast %max3A_142 : f32 to vector<150x5x60xf32>
    %max3A_144 = arith.maximumf %add3A_141, %max3A_143 : vector<150x5x60xf32>
    %broadcast_in_dim3A_145 = vector.shape_cast %max3A_144 : vector<150x5x60xf32> to vector<150x5x1x60xf32>
    %slice3A_146 = vector.extract_strided_slice %concatenate3A {offsets = [0, 0, 3, 0], sizes = [150, 5, 1, 60], strides = [1, 1, 1, 1]} : vector<150x5x25x60xf32> to vector<150x5x1x60xf32>
    %squeeze3A_147 = vector.shape_cast %slice3A_146 : vector<150x5x1x60xf32> to vector<150x5x60xf32>
    %get3A_148 = arith.constant 3 : index
    %get3A_149 = arith.constant 0 : index
    %get3A_150 = arith.constant 0 : index
    %get3A_151 = vector.load %arg4[%get3A_148, %get3A_149, %get3A_150] : memref<25x60x60xf32, #tpu.memory_space<vmem>>, vector<1x60x60xf32>
    %get3A_152 = vector.shape_cast %get3A_151 : vector<1x60x60xf32> to vector<60x60xf32>
    %convert_element_type3A_153 = arith.truncf %squeeze3A_147 : vector<150x5x60xf32> to vector<150x5x60xbf16>
    %convert_element_type3A_154 = arith.truncf %get3A_152 : vector<60x60xf32> to vector<60x60xbf16>
    %dot_general3A_155 = arith.constant dense<0.000000e+00> : vector<150x5x60xf32>
    %dot_general3A_156 = tpu.matmul %convert_element_type3A_153, %convert_element_type3A_154, %dot_general3A_155 {dimension_numbers = #tpu.dot_dimension_numbers<[2], [1], [0, 1], [0], [0, 0, 0, 1, 1, 0], [], []>, transpose_lhs_hint = false} : vector<150x5x60xbf16>, vector<60x60xbf16>, vector<150x5x60xf32> -> vector<150x5x60xf32>
    %slice3A_157 = vector.extract_strided_slice %add3A_82 {offsets = [0, 3, 0], sizes = [150, 1, 60], strides = [1, 1, 1]} : vector<150x25x60xf32> to vector<150x1x60xf32>
    %squeeze3A_158 = vector.shape_cast %slice3A_157 : vector<150x1x60xf32> to vector<150x60xf32>
    %broadcast_in_dim3A_159 = vector.shape_cast %squeeze3A_158 : vector<150x60xf32> to vector<150x1x60xf32>
    %add3A_160 = vector.broadcast %broadcast_in_dim3A_159 : vector<150x1x60xf32> to vector<150x5x60xf32>
    %add3A_161 = arith.addf %dot_general3A_156, %add3A_160 : vector<150x5x60xf32>
    %max3A_162 = arith.constant 0.000000e+00 : f32
    %max3A_163 = vector.broadcast %max3A_162 : f32 to vector<150x5x60xf32>
    %max3A_164 = arith.maximumf %add3A_161, %max3A_163 : vector<150x5x60xf32>
    %broadcast_in_dim3A_165 = vector.shape_cast %max3A_164 : vector<150x5x60xf32> to vector<150x5x1x60xf32>
    %slice3A_166 = vector.extract_strided_slice %concatenate3A {offsets = [0, 0, 4, 0], sizes = [150, 5, 1, 60], strides = [1, 1, 1, 1]} : vector<150x5x25x60xf32> to vector<150x5x1x60xf32>
    %squeeze3A_167 = vector.shape_cast %slice3A_166 : vector<150x5x1x60xf32> to vector<150x5x60xf32>
    %get3A_168 = arith.constant 4 : index
    %get3A_169 = arith.constant 0 : index
    %get3A_170 = arith.constant 0 : index
    %get3A_171 = vector.load %arg4[%get3A_168, %get3A_169, %get3A_170] : memref<25x60x60xf32, #tpu.memory_space<vmem>>, vector<1x60x60xf32>
    %get3A_172 = vector.shape_cast %get3A_171 : vector<1x60x60xf32> to vector<60x60xf32>
    %convert_element_type3A_173 = arith.truncf %squeeze3A_167 : vector<150x5x60xf32> to vector<150x5x60xbf16>
    %convert_element_type3A_174 = arith.truncf %get3A_172 : vector<60x60xf32> to vector<60x60xbf16>
    %dot_general3A_175 = arith.constant dense<0.000000e+00> : vector<150x5x60xf32>
    %dot_general3A_176 = tpu.matmul %convert_element_type3A_173, %convert_element_type3A_174, %dot_general3A_175 {dimension_numbers = #tpu.dot_dimension_numbers<[2], [1], [0, 1], [0], [0, 0, 0, 1, 1, 0], [], []>, transpose_lhs_hint = false} : vector<150x5x60xbf16>, vector<60x60xbf16>, vector<150x5x60xf32> -> vector<150x5x60xf32>
    %slice3A_177 = vector.extract_strided_slice %add3A_82 {offsets = [0, 4, 0], sizes = [150, 1, 60], strides = [1, 1, 1]} : vector<150x25x60xf32> to vector<150x1x60xf32>
    %squeeze3A_178 = vector.shape_cast %slice3A_177 : vector<150x1x60xf32> to vector<150x60xf32>
    %broadcast_in_dim3A_179 = vector.shape_cast %squeeze3A_178 : vector<150x60xf32> to vector<150x1x60xf32>
    %add3A_180 = vector.broadcast %broadcast_in_dim3A_179 : vector<150x1x60xf32> to vector<150x5x60xf32>
    %add3A_181 = arith.addf %dot_general3A_176, %add3A_180 : vector<150x5x60xf32>
    %max3A_182 = arith.constant 0.000000e+00 : f32
    %max3A_183 = vector.broadcast %max3A_182 : f32 to vector<150x5x60xf32>
    %max3A_184 = arith.maximumf %add3A_181, %max3A_183 : vector<150x5x60xf32>
    %broadcast_in_dim3A_185 = vector.shape_cast %max3A_184 : vector<150x5x60xf32> to vector<150x5x1x60xf32>
    %slice3A_186 = vector.extract_strided_slice %concatenate3A {offsets = [0, 0, 5, 0], sizes = [150, 5, 1, 60], strides = [1, 1, 1, 1]} : vector<150x5x25x60xf32> to vector<150x5x1x60xf32>
    %squeeze3A_187 = vector.shape_cast %slice3A_186 : vector<150x5x1x60xf32> to vector<150x5x60xf32>
    %get3A_188 = arith.constant 5 : index
    %get3A_189 = arith.constant 0 : index
    %get3A_190 = arith.constant 0 : index
    %get3A_191 = vector.load %arg4[%get3A_188, %get3A_189, %get3A_190] : memref<25x60x60xf32, #tpu.memory_space<vmem>>, vector<1x60x60xf32>
    %get3A_192 = vector.shape_cast %get3A_191 : vector<1x60x60xf32> to vector<60x60xf32>
    %convert_element_type3A_193 = arith.truncf %squeeze3A_187 : vector<150x5x60xf32> to vector<150x5x60xbf16>
    %convert_element_type3A_194 = arith.truncf %get3A_192 : vector<60x60xf32> to vector<60x60xbf16>
    %dot_general3A_195 = arith.constant dense<0.000000e+00> : vector<150x5x60xf32>
    %dot_general3A_196 = tpu.matmul %convert_element_type3A_193, %convert_element_type3A_194, %dot_general3A_195 {dimension_numbers = #tpu.dot_dimension_numbers<[2], [1], [0, 1], [0], [0, 0, 0, 1, 1, 0], [], []>, transpose_lhs_hint = false} : vector<150x5x60xbf16>, vector<60x60xbf16>, vector<150x5x60xf32> -> vector<150x5x60xf32>
    %slice3A_197 = vector.extract_strided_slice %add3A_82 {offsets = [0, 5, 0], sizes = [150, 1, 60], strides = [1, 1, 1]} : vector<150x25x60xf32> to vector<150x1x60xf32>
    %squeeze3A_198 = vector.shape_cast %slice3A_197 : vector<150x1x60xf32> to vector<150x60xf32>
    %broadcast_in_dim3A_199 = vector.shape_cast %squeeze3A_198 : vector<150x60xf32> to vector<150x1x60xf32>
    %add3A_200 = vector.broadcast %broadcast_in_dim3A_199 : vector<150x1x60xf32> to vector<150x5x60xf32>
    %add3A_201 = arith.addf %dot_general3A_196, %add3A_200 : vector<150x5x60xf32>
    %max3A_202 = arith.constant 0.000000e+00 : f32
    %max3A_203 = vector.broadcast %max3A_202 : f32 to vector<150x5x60xf32>
    %max3A_204 = arith.maximumf %add3A_201, %max3A_203 : vector<150x5x60xf32>
    %broadcast_in_dim3A_205 = vector.shape_cast %max3A_204 : vector<150x5x60xf32> to vector<150x5x1x60xf32>
    %slice3A_206 = vector.extract_strided_slice %concatenate3A {offsets = [0, 0, 6, 0], sizes = [150, 5, 1, 60], strides = [1, 1, 1, 1]} : vector<150x5x25x60xf32> to vector<150x5x1x60xf32>
    %squeeze3A_207 = vector.shape_cast %slice3A_206 : vector<150x5x1x60xf32> to vector<150x5x60xf32>
    %get3A_208 = arith.constant 6 : index
    %get3A_209 = arith.constant 0 : index
    %get3A_210 = arith.constant 0 : index
    %get3A_211 = vector.load %arg4[%get3A_208, %get3A_209, %get3A_210] : memref<25x60x60xf32, #tpu.memory_space<vmem>>, vector<1x60x60xf32>
    %get3A_212 = vector.shape_cast %get3A_211 : vector<1x60x60xf32> to vector<60x60xf32>
    %convert_element_type3A_213 = arith.truncf %squeeze3A_207 : vector<150x5x60xf32> to vector<150x5x60xbf16>
    %convert_element_type3A_214 = arith.truncf %get3A_212 : vector<60x60xf32> to vector<60x60xbf16>
    %dot_general3A_215 = arith.constant dense<0.000000e+00> : vector<150x5x60xf32>
    %dot_general3A_216 = tpu.matmul %convert_element_type3A_213, %convert_element_type3A_214, %dot_general3A_215 {dimension_numbers = #tpu.dot_dimension_numbers<[2], [1], [0, 1], [0], [0, 0, 0, 1, 1, 0], [], []>, transpose_lhs_hint = false} : vector<150x5x60xbf16>, vector<60x60xbf16>, vector<150x5x60xf32> -> vector<150x5x60xf32>
    %slice3A_217 = vector.extract_strided_slice %add3A_82 {offsets = [0, 6, 0], sizes = [150, 1, 60], strides = [1, 1, 1]} : vector<150x25x60xf32> to vector<150x1x60xf32>
    %squeeze3A_218 = vector.shape_cast %slice3A_217 : vector<150x1x60xf32> to vector<150x60xf32>
    %broadcast_in_dim3A_219 = vector.shape_cast %squeeze3A_218 : vector<150x60xf32> to vector<150x1x60xf32>
    %add3A_220 = vector.broadcast %broadcast_in_dim3A_219 : vector<150x1x60xf32> to vector<150x5x60xf32>
    %add3A_221 = arith.addf %dot_general3A_216, %add3A_220 : vector<150x5x60xf32>
    %max3A_222 = arith.constant 0.000000e+00 : f32
    %max3A_223 = vector.broadcast %max3A_222 : f32 to vector<150x5x60xf32>
    %max3A_224 = arith.maximumf %add3A_221, %max3A_223 : vector<150x5x60xf32>
    %broadcast_in_dim3A_225 = vector.shape_cast %max3A_224 : vector<150x5x60xf32> to vector<150x5x1x60xf32>
    %slice3A_226 = vector.extract_strided_slice %concatenate3A {offsets = [0, 0, 7, 0], sizes = [150, 5, 1, 60], strides = [1, 1, 1, 1]} : vector<150x5x25x60xf32> to vector<150x5x1x60xf32>
    %squeeze3A_227 = vector.shape_cast %slice3A_226 : vector<150x5x1x60xf32> to vector<150x5x60xf32>
    %get3A_228 = arith.constant 7 : index
    %get3A_229 = arith.constant 0 : index
    %get3A_230 = arith.constant 0 : index
    %get3A_231 = vector.load %arg4[%get3A_228, %get3A_229, %get3A_230] : memref<25x60x60xf32, #tpu.memory_space<vmem>>, vector<1x60x60xf32>
    %get3A_232 = vector.shape_cast %get3A_231 : vector<1x60x60xf32> to vector<60x60xf32>
    %convert_element_type3A_233 = arith.truncf %squeeze3A_227 : vector<150x5x60xf32> to vector<150x5x60xbf16>
    %convert_element_type3A_234 = arith.truncf %get3A_232 : vector<60x60xf32> to vector<60x60xbf16>
    %dot_general3A_235 = arith.constant dense<0.000000e+00> : vector<150x5x60xf32>
    %dot_general3A_236 = tpu.matmul %convert_element_type3A_233, %convert_element_type3A_234, %dot_general3A_235 {dimension_numbers = #tpu.dot_dimension_numbers<[2], [1], [0, 1], [0], [0, 0, 0, 1, 1, 0], [], []>, transpose_lhs_hint = false} : vector<150x5x60xbf16>, vector<60x60xbf16>, vector<150x5x60xf32> -> vector<150x5x60xf32>
    %slice3A_237 = vector.extract_strided_slice %add3A_82 {offsets = [0, 7, 0], sizes = [150, 1, 60], strides = [1, 1, 1]} : vector<150x25x60xf32> to vector<150x1x60xf32>
    %squeeze3A_238 = vector.shape_cast %slice3A_237 : vector<150x1x60xf32> to vector<150x60xf32>
    %broadcast_in_dim3A_239 = vector.shape_cast %squeeze3A_238 : vector<150x60xf32> to vector<150x1x60xf32>
    %add3A_240 = vector.broadcast %broadcast_in_dim3A_239 : vector<150x1x60xf32> to vector<150x5x60xf32>
    %add3A_241 = arith.addf %dot_general3A_236, %add3A_240 : vector<150x5x60xf32>
    %max3A_242 = arith.constant 0.000000e+00 : f32
    %max3A_243 = vector.broadcast %max3A_242 : f32 to vector<150x5x60xf32>
    %max3A_244 = arith.maximumf %add3A_241, %max3A_243 : vector<150x5x60xf32>
    %broadcast_in_dim3A_245 = vector.shape_cast %max3A_244 : vector<150x5x60xf32> to vector<150x5x1x60xf32>
    %slice3A_246 = vector.extract_strided_slice %concatenate3A {offsets = [0, 0, 8, 0], sizes = [150, 5, 1, 60], strides = [1, 1, 1, 1]} : vector<150x5x25x60xf32> to vector<150x5x1x60xf32>
    %squeeze3A_247 = vector.shape_cast %slice3A_246 : vector<150x5x1x60xf32> to vector<150x5x60xf32>
    %get3A_248 = arith.constant 8 : index
    %get3A_249 = arith.constant 0 : index
    %get3A_250 = arith.constant 0 : index
    %get3A_251 = vector.load %arg4[%get3A_248, %get3A_249, %get3A_250] : memref<25x60x60xf32, #tpu.memory_space<vmem>>, vector<1x60x60xf32>
    %get3A_252 = vector.shape_cast %get3A_251 : vector<1x60x60xf32> to vector<60x60xf32>
    %convert_element_type3A_253 = arith.truncf %squeeze3A_247 : vector<150x5x60xf32> to vector<150x5x60xbf16>
    %convert_element_type3A_254 = arith.truncf %get3A_252 : vector<60x60xf32> to vector<60x60xbf16>
    %dot_general3A_255 = arith.constant dense<0.000000e+00> : vector<150x5x60xf32>
    %dot_general3A_256 = tpu.matmul %convert_element_type3A_253, %convert_element_type3A_254, %dot_general3A_255 {dimension_numbers = #tpu.dot_dimension_numbers<[2], [1], [0, 1], [0], [0, 0, 0, 1, 1, 0], [], []>, transpose_lhs_hint = false} : vector<150x5x60xbf16>, vector<60x60xbf16>, vector<150x5x60xf32> -> vector<150x5x60xf32>
    %slice3A_257 = vector.extract_strided_slice %add3A_82 {offsets = [0, 8, 0], sizes = [150, 1, 60], strides = [1, 1, 1]} : vector<150x25x60xf32> to vector<150x1x60xf32>
    %squeeze3A_258 = vector.shape_cast %slice3A_257 : vector<150x1x60xf32> to vector<150x60xf32>
    %broadcast_in_dim3A_259 = vector.shape_cast %squeeze3A_258 : vector<150x60xf32> to vector<150x1x60xf32>
    %add3A_260 = vector.broadcast %broadcast_in_dim3A_259 : vector<150x1x60xf32> to vector<150x5x60xf32>
    %add3A_261 = arith.addf %dot_general3A_256, %add3A_260 : vector<150x5x60xf32>
    %max3A_262 = arith.constant 0.000000e+00 : f32
    %max3A_263 = vector.broadcast %max3A_262 : f32 to vector<150x5x60xf32>
    %max3A_264 = arith.maximumf %add3A_261, %max3A_263 : vector<150x5x60xf32>
    %broadcast_in_dim3A_265 = vector.shape_cast %max3A_264 : vector<150x5x60xf32> to vector<150x5x1x60xf32>
    %slice3A_266 = vector.extract_strided_slice %concatenate3A {offsets = [0, 0, 9, 0], sizes = [150, 5, 1, 60], strides = [1, 1, 1, 1]} : vector<150x5x25x60xf32> to vector<150x5x1x60xf32>
    %squeeze3A_267 = vector.shape_cast %slice3A_266 : vector<150x5x1x60xf32> to vector<150x5x60xf32>
    %get3A_268 = arith.constant 9 : index
    %get3A_269 = arith.constant 0 : index
    %get3A_270 = arith.constant 0 : index
    %get3A_271 = vector.load %arg4[%get3A_268, %get3A_269, %get3A_270] : memref<25x60x60xf32, #tpu.memory_space<vmem>>, vector<1x60x60xf32>
    %get3A_272 = vector.shape_cast %get3A_271 : vector<1x60x60xf32> to vector<60x60xf32>
    %convert_element_type3A_273 = arith.truncf %squeeze3A_267 : vector<150x5x60xf32> to vector<150x5x60xbf16>
    %convert_element_type3A_274 = arith.truncf %get3A_272 : vector<60x60xf32> to vector<60x60xbf16>
    %dot_general3A_275 = arith.constant dense<0.000000e+00> : vector<150x5x60xf32>
    %dot_general3A_276 = tpu.matmul %convert_element_type3A_273, %convert_element_type3A_274, %dot_general3A_275 {dimension_numbers = #tpu.dot_dimension_numbers<[2], [1], [0, 1], [0], [0, 0, 0, 1, 1, 0], [], []>, transpose_lhs_hint = false} : vector<150x5x60xbf16>, vector<60x60xbf16>, vector<150x5x60xf32> -> vector<150x5x60xf32>
    %slice3A_277 = vector.extract_strided_slice %add3A_82 {offsets = [0, 9, 0], sizes = [150, 1, 60], strides = [1, 1, 1]} : vector<150x25x60xf32> to vector<150x1x60xf32>
    %squeeze3A_278 = vector.shape_cast %slice3A_277 : vector<150x1x60xf32> to vector<150x60xf32>
    %broadcast_in_dim3A_279 = vector.shape_cast %squeeze3A_278 : vector<150x60xf32> to vector<150x1x60xf32>
    %add3A_280 = vector.broadcast %broadcast_in_dim3A_279 : vector<150x1x60xf32> to vector<150x5x60xf32>
    %add3A_281 = arith.addf %dot_general3A_276, %add3A_280 : vector<150x5x60xf32>
    %max3A_282 = arith.constant 0.000000e+00 : f32
    %max3A_283 = vector.broadcast %max3A_282 : f32 to vector<150x5x60xf32>
    %max3A_284 = arith.maximumf %add3A_281, %max3A_283 : vector<150x5x60xf32>
    %broadcast_in_dim3A_285 = vector.shape_cast %max3A_284 : vector<150x5x60xf32> to vector<150x5x1x60xf32>
    %slice3A_286 = vector.extract_strided_slice %concatenate3A {offsets = [0, 0, 10, 0], sizes = [150, 5, 1, 60], strides = [1, 1, 1, 1]} : vector<150x5x25x60xf32> to vector<150x5x1x60xf32>
    %squeeze3A_287 = vector.shape_cast %slice3A_286 : vector<150x5x1x60xf32> to vector<150x5x60xf32>
    %get3A_288 = arith.constant 10 : index
    %get3A_289 = arith.constant 0 : index
    %get3A_290 = arith.constant 0 : index
    %get3A_291 = vector.load %arg4[%get3A_288, %get3A_289, %get3A_290] : memref<25x60x60xf32, #tpu.memory_space<vmem>>, vector<1x60x60xf32>
    %get3A_292 = vector.shape_cast %get3A_291 : vector<1x60x60xf32> to vector<60x60xf32>
    %convert_element_type3A_293 = arith.truncf %squeeze3A_287 : vector<150x5x60xf32> to vector<150x5x60xbf16>
    %convert_element_type3A_294 = arith.truncf %get3A_292 : vector<60x60xf32> to vector<60x60xbf16>
    %dot_general3A_295 = arith.constant dense<0.000000e+00> : vector<150x5x60xf32>
    %dot_general3A_296 = tpu.matmul %convert_element_type3A_293, %convert_element_type3A_294, %dot_general3A_295 {dimension_numbers = #tpu.dot_dimension_numbers<[2], [1], [0, 1], [0], [0, 0, 0, 1, 1, 0], [], []>, transpose_lhs_hint = false} : vector<150x5x60xbf16>, vector<60x60xbf16>, vector<150x5x60xf32> -> vector<150x5x60xf32>
    %slice3A_297 = vector.extract_strided_slice %add3A_82 {offsets = [0, 10, 0], sizes = [150, 1, 60], strides = [1, 1, 1]} : vector<150x25x60xf32> to vector<150x1x60xf32>
    %squeeze3A_298 = vector.shape_cast %slice3A_297 : vector<150x1x60xf32> to vector<150x60xf32>
    %broadcast_in_dim3A_299 = vector.shape_cast %squeeze3A_298 : vector<150x60xf32> to vector<150x1x60xf32>
    %add3A_300 = vector.broadcast %broadcast_in_dim3A_299 : vector<150x1x60xf32> to vector<150x5x60xf32>
    %add3A_301 = arith.addf %dot_general3A_296, %add3A_300 : vector<150x5x60xf32>
    %max3A_302 = arith.constant 0.000000e+00 : f32
    %max3A_303 = vector.broadcast %max3A_302 : f32 to vector<150x5x60xf32>
    %max3A_304 = arith.maximumf %add3A_301, %max3A_303 : vector<150x5x60xf32>
    %broadcast_in_dim3A_305 = vector.shape_cast %max3A_304 : vector<150x5x60xf32> to vector<150x5x1x60xf32>
    %slice3A_306 = vector.extract_strided_slice %concatenate3A {offsets = [0, 0, 11, 0], sizes = [150, 5, 1, 60], strides = [1, 1, 1, 1]} : vector<150x5x25x60xf32> to vector<150x5x1x60xf32>
    %squeeze3A_307 = vector.shape_cast %slice3A_306 : vector<150x5x1x60xf32> to vector<150x5x60xf32>
    %get3A_308 = arith.constant 11 : index
    %get3A_309 = arith.constant 0 : index
    %get3A_310 = arith.constant 0 : index
    %get3A_311 = vector.load %arg4[%get3A_308, %get3A_309, %get3A_310] : memref<25x60x60xf32, #tpu.memory_space<vmem>>, vector<1x60x60xf32>
    %get3A_312 = vector.shape_cast %get3A_311 : vector<1x60x60xf32> to vector<60x60xf32>
    %convert_element_type3A_313 = arith.truncf %squeeze3A_307 : vector<150x5x60xf32> to vector<150x5x60xbf16>
    %convert_element_type3A_314 = arith.truncf %get3A_312 : vector<60x60xf32> to vector<60x60xbf16>
    %dot_general3A_315 = arith.constant dense<0.000000e+00> : vector<150x5x60xf32>
    %dot_general3A_316 = tpu.matmul %convert_element_type3A_313, %convert_element_type3A_314, %dot_general3A_315 {dimension_numbers = #tpu.dot_dimension_numbers<[2], [1], [0, 1], [0], [0, 0, 0, 1, 1, 0], [], []>, transpose_lhs_hint = false} : vector<150x5x60xbf16>, vector<60x60xbf16>, vector<150x5x60xf32> -> vector<150x5x60xf32>
    %slice3A_317 = vector.extract_strided_slice %add3A_82 {offsets = [0, 11, 0], sizes = [150, 1, 60], strides = [1, 1, 1]} : vector<150x25x60xf32> to vector<150x1x60xf32>
    %squeeze3A_318 = vector.shape_cast %slice3A_317 : vector<150x1x60xf32> to vector<150x60xf32>
    %broadcast_in_dim3A_319 = vector.shape_cast %squeeze3A_318 : vector<150x60xf32> to vector<150x1x60xf32>
    %add3A_320 = vector.broadcast %broadcast_in_dim3A_319 : vector<150x1x60xf32> to vector<150x5x60xf32>
    %add3A_321 = arith.addf %dot_general3A_316, %add3A_320 : vector<150x5x60xf32>
    %max3A_322 = arith.constant 0.000000e+00 : f32
    %max3A_323 = vector.broadcast %max3A_322 : f32 to vector<150x5x60xf32>
    %max3A_324 = arith.maximumf %add3A_321, %max3A_323 : vector<150x5x60xf32>
    %broadcast_in_dim3A_325 = vector.shape_cast %max3A_324 : vector<150x5x60xf32> to vector<150x5x1x60xf32>
    %slice3A_326 = vector.extract_strided_slice %concatenate3A {offsets = [0, 0, 12, 0], sizes = [150, 5, 1, 60], strides = [1, 1, 1, 1]} : vector<150x5x25x60xf32> to vector<150x5x1x60xf32>
    %squeeze3A_327 = vector.shape_cast %slice3A_326 : vector<150x5x1x60xf32> to vector<150x5x60xf32>
    %get3A_328 = arith.constant 12 : index
    %get3A_329 = arith.constant 0 : index
    %get3A_330 = arith.constant 0 : index
    %get3A_331 = vector.load %arg4[%get3A_328, %get3A_329, %get3A_330] : memref<25x60x60xf32, #tpu.memory_space<vmem>>, vector<1x60x60xf32>
    %get3A_332 = vector.shape_cast %get3A_331 : vector<1x60x60xf32> to vector<60x60xf32>
    %convert_element_type3A_333 = arith.truncf %squeeze3A_327 : vector<150x5x60xf32> to vector<150x5x60xbf16>
    %convert_element_type3A_334 = arith.truncf %get3A_332 : vector<60x60xf32> to vector<60x60xbf16>
    %dot_general3A_335 = arith.constant dense<0.000000e+00> : vector<150x5x60xf32>
    %dot_general3A_336 = tpu.matmul %convert_element_type3A_333, %convert_element_type3A_334, %dot_general3A_335 {dimension_numbers = #tpu.dot_dimension_numbers<[2], [1], [0, 1], [0], [0, 0, 0, 1, 1, 0], [], []>, transpose_lhs_hint = false} : vector<150x5x60xbf16>, vector<60x60xbf16>, vector<150x5x60xf32> -> vector<150x5x60xf32>
    %slice3A_337 = vector.extract_strided_slice %add3A_82 {offsets = [0, 12, 0], sizes = [150, 1, 60], strides = [1, 1, 1]} : vector<150x25x60xf32> to vector<150x1x60xf32>
    %squeeze3A_338 = vector.shape_cast %slice3A_337 : vector<150x1x60xf32> to vector<150x60xf32>
    %broadcast_in_dim3A_339 = vector.shape_cast %squeeze3A_338 : vector<150x60xf32> to vector<150x1x60xf32>
    %add3A_340 = vector.broadcast %broadcast_in_dim3A_339 : vector<150x1x60xf32> to vector<150x5x60xf32>
    %add3A_341 = arith.addf %dot_general3A_336, %add3A_340 : vector<150x5x60xf32>
    %max3A_342 = arith.constant 0.000000e+00 : f32
    %max3A_343 = vector.broadcast %max3A_342 : f32 to vector<150x5x60xf32>
    %max3A_344 = arith.maximumf %add3A_341, %max3A_343 : vector<150x5x60xf32>
    %broadcast_in_dim3A_345 = vector.shape_cast %max3A_344 : vector<150x5x60xf32> to vector<150x5x1x60xf32>
    %slice3A_346 = vector.extract_strided_slice %concatenate3A {offsets = [0, 0, 13, 0], sizes = [150, 5, 1, 60], strides = [1, 1, 1, 1]} : vector<150x5x25x60xf32> to vector<150x5x1x60xf32>
    %squeeze3A_347 = vector.shape_cast %slice3A_346 : vector<150x5x1x60xf32> to vector<150x5x60xf32>
    %get3A_348 = arith.constant 13 : index
    %get3A_349 = arith.constant 0 : index
    %get3A_350 = arith.constant 0 : index
    %get3A_351 = vector.load %arg4[%get3A_348, %get3A_349, %get3A_350] : memref<25x60x60xf32, #tpu.memory_space<vmem>>, vector<1x60x60xf32>
    %get3A_352 = vector.shape_cast %get3A_351 : vector<1x60x60xf32> to vector<60x60xf32>
    %convert_element_type3A_353 = arith.truncf %squeeze3A_347 : vector<150x5x60xf32> to vector<150x5x60xbf16>
    %convert_element_type3A_354 = arith.truncf %get3A_352 : vector<60x60xf32> to vector<60x60xbf16>
    %dot_general3A_355 = arith.constant dense<0.000000e+00> : vector<150x5x60xf32>
    %dot_general3A_356 = tpu.matmul %convert_element_type3A_353, %convert_element_type3A_354, %dot_general3A_355 {dimension_numbers = #tpu.dot_dimension_numbers<[2], [1], [0, 1], [0], [0, 0, 0, 1, 1, 0], [], []>, transpose_lhs_hint = false} : vector<150x5x60xbf16>, vector<60x60xbf16>, vector<150x5x60xf32> -> vector<150x5x60xf32>
    %slice3A_357 = vector.extract_strided_slice %add3A_82 {offsets = [0, 13, 0], sizes = [150, 1, 60], strides = [1, 1, 1]} : vector<150x25x60xf32> to vector<150x1x60xf32>
    %squeeze3A_358 = vector.shape_cast %slice3A_357 : vector<150x1x60xf32> to vector<150x60xf32>
    %broadcast_in_dim3A_359 = vector.shape_cast %squeeze3A_358 : vector<150x60xf32> to vector<150x1x60xf32>
    %add3A_360 = vector.broadcast %broadcast_in_dim3A_359 : vector<150x1x60xf32> to vector<150x5x60xf32>
    %add3A_361 = arith.addf %dot_general3A_356, %add3A_360 : vector<150x5x60xf32>
    %max3A_362 = arith.constant 0.000000e+00 : f32
    %max3A_363 = vector.broadcast %max3A_362 : f32 to vector<150x5x60xf32>
    %max3A_364 = arith.maximumf %add3A_361, %max3A_363 : vector<150x5x60xf32>
    %broadcast_in_dim3A_365 = vector.shape_cast %max3A_364 : vector<150x5x60xf32> to vector<150x5x1x60xf32>
    %slice3A_366 = vector.extract_strided_slice %concatenate3A {offsets = [0, 0, 14, 0], sizes = [150, 5, 1, 60], strides = [1, 1, 1, 1]} : vector<150x5x25x60xf32> to vector<150x5x1x60xf32>
    %squeeze3A_367 = vector.shape_cast %slice3A_366 : vector<150x5x1x60xf32> to vector<150x5x60xf32>
    %get3A_368 = arith.constant 14 : index
    %get3A_369 = arith.constant 0 : index
    %get3A_370 = arith.constant 0 : index
    %get3A_371 = vector.load %arg4[%get3A_368, %get3A_369, %get3A_370] : memref<25x60x60xf32, #tpu.memory_space<vmem>>, vector<1x60x60xf32>
    %get3A_372 = vector.shape_cast %get3A_371 : vector<1x60x60xf32> to vector<60x60xf32>
    %convert_element_type3A_373 = arith.truncf %squeeze3A_367 : vector<150x5x60xf32> to vector<150x5x60xbf16>
    %convert_element_type3A_374 = arith.truncf %get3A_372 : vector<60x60xf32> to vector<60x60xbf16>
    %dot_general3A_375 = arith.constant dense<0.000000e+00> : vector<150x5x60xf32>
    %dot_general3A_376 = tpu.matmul %convert_element_type3A_373, %convert_element_type3A_374, %dot_general3A_375 {dimension_numbers = #tpu.dot_dimension_numbers<[2], [1], [0, 1], [0], [0, 0, 0, 1, 1, 0], [], []>, transpose_lhs_hint = false} : vector<150x5x60xbf16>, vector<60x60xbf16>, vector<150x5x60xf32> -> vector<150x5x60xf32>
    %slice3A_377 = vector.extract_strided_slice %add3A_82 {offsets = [0, 14, 0], sizes = [150, 1, 60], strides = [1, 1, 1]} : vector<150x25x60xf32> to vector<150x1x60xf32>
    %squeeze3A_378 = vector.shape_cast %slice3A_377 : vector<150x1x60xf32> to vector<150x60xf32>
    %broadcast_in_dim3A_379 = vector.shape_cast %squeeze3A_378 : vector<150x60xf32> to vector<150x1x60xf32>
    %add3A_380 = vector.broadcast %broadcast_in_dim3A_379 : vector<150x1x60xf32> to vector<150x5x60xf32>
    %add3A_381 = arith.addf %dot_general3A_376, %add3A_380 : vector<150x5x60xf32>
    %max3A_382 = arith.constant 0.000000e+00 : f32
    %max3A_383 = vector.broadcast %max3A_382 : f32 to vector<150x5x60xf32>
    %max3A_384 = arith.maximumf %add3A_381, %max3A_383 : vector<150x5x60xf32>
    %broadcast_in_dim3A_385 = vector.shape_cast %max3A_384 : vector<150x5x60xf32> to vector<150x5x1x60xf32>
    %slice3A_386 = vector.extract_strided_slice %concatenate3A {offsets = [0, 0, 15, 0], sizes = [150, 5, 1, 60], strides = [1, 1, 1, 1]} : vector<150x5x25x60xf32> to vector<150x5x1x60xf32>
    %squeeze3A_387 = vector.shape_cast %slice3A_386 : vector<150x5x1x60xf32> to vector<150x5x60xf32>
    %get3A_388 = arith.constant 15 : index
    %get3A_389 = arith.constant 0 : index
    %get3A_390 = arith.constant 0 : index
    %get3A_391 = vector.load %arg4[%get3A_388, %get3A_389, %get3A_390] : memref<25x60x60xf32, #tpu.memory_space<vmem>>, vector<1x60x60xf32>
    %get3A_392 = vector.shape_cast %get3A_391 : vector<1x60x60xf32> to vector<60x60xf32>
    %convert_element_type3A_393 = arith.truncf %squeeze3A_387 : vector<150x5x60xf32> to vector<150x5x60xbf16>
    %convert_element_type3A_394 = arith.truncf %get3A_392 : vector<60x60xf32> to vector<60x60xbf16>
    %dot_general3A_395 = arith.constant dense<0.000000e+00> : vector<150x5x60xf32>
    %dot_general3A_396 = tpu.matmul %convert_element_type3A_393, %convert_element_type3A_394, %dot_general3A_395 {dimension_numbers = #tpu.dot_dimension_numbers<[2], [1], [0, 1], [0], [0, 0, 0, 1, 1, 0], [], []>, transpose_lhs_hint = false} : vector<150x5x60xbf16>, vector<60x60xbf16>, vector<150x5x60xf32> -> vector<150x5x60xf32>
    %slice3A_397 = vector.extract_strided_slice %add3A_82 {offsets = [0, 15, 0], sizes = [150, 1, 60], strides = [1, 1, 1]} : vector<150x25x60xf32> to vector<150x1x60xf32>
    %squeeze3A_398 = vector.shape_cast %slice3A_397 : vector<150x1x60xf32> to vector<150x60xf32>
    %broadcast_in_dim3A_399 = vector.shape_cast %squeeze3A_398 : vector<150x60xf32> to vector<150x1x60xf32>
    %add3A_400 = vector.broadcast %broadcast_in_dim3A_399 : vector<150x1x60xf32> to vector<150x5x60xf32>
    %add3A_401 = arith.addf %dot_general3A_396, %add3A_400 : vector<150x5x60xf32>
    %max3A_402 = arith.constant 0.000000e+00 : f32
    %max3A_403 = vector.broadcast %max3A_402 : f32 to vector<150x5x60xf32>
    %max3A_404 = arith.maximumf %add3A_401, %max3A_403 : vector<150x5x60xf32>
    %broadcast_in_dim3A_405 = vector.shape_cast %max3A_404 : vector<150x5x60xf32> to vector<150x5x1x60xf32>
    %slice3A_406 = vector.extract_strided_slice %concatenate3A {offsets = [0, 0, 16, 0], sizes = [150, 5, 1, 60], strides = [1, 1, 1, 1]} : vector<150x5x25x60xf32> to vector<150x5x1x60xf32>
    %squeeze3A_407 = vector.shape_cast %slice3A_406 : vector<150x5x1x60xf32> to vector<150x5x60xf32>
    %get3A_408 = arith.constant 16 : index
    %get3A_409 = arith.constant 0 : index
    %get3A_410 = arith.constant 0 : index
    %get3A_411 = vector.load %arg4[%get3A_408, %get3A_409, %get3A_410] : memref<25x60x60xf32, #tpu.memory_space<vmem>>, vector<1x60x60xf32>
    %get3A_412 = vector.shape_cast %get3A_411 : vector<1x60x60xf32> to vector<60x60xf32>
    %convert_element_type3A_413 = arith.truncf %squeeze3A_407 : vector<150x5x60xf32> to vector<150x5x60xbf16>
    %convert_element_type3A_414 = arith.truncf %get3A_412 : vector<60x60xf32> to vector<60x60xbf16>
    %dot_general3A_415 = arith.constant dense<0.000000e+00> : vector<150x5x60xf32>
    %dot_general3A_416 = tpu.matmul %convert_element_type3A_413, %convert_element_type3A_414, %dot_general3A_415 {dimension_numbers = #tpu.dot_dimension_numbers<[2], [1], [0, 1], [0], [0, 0, 0, 1, 1, 0], [], []>, transpose_lhs_hint = false} : vector<150x5x60xbf16>, vector<60x60xbf16>, vector<150x5x60xf32> -> vector<150x5x60xf32>
    %slice3A_417 = vector.extract_strided_slice %add3A_82 {offsets = [0, 16, 0], sizes = [150, 1, 60], strides = [1, 1, 1]} : vector<150x25x60xf32> to vector<150x1x60xf32>
    %squeeze3A_418 = vector.shape_cast %slice3A_417 : vector<150x1x60xf32> to vector<150x60xf32>
    %broadcast_in_dim3A_419 = vector.shape_cast %squeeze3A_418 : vector<150x60xf32> to vector<150x1x60xf32>
    %add3A_420 = vector.broadcast %broadcast_in_dim3A_419 : vector<150x1x60xf32> to vector<150x5x60xf32>
    %add3A_421 = arith.addf %dot_general3A_416, %add3A_420 : vector<150x5x60xf32>
    %max3A_422 = arith.constant 0.000000e+00 : f32
    %max3A_423 = vector.broadcast %max3A_422 : f32 to vector<150x5x60xf32>
    %max3A_424 = arith.maximumf %add3A_421, %max3A_423 : vector<150x5x60xf32>
    %broadcast_in_dim3A_425 = vector.shape_cast %max3A_424 : vector<150x5x60xf32> to vector<150x5x1x60xf32>
    %slice3A_426 = vector.extract_strided_slice %concatenate3A {offsets = [0, 0, 17, 0], sizes = [150, 5, 1, 60], strides = [1, 1, 1, 1]} : vector<150x5x25x60xf32> to vector<150x5x1x60xf32>
    %squeeze3A_427 = vector.shape_cast %slice3A_426 : vector<150x5x1x60xf32> to vector<150x5x60xf32>
    %get3A_428 = arith.constant 17 : index
    %get3A_429 = arith.constant 0 : index
    %get3A_430 = arith.constant 0 : index
    %get3A_431 = vector.load %arg4[%get3A_428, %get3A_429, %get3A_430] : memref<25x60x60xf32, #tpu.memory_space<vmem>>, vector<1x60x60xf32>
    %get3A_432 = vector.shape_cast %get3A_431 : vector<1x60x60xf32> to vector<60x60xf32>
    %convert_element_type3A_433 = arith.truncf %squeeze3A_427 : vector<150x5x60xf32> to vector<150x5x60xbf16>
    %convert_element_type3A_434 = arith.truncf %get3A_432 : vector<60x60xf32> to vector<60x60xbf16>
    %dot_general3A_435 = arith.constant dense<0.000000e+00> : vector<150x5x60xf32>
    %dot_general3A_436 = tpu.matmul %convert_element_type3A_433, %convert_element_type3A_434, %dot_general3A_435 {dimension_numbers = #tpu.dot_dimension_numbers<[2], [1], [0, 1], [0], [0, 0, 0, 1, 1, 0], [], []>, transpose_lhs_hint = false} : vector<150x5x60xbf16>, vector<60x60xbf16>, vector<150x5x60xf32> -> vector<150x5x60xf32>
    %slice3A_437 = vector.extract_strided_slice %add3A_82 {offsets = [0, 17, 0], sizes = [150, 1, 60], strides = [1, 1, 1]} : vector<150x25x60xf32> to vector<150x1x60xf32>
    %squeeze3A_438 = vector.shape_cast %slice3A_437 : vector<150x1x60xf32> to vector<150x60xf32>
    %broadcast_in_dim3A_439 = vector.shape_cast %squeeze3A_438 : vector<150x60xf32> to vector<150x1x60xf32>
    %add3A_440 = vector.broadcast %broadcast_in_dim3A_439 : vector<150x1x60xf32> to vector<150x5x60xf32>
    %add3A_441 = arith.addf %dot_general3A_436, %add3A_440 : vector<150x5x60xf32>
    %max3A_442 = arith.constant 0.000000e+00 : f32
    %max3A_443 = vector.broadcast %max3A_442 : f32 to vector<150x5x60xf32>
    %max3A_444 = arith.maximumf %add3A_441, %max3A_443 : vector<150x5x60xf32>
    %broadcast_in_dim3A_445 = vector.shape_cast %max3A_444 : vector<150x5x60xf32> to vector<150x5x1x60xf32>
    %slice3A_446 = vector.extract_strided_slice %concatenate3A {offsets = [0, 0, 18, 0], sizes = [150, 5, 1, 60], strides = [1, 1, 1, 1]} : vector<150x5x25x60xf32> to vector<150x5x1x60xf32>
    %squeeze3A_447 = vector.shape_cast %slice3A_446 : vector<150x5x1x60xf32> to vector<150x5x60xf32>
    %get3A_448 = arith.constant 18 : index
    %get3A_449 = arith.constant 0 : index
    %get3A_450 = arith.constant 0 : index
    %get3A_451 = vector.load %arg4[%get3A_448, %get3A_449, %get3A_450] : memref<25x60x60xf32, #tpu.memory_space<vmem>>, vector<1x60x60xf32>
    %get3A_452 = vector.shape_cast %get3A_451 : vector<1x60x60xf32> to vector<60x60xf32>
    %convert_element_type3A_453 = arith.truncf %squeeze3A_447 : vector<150x5x60xf32> to vector<150x5x60xbf16>
    %convert_element_type3A_454 = arith.truncf %get3A_452 : vector<60x60xf32> to vector<60x60xbf16>
    %dot_general3A_455 = arith.constant dense<0.000000e+00> : vector<150x5x60xf32>
    %dot_general3A_456 = tpu.matmul %convert_element_type3A_453, %convert_element_type3A_454, %dot_general3A_455 {dimension_numbers = #tpu.dot_dimension_numbers<[2], [1], [0, 1], [0], [0, 0, 0, 1, 1, 0], [], []>, transpose_lhs_hint = false} : vector<150x5x60xbf16>, vector<60x60xbf16>, vector<150x5x60xf32> -> vector<150x5x60xf32>
    %slice3A_457 = vector.extract_strided_slice %add3A_82 {offsets = [0, 18, 0], sizes = [150, 1, 60], strides = [1, 1, 1]} : vector<150x25x60xf32> to vector<150x1x60xf32>
    %squeeze3A_458 = vector.shape_cast %slice3A_457 : vector<150x1x60xf32> to vector<150x60xf32>
    %broadcast_in_dim3A_459 = vector.shape_cast %squeeze3A_458 : vector<150x60xf32> to vector<150x1x60xf32>
    %add3A_460 = vector.broadcast %broadcast_in_dim3A_459 : vector<150x1x60xf32> to vector<150x5x60xf32>
    %add3A_461 = arith.addf %dot_general3A_456, %add3A_460 : vector<150x5x60xf32>
    %max3A_462 = arith.constant 0.000000e+00 : f32
    %max3A_463 = vector.broadcast %max3A_462 : f32 to vector<150x5x60xf32>
    %max3A_464 = arith.maximumf %add3A_461, %max3A_463 : vector<150x5x60xf32>
    %broadcast_in_dim3A_465 = vector.shape_cast %max3A_464 : vector<150x5x60xf32> to vector<150x5x1x60xf32>
    %slice3A_466 = vector.extract_strided_slice %concatenate3A {offsets = [0, 0, 19, 0], sizes = [150, 5, 1, 60], strides = [1, 1, 1, 1]} : vector<150x5x25x60xf32> to vector<150x5x1x60xf32>
    %squeeze3A_467 = vector.shape_cast %slice3A_466 : vector<150x5x1x60xf32> to vector<150x5x60xf32>
    %get3A_468 = arith.constant 19 : index
    %get3A_469 = arith.constant 0 : index
    %get3A_470 = arith.constant 0 : index
    %get3A_471 = vector.load %arg4[%get3A_468, %get3A_469, %get3A_470] : memref<25x60x60xf32, #tpu.memory_space<vmem>>, vector<1x60x60xf32>
    %get3A_472 = vector.shape_cast %get3A_471 : vector<1x60x60xf32> to vector<60x60xf32>
    %convert_element_type3A_473 = arith.truncf %squeeze3A_467 : vector<150x5x60xf32> to vector<150x5x60xbf16>
    %convert_element_type3A_474 = arith.truncf %get3A_472 : vector<60x60xf32> to vector<60x60xbf16>
    %dot_general3A_475 = arith.constant dense<0.000000e+00> : vector<150x5x60xf32>
    %dot_general3A_476 = tpu.matmul %convert_element_type3A_473, %convert_element_type3A_474, %dot_general3A_475 {dimension_numbers = #tpu.dot_dimension_numbers<[2], [1], [0, 1], [0], [0, 0, 0, 1, 1, 0], [], []>, transpose_lhs_hint = false} : vector<150x5x60xbf16>, vector<60x60xbf16>, vector<150x5x60xf32> -> vector<150x5x60xf32>
    %slice3A_477 = vector.extract_strided_slice %add3A_82 {offsets = [0, 19, 0], sizes = [150, 1, 60], strides = [1, 1, 1]} : vector<150x25x60xf32> to vector<150x1x60xf32>
    %squeeze3A_478 = vector.shape_cast %slice3A_477 : vector<150x1x60xf32> to vector<150x60xf32>
    %broadcast_in_dim3A_479 = vector.shape_cast %squeeze3A_478 : vector<150x60xf32> to vector<150x1x60xf32>
    %add3A_480 = vector.broadcast %broadcast_in_dim3A_479 : vector<150x1x60xf32> to vector<150x5x60xf32>
    %add3A_481 = arith.addf %dot_general3A_476, %add3A_480 : vector<150x5x60xf32>
    %max3A_482 = arith.constant 0.000000e+00 : f32
    %max3A_483 = vector.broadcast %max3A_482 : f32 to vector<150x5x60xf32>
    %max3A_484 = arith.maximumf %add3A_481, %max3A_483 : vector<150x5x60xf32>
    %broadcast_in_dim3A_485 = vector.shape_cast %max3A_484 : vector<150x5x60xf32> to vector<150x5x1x60xf32>
    %slice3A_486 = vector.extract_strided_slice %concatenate3A {offsets = [0, 0, 20, 0], sizes = [150, 5, 1, 60], strides = [1, 1, 1, 1]} : vector<150x5x25x60xf32> to vector<150x5x1x60xf32>
    %squeeze3A_487 = vector.shape_cast %slice3A_486 : vector<150x5x1x60xf32> to vector<150x5x60xf32>
    %get3A_488 = arith.constant 20 : index
    %get3A_489 = arith.constant 0 : index
    %get3A_490 = arith.constant 0 : index
    %get3A_491 = vector.load %arg4[%get3A_488, %get3A_489, %get3A_490] : memref<25x60x60xf32, #tpu.memory_space<vmem>>, vector<1x60x60xf32>
    %get3A_492 = vector.shape_cast %get3A_491 : vector<1x60x60xf32> to vector<60x60xf32>
    %convert_element_type3A_493 = arith.truncf %squeeze3A_487 : vector<150x5x60xf32> to vector<150x5x60xbf16>
    %convert_element_type3A_494 = arith.truncf %get3A_492 : vector<60x60xf32> to vector<60x60xbf16>
    %dot_general3A_495 = arith.constant dense<0.000000e+00> : vector<150x5x60xf32>
    %dot_general3A_496 = tpu.matmul %convert_element_type3A_493, %convert_element_type3A_494, %dot_general3A_495 {dimension_numbers = #tpu.dot_dimension_numbers<[2], [1], [0, 1], [0], [0, 0, 0, 1, 1, 0], [], []>, transpose_lhs_hint = false} : vector<150x5x60xbf16>, vector<60x60xbf16>, vector<150x5x60xf32> -> vector<150x5x60xf32>
    %slice3A_497 = vector.extract_strided_slice %add3A_82 {offsets = [0, 20, 0], sizes = [150, 1, 60], strides = [1, 1, 1]} : vector<150x25x60xf32> to vector<150x1x60xf32>
    %squeeze3A_498 = vector.shape_cast %slice3A_497 : vector<150x1x60xf32> to vector<150x60xf32>
    %broadcast_in_dim3A_499 = vector.shape_cast %squeeze3A_498 : vector<150x60xf32> to vector<150x1x60xf32>
    %add3A_500 = vector.broadcast %broadcast_in_dim3A_499 : vector<150x1x60xf32> to vector<150x5x60xf32>
    %add3A_501 = arith.addf %dot_general3A_496, %add3A_500 : vector<150x5x60xf32>
    %max3A_502 = arith.constant 0.000000e+00 : f32
    %max3A_503 = vector.broadcast %max3A_502 : f32 to vector<150x5x60xf32>
    %max3A_504 = arith.maximumf %add3A_501, %max3A_503 : vector<150x5x60xf32>
    %broadcast_in_dim3A_505 = vector.shape_cast %max3A_504 : vector<150x5x60xf32> to vector<150x5x1x60xf32>
    %slice3A_506 = vector.extract_strided_slice %concatenate3A {offsets = [0, 0, 21, 0], sizes = [150, 5, 1, 60], strides = [1, 1, 1, 1]} : vector<150x5x25x60xf32> to vector<150x5x1x60xf32>
    %squeeze3A_507 = vector.shape_cast %slice3A_506 : vector<150x5x1x60xf32> to vector<150x5x60xf32>
    %get3A_508 = arith.constant 21 : index
    %get3A_509 = arith.constant 0 : index
    %get3A_510 = arith.constant 0 : index
    %get3A_511 = vector.load %arg4[%get3A_508, %get3A_509, %get3A_510] : memref<25x60x60xf32, #tpu.memory_space<vmem>>, vector<1x60x60xf32>
    %get3A_512 = vector.shape_cast %get3A_511 : vector<1x60x60xf32> to vector<60x60xf32>
    %convert_element_type3A_513 = arith.truncf %squeeze3A_507 : vector<150x5x60xf32> to vector<150x5x60xbf16>
    %convert_element_type3A_514 = arith.truncf %get3A_512 : vector<60x60xf32> to vector<60x60xbf16>
    %dot_general3A_515 = arith.constant dense<0.000000e+00> : vector<150x5x60xf32>
    %dot_general3A_516 = tpu.matmul %convert_element_type3A_513, %convert_element_type3A_514, %dot_general3A_515 {dimension_numbers = #tpu.dot_dimension_numbers<[2], [1], [0, 1], [0], [0, 0, 0, 1, 1, 0], [], []>, transpose_lhs_hint = false} : vector<150x5x60xbf16>, vector<60x60xbf16>, vector<150x5x60xf32> -> vector<150x5x60xf32>
    %slice3A_517 = vector.extract_strided_slice %add3A_82 {offsets = [0, 21, 0], sizes = [150, 1, 60], strides = [1, 1, 1]} : vector<150x25x60xf32> to vector<150x1x60xf32>
    %squeeze3A_518 = vector.shape_cast %slice3A_517 : vector<150x1x60xf32> to vector<150x60xf32>
    %broadcast_in_dim3A_519 = vector.shape_cast %squeeze3A_518 : vector<150x60xf32> to vector<150x1x60xf32>
    %add3A_520 = vector.broadcast %broadcast_in_dim3A_519 : vector<150x1x60xf32> to vector<150x5x60xf32>
    %add3A_521 = arith.addf %dot_general3A_516, %add3A_520 : vector<150x5x60xf32>
    %max3A_522 = arith.constant 0.000000e+00 : f32
    %max3A_523 = vector.broadcast %max3A_522 : f32 to vector<150x5x60xf32>
    %max3A_524 = arith.maximumf %add3A_521, %max3A_523 : vector<150x5x60xf32>
    %broadcast_in_dim3A_525 = vector.shape_cast %max3A_524 : vector<150x5x60xf32> to vector<150x5x1x60xf32>
    %slice3A_526 = vector.extract_strided_slice %concatenate3A {offsets = [0, 0, 22, 0], sizes = [150, 5, 1, 60], strides = [1, 1, 1, 1]} : vector<150x5x25x60xf32> to vector<150x5x1x60xf32>
    %squeeze3A_527 = vector.shape_cast %slice3A_526 : vector<150x5x1x60xf32> to vector<150x5x60xf32>
    %get3A_528 = arith.constant 22 : index
    %get3A_529 = arith.constant 0 : index
    %get3A_530 = arith.constant 0 : index
    %get3A_531 = vector.load %arg4[%get3A_528, %get3A_529, %get3A_530] : memref<25x60x60xf32, #tpu.memory_space<vmem>>, vector<1x60x60xf32>
    %get3A_532 = vector.shape_cast %get3A_531 : vector<1x60x60xf32> to vector<60x60xf32>
    %convert_element_type3A_533 = arith.truncf %squeeze3A_527 : vector<150x5x60xf32> to vector<150x5x60xbf16>
    %convert_element_type3A_534 = arith.truncf %get3A_532 : vector<60x60xf32> to vector<60x60xbf16>
    %dot_general3A_535 = arith.constant dense<0.000000e+00> : vector<150x5x60xf32>
    %dot_general3A_536 = tpu.matmul %convert_element_type3A_533, %convert_element_type3A_534, %dot_general3A_535 {dimension_numbers = #tpu.dot_dimension_numbers<[2], [1], [0, 1], [0], [0, 0, 0, 1, 1, 0], [], []>, transpose_lhs_hint = false} : vector<150x5x60xbf16>, vector<60x60xbf16>, vector<150x5x60xf32> -> vector<150x5x60xf32>
    %slice3A_537 = vector.extract_strided_slice %add3A_82 {offsets = [0, 22, 0], sizes = [150, 1, 60], strides = [1, 1, 1]} : vector<150x25x60xf32> to vector<150x1x60xf32>
    %squeeze3A_538 = vector.shape_cast %slice3A_537 : vector<150x1x60xf32> to vector<150x60xf32>
    %broadcast_in_dim3A_539 = vector.shape_cast %squeeze3A_538 : vector<150x60xf32> to vector<150x1x60xf32>
    %add3A_540 = vector.broadcast %broadcast_in_dim3A_539 : vector<150x1x60xf32> to vector<150x5x60xf32>
    %add3A_541 = arith.addf %dot_general3A_536, %add3A_540 : vector<150x5x60xf32>
    %max3A_542 = arith.constant 0.000000e+00 : f32
    %max3A_543 = vector.broadcast %max3A_542 : f32 to vector<150x5x60xf32>
    %max3A_544 = arith.maximumf %add3A_541, %max3A_543 : vector<150x5x60xf32>
    %broadcast_in_dim3A_545 = vector.shape_cast %max3A_544 : vector<150x5x60xf32> to vector<150x5x1x60xf32>
    %slice3A_546 = vector.extract_strided_slice %concatenate3A {offsets = [0, 0, 23, 0], sizes = [150, 5, 1, 60], strides = [1, 1, 1, 1]} : vector<150x5x25x60xf32> to vector<150x5x1x60xf32>
    %squeeze3A_547 = vector.shape_cast %slice3A_546 : vector<150x5x1x60xf32> to vector<150x5x60xf32>
    %get3A_548 = arith.constant 23 : index
    %get3A_549 = arith.constant 0 : index
    %get3A_550 = arith.constant 0 : index
    %get3A_551 = vector.load %arg4[%get3A_548, %get3A_549, %get3A_550] : memref<25x60x60xf32, #tpu.memory_space<vmem>>, vector<1x60x60xf32>
    %get3A_552 = vector.shape_cast %get3A_551 : vector<1x60x60xf32> to vector<60x60xf32>
    %convert_element_type3A_553 = arith.truncf %squeeze3A_547 : vector<150x5x60xf32> to vector<150x5x60xbf16>
    %convert_element_type3A_554 = arith.truncf %get3A_552 : vector<60x60xf32> to vector<60x60xbf16>
    %dot_general3A_555 = arith.constant dense<0.000000e+00> : vector<150x5x60xf32>
    %dot_general3A_556 = tpu.matmul %convert_element_type3A_553, %convert_element_type3A_554, %dot_general3A_555 {dimension_numbers = #tpu.dot_dimension_numbers<[2], [1], [0, 1], [0], [0, 0, 0, 1, 1, 0], [], []>, transpose_lhs_hint = false} : vector<150x5x60xbf16>, vector<60x60xbf16>, vector<150x5x60xf32> -> vector<150x5x60xf32>
    %slice3A_557 = vector.extract_strided_slice %add3A_82 {offsets = [0, 23, 0], sizes = [150, 1, 60], strides = [1, 1, 1]} : vector<150x25x60xf32> to vector<150x1x60xf32>
    %squeeze3A_558 = vector.shape_cast %slice3A_557 : vector<150x1x60xf32> to vector<150x60xf32>
    %broadcast_in_dim3A_559 = vector.shape_cast %squeeze3A_558 : vector<150x60xf32> to vector<150x1x60xf32>
    %add3A_560 = vector.broadcast %broadcast_in_dim3A_559 : vector<150x1x60xf32> to vector<150x5x60xf32>
    %add3A_561 = arith.addf %dot_general3A_556, %add3A_560 : vector<150x5x60xf32>
    %max3A_562 = arith.constant 0.000000e+00 : f32
    %max3A_563 = vector.broadcast %max3A_562 : f32 to vector<150x5x60xf32>
    %max3A_564 = arith.maximumf %add3A_561, %max3A_563 : vector<150x5x60xf32>
    %broadcast_in_dim3A_565 = vector.shape_cast %max3A_564 : vector<150x5x60xf32> to vector<150x5x1x60xf32>
    %slice3A_566 = vector.extract_strided_slice %concatenate3A {offsets = [0, 0, 24, 0], sizes = [150, 5, 1, 60], strides = [1, 1, 1, 1]} : vector<150x5x25x60xf32> to vector<150x5x1x60xf32>
    %squeeze3A_567 = vector.shape_cast %slice3A_566 : vector<150x5x1x60xf32> to vector<150x5x60xf32>
    %get3A_568 = arith.constant 24 : index
    %get3A_569 = arith.constant 0 : index
    %get3A_570 = arith.constant 0 : index
    %get3A_571 = vector.load %arg4[%get3A_568, %get3A_569, %get3A_570] : memref<25x60x60xf32, #tpu.memory_space<vmem>>, vector<1x60x60xf32>
    %get3A_572 = vector.shape_cast %get3A_571 : vector<1x60x60xf32> to vector<60x60xf32>
    %convert_element_type3A_573 = arith.truncf %squeeze3A_567 : vector<150x5x60xf32> to vector<150x5x60xbf16>
    %convert_element_type3A_574 = arith.truncf %get3A_572 : vector<60x60xf32> to vector<60x60xbf16>
    %dot_general3A_575 = arith.constant dense<0.000000e+00> : vector<150x5x60xf32>
    %dot_general3A_576 = tpu.matmul %convert_element_type3A_573, %convert_element_type3A_574, %dot_general3A_575 {dimension_numbers = #tpu.dot_dimension_numbers<[2], [1], [0, 1], [0], [0, 0, 0, 1, 1, 0], [], []>, transpose_lhs_hint = false} : vector<150x5x60xbf16>, vector<60x60xbf16>, vector<150x5x60xf32> -> vector<150x5x60xf32>
    %slice3A_577 = vector.extract_strided_slice %add3A_82 {offsets = [0, 24, 0], sizes = [150, 1, 60], strides = [1, 1, 1]} : vector<150x25x60xf32> to vector<150x1x60xf32>
    %squeeze3A_578 = vector.shape_cast %slice3A_577 : vector<150x1x60xf32> to vector<150x60xf32>
    %broadcast_in_dim3A_579 = vector.shape_cast %squeeze3A_578 : vector<150x60xf32> to vector<150x1x60xf32>
    %add3A_580 = vector.broadcast %broadcast_in_dim3A_579 : vector<150x1x60xf32> to vector<150x5x60xf32>
    %add3A_581 = arith.addf %dot_general3A_576, %add3A_580 : vector<150x5x60xf32>
    %max3A_582 = arith.constant 0.000000e+00 : f32
    %max3A_583 = vector.broadcast %max3A_582 : f32 to vector<150x5x60xf32>
    %max3A_584 = arith.maximumf %add3A_581, %max3A_583 : vector<150x5x60xf32>
    %broadcast_in_dim3A_585 = vector.shape_cast %max3A_584 : vector<150x5x60xf32> to vector<150x5x1x60xf32>
    %concatenate3A_586 = tpu.concatenate %broadcast_in_dim3A_105, %broadcast_in_dim3A_125, %broadcast_in_dim3A_145, %broadcast_in_dim3A_165, %broadcast_in_dim3A_185, %broadcast_in_dim3A_205, %broadcast_in_dim3A_225, %broadcast_in_dim3A_245, %broadcast_in_dim3A_265, %broadcast_in_dim3A_285, %broadcast_in_dim3A_305, %broadcast_in_dim3A_325, %broadcast_in_dim3A_345, %broadcast_in_dim3A_365, %broadcast_in_dim3A_385, %broadcast_in_dim3A_405, %broadcast_in_dim3A_425, %broadcast_in_dim3A_445, %broadcast_in_dim3A_465, %broadcast_in_dim3A_485, %broadcast_in_dim3A_505, %broadcast_in_dim3A_525, %broadcast_in_dim3A_545, %broadcast_in_dim3A_565, %broadcast_in_dim3A_585 in 2 : vector<150x5x1x60xf32>, vector<150x5x1x60xf32>, vector<150x5x1x60xf32>, vector<150x5x1x60xf32>, vector<150x5x1x60xf32>, vector<150x5x1x60xf32>, vector<150x5x1x60xf32>, vector<150x5x1x60xf32>, vector<150x5x1x60xf32>, vector<150x5x1x60xf32>, vector<150x5x1x60xf32>, vector<150x5x1x60xf32>, vector<150x5x1x60xf32>, vector<150x5x1x60xf32>, vector<150x5x1x60xf32>, vector<150x5x1x60xf32>, vector<150x5x1x60xf32>, vector<150x5x1x60xf32>, vector<150x5x1x60xf32>, vector<150x5x1x60xf32>, vector<150x5x1x60xf32>, vector<150x5x1x60xf32>, vector<150x5x1x60xf32>, vector<150x5x1x60xf32>, vector<150x5x1x60xf32> -> vector<150x5x25x60xf32>
    %slice3A_587 = vector.extract_strided_slice %concatenate3A_586 {offsets = [0, 0, 0, 0], sizes = [150, 1, 25, 60], strides = [1, 1, 1, 1]} : vector<150x5x25x60xf32> to vector<150x1x25x60xf32>
    %squeeze3A_588 = vector.shape_cast %slice3A_587 : vector<150x1x25x60xf32> to vector<150x25x60xf32>
    %reshape3A_589 = vector.shape_cast %squeeze3A_588 : vector<150x25x60xf32> to vector<3750x60xf32>
    %get3A_590 = arith.constant 0 : index
    %get3A_591 = arith.constant 0 : index
    %get3A_592 = arith.constant 0 : index
    %get3A_593 = vector.load %arg5[%get3A_590, %get3A_591, %get3A_592] : memref<5x60x60xf32, #tpu.memory_space<vmem>>, vector<1x60x60xf32>
    %get3A_594 = vector.shape_cast %get3A_593 : vector<1x60x60xf32> to vector<60x60xf32>
    %convert_element_type3A_595 = arith.truncf %reshape3A_589 : vector<3750x60xf32> to vector<3750x60xbf16>
    %convert_element_type3A_596 = arith.truncf %get3A_594 : vector<60x60xf32> to vector<60x60xbf16>
    %dot_general3A_597 = arith.constant dense<0.000000e+00> : vector<3750x60xf32>
    %dot_general3A_598 = tpu.matmul %convert_element_type3A_595, %convert_element_type3A_596, %dot_general3A_597 {dimension_numbers = #tpu.dot_dimension_numbers<[1], [0], [0], [1], [0, 0, 1, 1], [], []>, transpose_lhs_hint = false} : vector<3750x60xbf16>, vector<60x60xbf16>, vector<3750x60xf32> -> vector<3750x60xf32>
    %slice3A_599 = vector.extract_strided_slice %concatenate3A_586 {offsets = [0, 1, 0, 0], sizes = [150, 1, 25, 60], strides = [1, 1, 1, 1]} : vector<150x5x25x60xf32> to vector<150x1x25x60xf32>
    %squeeze3A_600 = vector.shape_cast %slice3A_599 : vector<150x1x25x60xf32> to vector<150x25x60xf32>
    %reshape3A_601 = vector.shape_cast %squeeze3A_600 : vector<150x25x60xf32> to vector<3750x60xf32>
    %get3A_602 = arith.constant 1 : index
    %get3A_603 = arith.constant 0 : index
    %get3A_604 = arith.constant 0 : index
    %get3A_605 = vector.load %arg5[%get3A_602, %get3A_603, %get3A_604] : memref<5x60x60xf32, #tpu.memory_space<vmem>>, vector<1x60x60xf32>
    %get3A_606 = vector.shape_cast %get3A_605 : vector<1x60x60xf32> to vector<60x60xf32>
    %convert_element_type3A_607 = arith.truncf %reshape3A_601 : vector<3750x60xf32> to vector<3750x60xbf16>
    %convert_element_type3A_608 = arith.truncf %get3A_606 : vector<60x60xf32> to vector<60x60xbf16>
    %dot_general3A_609 = arith.constant dense<0.000000e+00> : vector<3750x60xf32>
    %dot_general3A_610 = tpu.matmul %convert_element_type3A_607, %convert_element_type3A_608, %dot_general3A_609 {dimension_numbers = #tpu.dot_dimension_numbers<[1], [0], [0], [1], [0, 0, 1, 1], [], []>, transpose_lhs_hint = false} : vector<3750x60xbf16>, vector<60x60xbf16>, vector<3750x60xf32> -> vector<3750x60xf32>
    %add3A_611 = arith.addf %dot_general3A_598, %dot_general3A_610 : vector<3750x60xf32>
    %slice3A_612 = vector.extract_strided_slice %concatenate3A_586 {offsets = [0, 2, 0, 0], sizes = [150, 1, 25, 60], strides = [1, 1, 1, 1]} : vector<150x5x25x60xf32> to vector<150x1x25x60xf32>
    %squeeze3A_613 = vector.shape_cast %slice3A_612 : vector<150x1x25x60xf32> to vector<150x25x60xf32>
    %reshape3A_614 = vector.shape_cast %squeeze3A_613 : vector<150x25x60xf32> to vector<3750x60xf32>
    %get3A_615 = arith.constant 2 : index
    %get3A_616 = arith.constant 0 : index
    %get3A_617 = arith.constant 0 : index
    %get3A_618 = vector.load %arg5[%get3A_615, %get3A_616, %get3A_617] : memref<5x60x60xf32, #tpu.memory_space<vmem>>, vector<1x60x60xf32>
    %get3A_619 = vector.shape_cast %get3A_618 : vector<1x60x60xf32> to vector<60x60xf32>
    %convert_element_type3A_620 = arith.truncf %reshape3A_614 : vector<3750x60xf32> to vector<3750x60xbf16>
    %convert_element_type3A_621 = arith.truncf %get3A_619 : vector<60x60xf32> to vector<60x60xbf16>
    %dot_general3A_622 = arith.constant dense<0.000000e+00> : vector<3750x60xf32>
    %dot_general3A_623 = tpu.matmul %convert_element_type3A_620, %convert_element_type3A_621, %dot_general3A_622 {dimension_numbers = #tpu.dot_dimension_numbers<[1], [0], [0], [1], [0, 0, 1, 1], [], []>, transpose_lhs_hint = false} : vector<3750x60xbf16>, vector<60x60xbf16>, vector<3750x60xf32> -> vector<3750x60xf32>
    %add3A_624 = arith.addf %add3A_611, %dot_general3A_623 : vector<3750x60xf32>
    %slice3A_625 = vector.extract_strided_slice %concatenate3A_586 {offsets = [0, 3, 0, 0], sizes = [150, 1, 25, 60], strides = [1, 1, 1, 1]} : vector<150x5x25x60xf32> to vector<150x1x25x60xf32>
    %squeeze3A_626 = vector.shape_cast %slice3A_625 : vector<150x1x25x60xf32> to vector<150x25x60xf32>
    %reshape3A_627 = vector.shape_cast %squeeze3A_626 : vector<150x25x60xf32> to vector<3750x60xf32>
    %get3A_628 = arith.constant 3 : index
    %get3A_629 = arith.constant 0 : index
    %get3A_630 = arith.constant 0 : index
    %get3A_631 = vector.load %arg5[%get3A_628, %get3A_629, %get3A_630] : memref<5x60x60xf32, #tpu.memory_space<vmem>>, vector<1x60x60xf32>
    %get3A_632 = vector.shape_cast %get3A_631 : vector<1x60x60xf32> to vector<60x60xf32>
    %convert_element_type3A_633 = arith.truncf %reshape3A_627 : vector<3750x60xf32> to vector<3750x60xbf16>
    %convert_element_type3A_634 = arith.truncf %get3A_632 : vector<60x60xf32> to vector<60x60xbf16>
    %dot_general3A_635 = arith.constant dense<0.000000e+00> : vector<3750x60xf32>
    %dot_general3A_636 = tpu.matmul %convert_element_type3A_633, %convert_element_type3A_634, %dot_general3A_635 {dimension_numbers = #tpu.dot_dimension_numbers<[1], [0], [0], [1], [0, 0, 1, 1], [], []>, transpose_lhs_hint = false} : vector<3750x60xbf16>, vector<60x60xbf16>, vector<3750x60xf32> -> vector<3750x60xf32>
    %add3A_637 = arith.addf %add3A_624, %dot_general3A_636 : vector<3750x60xf32>
    %slice3A_638 = vector.extract_strided_slice %concatenate3A_586 {offsets = [0, 4, 0, 0], sizes = [150, 1, 25, 60], strides = [1, 1, 1, 1]} : vector<150x5x25x60xf32> to vector<150x1x25x60xf32>
    %squeeze3A_639 = vector.shape_cast %slice3A_638 : vector<150x1x25x60xf32> to vector<150x25x60xf32>
    %reshape3A_640 = vector.shape_cast %squeeze3A_639 : vector<150x25x60xf32> to vector<3750x60xf32>
    %get3A_641 = arith.constant 4 : index
    %get3A_642 = arith.constant 0 : index
    %get3A_643 = arith.constant 0 : index
    %get3A_644 = vector.load %arg5[%get3A_641, %get3A_642, %get3A_643] : memref<5x60x60xf32, #tpu.memory_space<vmem>>, vector<1x60x60xf32>
    %get3A_645 = vector.shape_cast %get3A_644 : vector<1x60x60xf32> to vector<60x60xf32>
    %convert_element_type3A_646 = arith.truncf %reshape3A_640 : vector<3750x60xf32> to vector<3750x60xbf16>
    %convert_element_type3A_647 = arith.truncf %get3A_645 : vector<60x60xf32> to vector<60x60xbf16>
    %dot_general3A_648 = arith.constant dense<0.000000e+00> : vector<3750x60xf32>
    %dot_general3A_649 = tpu.matmul %convert_element_type3A_646, %convert_element_type3A_647, %dot_general3A_648 {dimension_numbers = #tpu.dot_dimension_numbers<[1], [0], [0], [1], [0, 0, 1, 1], [], []>, transpose_lhs_hint = false} : vector<3750x60xbf16>, vector<60x60xbf16>, vector<3750x60xf32> -> vector<3750x60xf32>
    %add3A_650 = arith.addf %add3A_637, %dot_general3A_649 : vector<3750x60xf32>
    %reshape3A_651 = vector.shape_cast %add3A_650 : vector<3750x60xf32> to vector<150x25x60xf32>
    %swap3A = arith.constant 0 : index
    %swap3A_652 = arith.constant 0 : index
    %swap3A_653 = arith.constant 0 : index
    %swap3A_654 = arith.constant 0 : index
    %swap3A_655 = vector.load %arg6[%swap3A, %swap3A_652, %swap3A_653, %swap3A_654] : memref<1x150x25x60xf32, #tpu.memory_space<vmem>>, vector<1x150x25x60xf32>
    %swap3A_656 = vector.shape_cast %swap3A_655 : vector<1x150x25x60xf32> to vector<150x25x60xf32>
    %swap3A_657 = vector.shape_cast %reshape3A_651 : vector<150x25x60xf32> to vector<1x150x25x60xf32>
    tpu.vector_store %arg6[%swap3A, %swap3A_652, %swap3A_653, %swap3A_654], %swap3A_657 {strides = array<i32>} : memref<1x150x25x60xf32, #tpu.memory_space<vmem>>, vector<1x150x25x60xf32>,
    return
  }
  func.func @transform_0(%arg0: i32) -> (i32, i32, i32, i32) {
    %c0_i32 = arith.constant 0 : i32
    %c0_i32_0 = arith.constant 0 : i32
    %c0_i32_1 = arith.constant 0 : i32
    %c0_i32_2 = arith.constant 0 : i32
    return %arg0, %c0_i32, %c0_i32_0, %c0_i32_1 : i32, i32, i32, i32
  }
  func.func @transform_1(%arg0: i32) -> (i32, i32) {
    %c0_i32 = arith.constant 0 : i32
    %c0_i32_0 = arith.constant 0 : i32
    %c0_i32_1 = arith.constant 0 : i32
    return %c0_i32, %c0_i32_0 : i32, i32
  }
  func.func @transform_2(%arg0: i32) -> (i32, i32) {
    %c0_i32 = arith.constant 0 : i32
    %c0_i32_0 = arith.constant 0 : i32
    %c0_i32_1 = arith.constant 0 : i32
    return %c0_i32, %c0_i32_0 : i32, i32
  }
  func.func @transform_3(%arg0: i32) -> (i32, i32, i32) {
    %c0_i32 = arith.constant 0 : i32
    %c0_i32_0 = arith.constant 0 : i32
    %c0_i32_1 = arith.constant 0 : i32
    %c0_i32_2 = arith.constant 0 : i32
    return %c0_i32, %c0_i32_0, %c0_i32_1 : i32, i32, i32
  }
  func.func @transform_4(%arg0: i32) -> (i32, i32, i32) {
    %c0_i32 = arith.constant 0 : i32
    %c0_i32_0 = arith.constant 0 : i32
    %c0_i32_1 = arith.constant 0 : i32
    %c0_i32_2 = arith.constant 0 : i32
    return %c0_i32, %c0_i32_0, %c0_i32_1 : i32, i32, i32
  }
  func.func @transform_5(%arg0: i32) -> (i32, i32, i32, i32) {
    %c0_i32 = arith.constant 0 : i32
    %c0_i32_0 = arith.constant 0 : i32
    %c0_i32_1 = arith.constant 0 : i32
    %c0_i32_2 = arith.constant 0 : i32
    return %arg0, %c0_i32, %c0_i32_0, %c0_i32_1 : i32, i32, i32, i32
  }
}

module attributes {stable_mosaic.version = 14 : i64} {
  func.func @body(%arg0: i32, %arg1: memref<1x300x25x60xf32, #tpu.memory_space<vmem>>, %arg2: memref<25x125xf32, #tpu.memory_space<vmem>>, %arg3: memref<60x360xf32, #tpu.memory_space<vmem>>, %arg4: memref<25x60x60xf32, #tpu.memory_space<vmem>>, %arg5: memref<3x60x60xf32, #tpu.memory_space<vmem>>, %arg6: memref<1x150x25x60xf32, #tpu.memory_space<vmem>>) attributes {dimension_semantics = [#tpu.dimension_semantics<parallel>], iteration_bounds = array<i64: 64>, scalar_prefetch = 0 : i64, scratch_operands = 0 : i64, tpu.core_type = #tpu.core_type<tc>, window_params = [{transform_indices = @transform_0, window_bounds = array<i64: 1, 300, 25, 60>}, {pipeline_mode = #tpu.pipeline_mode<synchronous>, transform_indices = @transform_1, window_bounds = array<i64: 25, 125>}, {pipeline_mode = #tpu.pipeline_mode<synchronous>, transform_indices = @transform_2, window_bounds = array<i64: 60, 360>}, {pipeline_mode = #tpu.pipeline_mode<synchronous>, transform_indices = @transform_3, window_bounds = array<i64: 25, 60, 60>}, {pipeline_mode = #tpu.pipeline_mode<synchronous>, transform_indices = @transform_4, window_bounds = array<i64: 3, 60, 60>}, {transform_indices = @transform_5, window_bounds = array<i64: 1, 150, 25, 60>}]} {
    %get3A = arith.constant 0 : index
    %get3A_0 = arith.constant 0 : index
    %get3A_1 = arith.constant 0 : index
    %get3A_2 = arith.constant 0 : index
    %get3A_3 = vector.load %arg1[%get3A, %get3A_0, %get3A_1, %get3A_2] : memref<1x300x25x60xf32, #tpu.memory_space<vmem>>, vector<1x300x25x60xf32>
    %get3A_4 = vector.shape_cast %get3A_3 : vector<1x300x25x60xf32> to vector<300x25x60xf32>
    %jit3A = arith.constant 0 : i32
    %convert_element_type3A = arith.sitofp %jit3A : i32 to f32
    %pad3A = vector.broadcast %convert_element_type3A : f32 to vector<1x25x60xf32>
    %pad3A_5 = tpu.concatenate %pad3A, %get3A_4 in 0 : vector<1x25x60xf32>, vector<300x25x60xf32> -> vector<301x25x60xf32>
    %pad3A_6 = vector.broadcast %convert_element_type3A : f32 to vector<1x25x60xf32>
    %pad3A_7 = tpu.concatenate %pad3A_5, %pad3A_6 in 0 : vector<301x25x60xf32>, vector<1x25x60xf32> -> vector<302x25x60xf32>
    %slice3A = vector.extract_strided_slice %pad3A_7 {offsets = [0, 0, 0], sizes = [300, 25, 60], strides = [1, 1, 1]} : vector<302x25x60xf32> to vector<300x25x60xf32>
    %reshape3A = vector.shape_cast %slice3A : vector<300x25x60xf32> to vector<150x2x25x60xf32>
    %slice3A_8 = vector.extract_strided_slice %reshape3A {offsets = [0, 0, 0, 0], sizes = [150, 1, 25, 60], strides = [1, 1, 1, 1]} : vector<150x2x25x60xf32> to vector<150x1x25x60xf32>
    %squeeze3A = vector.shape_cast %slice3A_8 : vector<150x1x25x60xf32> to vector<150x25x60xf32>
    %slice3A_9 = vector.extract_strided_slice %pad3A_7 {offsets = [1, 0, 0], sizes = [300, 25, 60], strides = [1, 1, 1]} : vector<302x25x60xf32> to vector<300x25x60xf32>
    %reshape3A_10 = vector.shape_cast %slice3A_9 : vector<300x25x60xf32> to vector<150x2x25x60xf32>
    %slice3A_11 = vector.extract_strided_slice %reshape3A_10 {offsets = [0, 0, 0, 0], sizes = [150, 1, 25, 60], strides = [1, 1, 1, 1]} : vector<150x2x25x60xf32> to vector<150x1x25x60xf32>
    %squeeze3A_12 = vector.shape_cast %slice3A_11 : vector<150x1x25x60xf32> to vector<150x25x60xf32>
    %slice3A_13 = vector.extract_strided_slice %pad3A_7 {offsets = [2, 0, 0], sizes = [300, 25, 60], strides = [1, 1, 1]} : vector<302x25x60xf32> to vector<300x25x60xf32>
    %reshape3A_14 = vector.shape_cast %slice3A_13 : vector<300x25x60xf32> to vector<150x2x25x60xf32>
    %slice3A_15 = vector.extract_strided_slice %reshape3A_14 {offsets = [0, 0, 0, 0], sizes = [150, 1, 25, 60], strides = [1, 1, 1, 1]} : vector<150x2x25x60xf32> to vector<150x1x25x60xf32>
    %squeeze3A_16 = vector.shape_cast %slice3A_15 : vector<150x1x25x60xf32> to vector<150x25x60xf32>
    %add3A = arith.addf %squeeze3A, %squeeze3A_12 : vector<150x25x60xf32>
    %add3A_17 = arith.addf %add3A, %squeeze3A_16 : vector<150x25x60xf32>
    %get3A_18 = arith.constant 0 : index
    %get3A_19 = arith.constant 0 : index
    %get3A_20 = vector.load %arg2[%get3A_18, %get3A_19] : memref<25x125xf32, #tpu.memory_space<vmem>>, vector<25x125xf32>
    %convert_element_type3A_21 = arith.truncf %add3A_17 : vector<150x25x60xf32> to vector<150x25x60xbf16>
    %convert_element_type3A_22 = arith.truncf %get3A_20 : vector<25x125xf32> to vector<25x125xbf16>
    %dot_general3A = arith.constant dense<0.000000e+00> : vector<150x60x125xf32>
    %dot_general3A_23 = tpu.matmul %convert_element_type3A_21, %convert_element_type3A_22, %dot_general3A {dimension_numbers = #tpu.dot_dimension_numbers<[1], [0], [0, 2], [1], [0, 0, 0, 2, 1, 1], [], []>, transpose_lhs_hint = false} : vector<150x25x60xbf16>, vector<25x125xbf16>, vector<150x60x125xf32> -> vector<150x60x125xf32>
    %slice3A_24 = vector.extract_strided_slice %dot_general3A_23 {offsets = [0, 0, 0], sizes = [150, 60, 25], strides = [1, 1, 1]} : vector<150x60x125xf32> to vector<150x60x25xf32>
    %get3A_25 = arith.constant 0 : index
    %get3A_26 = arith.constant 0 : index
    %get3A_27 = vector.load %arg3[%get3A_25, %get3A_26] : memref<60x360xf32, #tpu.memory_space<vmem>>, vector<60x360xf32>
    %slice3A_28 = vector.extract_strided_slice %get3A_27 {offsets = [0, 60], sizes = [60, 60], strides = [1, 1]} : vector<60x360xf32> to vector<60x60xf32>
    %convert_element_type3A_29 = arith.truncf %slice3A_24 : vector<150x60x25xf32> to vector<150x60x25xbf16>
    %convert_element_type3A_30 = arith.truncf %slice3A_28 : vector<60x60xf32> to vector<60x60xbf16>
    %dot_general3A_31 = arith.constant dense<0.000000e+00> : vector<150x25x60xf32>
    %dot_general3A_32 = tpu.matmul %convert_element_type3A_29, %convert_element_type3A_30, %dot_general3A_31 {dimension_numbers = #tpu.dot_dimension_numbers<[1], [1], [0, 2], [0], [0, 0, 0, 2, 1, 0], [], []>, transpose_lhs_hint = false} : vector<150x60x25xbf16>, vector<60x60xbf16>, vector<150x25x60xf32> -> vector<150x25x60xf32>
    %slice3A_33 = vector.extract_strided_slice %dot_general3A_23 {offsets = [0, 0, 25], sizes = [150, 60, 25], strides = [1, 1, 1]} : vector<150x60x125xf32> to vector<150x60x25xf32>
    %get3A_34 = arith.constant 0 : index
    %get3A_35 = arith.constant 0 : index
    %get3A_36 = vector.load %arg3[%get3A_34, %get3A_35] : memref<60x360xf32, #tpu.memory_space<vmem>>, vector<60x360xf32>
    %slice3A_37 = vector.extract_strided_slice %get3A_36 {offsets = [0, 120], sizes = [60, 60], strides = [1, 1]} : vector<60x360xf32> to vector<60x60xf32>
    %convert_element_type3A_38 = arith.truncf %slice3A_33 : vector<150x60x25xf32> to vector<150x60x25xbf16>
    %convert_element_type3A_39 = arith.truncf %slice3A_37 : vector<60x60xf32> to vector<60x60xbf16>
    %dot_general3A_40 = arith.constant dense<0.000000e+00> : vector<150x25x60xf32>
    %dot_general3A_41 = tpu.matmul %convert_element_type3A_38, %convert_element_type3A_39, %dot_general3A_40 {dimension_numbers = #tpu.dot_dimension_numbers<[1], [1], [0, 2], [0], [0, 0, 0, 2, 1, 0], [], []>, transpose_lhs_hint = false} : vector<150x60x25xbf16>, vector<60x60xbf16>, vector<150x25x60xf32> -> vector<150x25x60xf32>
    %add3A_42 = arith.addf %dot_general3A_32, %dot_general3A_41 : vector<150x25x60xf32>
    %slice3A_43 = vector.extract_strided_slice %dot_general3A_23 {offsets = [0, 0, 50], sizes = [150, 60, 25], strides = [1, 1, 1]} : vector<150x60x125xf32> to vector<150x60x25xf32>
    %get3A_44 = arith.constant 0 : index
    %get3A_45 = arith.constant 0 : index
    %get3A_46 = vector.load %arg3[%get3A_44, %get3A_45] : memref<60x360xf32, #tpu.memory_space<vmem>>, vector<60x360xf32>
    %slice3A_47 = vector.extract_strided_slice %get3A_46 {offsets = [0, 180], sizes = [60, 60], strides = [1, 1]} : vector<60x360xf32> to vector<60x60xf32>
    %convert_element_type3A_48 = arith.truncf %slice3A_43 : vector<150x60x25xf32> to vector<150x60x25xbf16>
    %convert_element_type3A_49 = arith.truncf %slice3A_47 : vector<60x60xf32> to vector<60x60xbf16>
    %dot_general3A_50 = arith.constant dense<0.000000e+00> : vector<150x25x60xf32>
    %dot_general3A_51 = tpu.matmul %convert_element_type3A_48, %convert_element_type3A_49, %dot_general3A_50 {dimension_numbers = #tpu.dot_dimension_numbers<[1], [1], [0, 2], [0], [0, 0, 0, 2, 1, 0], [], []>, transpose_lhs_hint = false} : vector<150x60x25xbf16>, vector<60x60xbf16>, vector<150x25x60xf32> -> vector<150x25x60xf32>
    %add3A_52 = arith.addf %add3A_42, %dot_general3A_51 : vector<150x25x60xf32>
    %slice3A_53 = vector.extract_strided_slice %dot_general3A_23 {offsets = [0, 0, 75], sizes = [150, 60, 25], strides = [1, 1, 1]} : vector<150x60x125xf32> to vector<150x60x25xf32>
    %get3A_54 = arith.constant 0 : index
    %get3A_55 = arith.constant 0 : index
    %get3A_56 = vector.load %arg3[%get3A_54, %get3A_55] : memref<60x360xf32, #tpu.memory_space<vmem>>, vector<60x360xf32>
    %slice3A_57 = vector.extract_strided_slice %get3A_56 {offsets = [0, 240], sizes = [60, 60], strides = [1, 1]} : vector<60x360xf32> to vector<60x60xf32>
    %convert_element_type3A_58 = arith.truncf %slice3A_53 : vector<150x60x25xf32> to vector<150x60x25xbf16>
    %convert_element_type3A_59 = arith.truncf %slice3A_57 : vector<60x60xf32> to vector<60x60xbf16>
    %dot_general3A_60 = arith.constant dense<0.000000e+00> : vector<150x25x60xf32>
    %dot_general3A_61 = tpu.matmul %convert_element_type3A_58, %convert_element_type3A_59, %dot_general3A_60 {dimension_numbers = #tpu.dot_dimension_numbers<[1], [1], [0, 2], [0], [0, 0, 0, 2, 1, 0], [], []>, transpose_lhs_hint = false} : vector<150x60x25xbf16>, vector<60x60xbf16>, vector<150x25x60xf32> -> vector<150x25x60xf32>
    %add3A_62 = arith.addf %add3A_52, %dot_general3A_61 : vector<150x25x60xf32>
    %slice3A_63 = vector.extract_strided_slice %dot_general3A_23 {offsets = [0, 0, 100], sizes = [150, 60, 25], strides = [1, 1, 1]} : vector<150x60x125xf32> to vector<150x60x25xf32>
    %get3A_64 = arith.constant 0 : index
    %get3A_65 = arith.constant 0 : index
    %get3A_66 = vector.load %arg3[%get3A_64, %get3A_65] : memref<60x360xf32, #tpu.memory_space<vmem>>, vector<60x360xf32>
    %slice3A_67 = vector.extract_strided_slice %get3A_66 {offsets = [0, 300], sizes = [60, 60], strides = [1, 1]} : vector<60x360xf32> to vector<60x60xf32>
    %convert_element_type3A_68 = arith.truncf %slice3A_63 : vector<150x60x25xf32> to vector<150x60x25xbf16>
    %convert_element_type3A_69 = arith.truncf %slice3A_67 : vector<60x60xf32> to vector<60x60xbf16>
    %dot_general3A_70 = arith.constant dense<0.000000e+00> : vector<150x25x60xf32>
    %dot_general3A_71 = tpu.matmul %convert_element_type3A_68, %convert_element_type3A_69, %dot_general3A_70 {dimension_numbers = #tpu.dot_dimension_numbers<[1], [1], [0, 2], [0], [0, 0, 0, 2, 1, 0], [], []>, transpose_lhs_hint = false} : vector<150x60x25xbf16>, vector<60x60xbf16>, vector<150x25x60xf32> -> vector<150x25x60xf32>
    %add3A_72 = arith.addf %add3A_62, %dot_general3A_71 : vector<150x25x60xf32>
    %broadcast_in_dim3A = vector.shape_cast %squeeze3A : vector<150x25x60xf32> to vector<150x1x25x60xf32>
    %broadcast_in_dim3A_73 = vector.shape_cast %squeeze3A_12 : vector<150x25x60xf32> to vector<150x1x25x60xf32>
    %broadcast_in_dim3A_74 = vector.shape_cast %squeeze3A_16 : vector<150x25x60xf32> to vector<150x1x25x60xf32>
    %concatenate3A = tpu.concatenate %broadcast_in_dim3A, %broadcast_in_dim3A_73, %broadcast_in_dim3A_74 in 1 : vector<150x1x25x60xf32>, vector<150x1x25x60xf32>, vector<150x1x25x60xf32> -> vector<150x3x25x60xf32>
    %slice3A_75 = vector.extract_strided_slice %concatenate3A {offsets = [0, 0, 0, 0], sizes = [150, 3, 1, 60], strides = [1, 1, 1, 1]} : vector<150x3x25x60xf32> to vector<150x3x1x60xf32>
    %squeeze3A_76 = vector.shape_cast %slice3A_75 : vector<150x3x1x60xf32> to vector<150x3x60xf32>
    %get3A_77 = arith.constant 0 : index
    %get3A_78 = arith.constant 0 : index
    %get3A_79 = arith.constant 0 : index
    %get3A_80 = vector.load %arg4[%get3A_77, %get3A_78, %get3A_79] : memref<25x60x60xf32, #tpu.memory_space<vmem>>, vector<1x60x60xf32>
    %get3A_81 = vector.shape_cast %get3A_80 : vector<1x60x60xf32> to vector<60x60xf32>
    %convert_element_type3A_82 = arith.truncf %squeeze3A_76 : vector<150x3x60xf32> to vector<150x3x60xbf16>
    %convert_element_type3A_83 = arith.truncf %get3A_81 : vector<60x60xf32> to vector<60x60xbf16>
    %dot_general3A_84 = arith.constant dense<0.000000e+00> : vector<150x3x60xf32>
    %dot_general3A_85 = tpu.matmul %convert_element_type3A_82, %convert_element_type3A_83, %dot_general3A_84 {dimension_numbers = #tpu.dot_dimension_numbers<[2], [1], [0, 1], [0], [0, 0, 0, 1, 1, 0], [], []>, transpose_lhs_hint = false} : vector<150x3x60xbf16>, vector<60x60xbf16>, vector<150x3x60xf32> -> vector<150x3x60xf32>
    %slice3A_86 = vector.extract_strided_slice %add3A_72 {offsets = [0, 0, 0], sizes = [150, 1, 60], strides = [1, 1, 1]} : vector<150x25x60xf32> to vector<150x1x60xf32>
    %squeeze3A_87 = vector.shape_cast %slice3A_86 : vector<150x1x60xf32> to vector<150x60xf32>
    %broadcast_in_dim3A_88 = vector.shape_cast %squeeze3A_87 : vector<150x60xf32> to vector<150x1x60xf32>
    %add3A_89 = vector.broadcast %broadcast_in_dim3A_88 : vector<150x1x60xf32> to vector<150x3x60xf32>
    %add3A_90 = arith.addf %dot_general3A_85, %add3A_89 : vector<150x3x60xf32>
    %max3A = arith.constant 0.000000e+00 : f32
    %max3A_91 = vector.broadcast %max3A : f32 to vector<150x3x60xf32>
    %max3A_92 = arith.maximumf %add3A_90, %max3A_91 : vector<150x3x60xf32>
    %broadcast_in_dim3A_93 = vector.shape_cast %max3A_92 : vector<150x3x60xf32> to vector<150x3x1x60xf32>
    %slice3A_94 = vector.extract_strided_slice %concatenate3A {offsets = [0, 0, 1, 0], sizes = [150, 3, 1, 60], strides = [1, 1, 1, 1]} : vector<150x3x25x60xf32> to vector<150x3x1x60xf32>
    %squeeze3A_95 = vector.shape_cast %slice3A_94 : vector<150x3x1x60xf32> to vector<150x3x60xf32>
    %get3A_96 = arith.constant 1 : index
    %get3A_97 = arith.constant 0 : index
    %get3A_98 = arith.constant 0 : index
    %get3A_99 = vector.load %arg4[%get3A_96, %get3A_97, %get3A_98] : memref<25x60x60xf32, #tpu.memory_space<vmem>>, vector<1x60x60xf32>
    %get3A_100 = vector.shape_cast %get3A_99 : vector<1x60x60xf32> to vector<60x60xf32>
    %convert_element_type3A_101 = arith.truncf %squeeze3A_95 : vector<150x3x60xf32> to vector<150x3x60xbf16>
    %convert_element_type3A_102 = arith.truncf %get3A_100 : vector<60x60xf32> to vector<60x60xbf16>
    %dot_general3A_103 = arith.constant dense<0.000000e+00> : vector<150x3x60xf32>
    %dot_general3A_104 = tpu.matmul %convert_element_type3A_101, %convert_element_type3A_102, %dot_general3A_103 {dimension_numbers = #tpu.dot_dimension_numbers<[2], [1], [0, 1], [0], [0, 0, 0, 1, 1, 0], [], []>, transpose_lhs_hint = false} : vector<150x3x60xbf16>, vector<60x60xbf16>, vector<150x3x60xf32> -> vector<150x3x60xf32>
    %slice3A_105 = vector.extract_strided_slice %add3A_72 {offsets = [0, 1, 0], sizes = [150, 1, 60], strides = [1, 1, 1]} : vector<150x25x60xf32> to vector<150x1x60xf32>
    %squeeze3A_106 = vector.shape_cast %slice3A_105 : vector<150x1x60xf32> to vector<150x60xf32>
    %broadcast_in_dim3A_107 = vector.shape_cast %squeeze3A_106 : vector<150x60xf32> to vector<150x1x60xf32>
    %add3A_108 = vector.broadcast %broadcast_in_dim3A_107 : vector<150x1x60xf32> to vector<150x3x60xf32>
    %add3A_109 = arith.addf %dot_general3A_104, %add3A_108 : vector<150x3x60xf32>
    %max3A_110 = arith.constant 0.000000e+00 : f32
    %max3A_111 = vector.broadcast %max3A_110 : f32 to vector<150x3x60xf32>
    %max3A_112 = arith.maximumf %add3A_109, %max3A_111 : vector<150x3x60xf32>
    %broadcast_in_dim3A_113 = vector.shape_cast %max3A_112 : vector<150x3x60xf32> to vector<150x3x1x60xf32>
    %slice3A_114 = vector.extract_strided_slice %concatenate3A {offsets = [0, 0, 2, 0], sizes = [150, 3, 1, 60], strides = [1, 1, 1, 1]} : vector<150x3x25x60xf32> to vector<150x3x1x60xf32>
    %squeeze3A_115 = vector.shape_cast %slice3A_114 : vector<150x3x1x60xf32> to vector<150x3x60xf32>
    %get3A_116 = arith.constant 2 : index
    %get3A_117 = arith.constant 0 : index
    %get3A_118 = arith.constant 0 : index
    %get3A_119 = vector.load %arg4[%get3A_116, %get3A_117, %get3A_118] : memref<25x60x60xf32, #tpu.memory_space<vmem>>, vector<1x60x60xf32>
    %get3A_120 = vector.shape_cast %get3A_119 : vector<1x60x60xf32> to vector<60x60xf32>
    %convert_element_type3A_121 = arith.truncf %squeeze3A_115 : vector<150x3x60xf32> to vector<150x3x60xbf16>
    %convert_element_type3A_122 = arith.truncf %get3A_120 : vector<60x60xf32> to vector<60x60xbf16>
    %dot_general3A_123 = arith.constant dense<0.000000e+00> : vector<150x3x60xf32>
    %dot_general3A_124 = tpu.matmul %convert_element_type3A_121, %convert_element_type3A_122, %dot_general3A_123 {dimension_numbers = #tpu.dot_dimension_numbers<[2], [1], [0, 1], [0], [0, 0, 0, 1, 1, 0], [], []>, transpose_lhs_hint = false} : vector<150x3x60xbf16>, vector<60x60xbf16>, vector<150x3x60xf32> -> vector<150x3x60xf32>
    %slice3A_125 = vector.extract_strided_slice %add3A_72 {offsets = [0, 2, 0], sizes = [150, 1, 60], strides = [1, 1, 1]} : vector<150x25x60xf32> to vector<150x1x60xf32>
    %squeeze3A_126 = vector.shape_cast %slice3A_125 : vector<150x1x60xf32> to vector<150x60xf32>
    %broadcast_in_dim3A_127 = vector.shape_cast %squeeze3A_126 : vector<150x60xf32> to vector<150x1x60xf32>
    %add3A_128 = vector.broadcast %broadcast_in_dim3A_127 : vector<150x1x60xf32> to vector<150x3x60xf32>
    %add3A_129 = arith.addf %dot_general3A_124, %add3A_128 : vector<150x3x60xf32>
    %max3A_130 = arith.constant 0.000000e+00 : f32
    %max3A_131 = vector.broadcast %max3A_130 : f32 to vector<150x3x60xf32>
    %max3A_132 = arith.maximumf %add3A_129, %max3A_131 : vector<150x3x60xf32>
    %broadcast_in_dim3A_133 = vector.shape_cast %max3A_132 : vector<150x3x60xf32> to vector<150x3x1x60xf32>
    %slice3A_134 = vector.extract_strided_slice %concatenate3A {offsets = [0, 0, 3, 0], sizes = [150, 3, 1, 60], strides = [1, 1, 1, 1]} : vector<150x3x25x60xf32> to vector<150x3x1x60xf32>
    %squeeze3A_135 = vector.shape_cast %slice3A_134 : vector<150x3x1x60xf32> to vector<150x3x60xf32>
    %get3A_136 = arith.constant 3 : index
    %get3A_137 = arith.constant 0 : index
    %get3A_138 = arith.constant 0 : index
    %get3A_139 = vector.load %arg4[%get3A_136, %get3A_137, %get3A_138] : memref<25x60x60xf32, #tpu.memory_space<vmem>>, vector<1x60x60xf32>
    %get3A_140 = vector.shape_cast %get3A_139 : vector<1x60x60xf32> to vector<60x60xf32>
    %convert_element_type3A_141 = arith.truncf %squeeze3A_135 : vector<150x3x60xf32> to vector<150x3x60xbf16>
    %convert_element_type3A_142 = arith.truncf %get3A_140 : vector<60x60xf32> to vector<60x60xbf16>
    %dot_general3A_143 = arith.constant dense<0.000000e+00> : vector<150x3x60xf32>
    %dot_general3A_144 = tpu.matmul %convert_element_type3A_141, %convert_element_type3A_142, %dot_general3A_143 {dimension_numbers = #tpu.dot_dimension_numbers<[2], [1], [0, 1], [0], [0, 0, 0, 1, 1, 0], [], []>, transpose_lhs_hint = false} : vector<150x3x60xbf16>, vector<60x60xbf16>, vector<150x3x60xf32> -> vector<150x3x60xf32>
    %slice3A_145 = vector.extract_strided_slice %add3A_72 {offsets = [0, 3, 0], sizes = [150, 1, 60], strides = [1, 1, 1]} : vector<150x25x60xf32> to vector<150x1x60xf32>
    %squeeze3A_146 = vector.shape_cast %slice3A_145 : vector<150x1x60xf32> to vector<150x60xf32>
    %broadcast_in_dim3A_147 = vector.shape_cast %squeeze3A_146 : vector<150x60xf32> to vector<150x1x60xf32>
    %add3A_148 = vector.broadcast %broadcast_in_dim3A_147 : vector<150x1x60xf32> to vector<150x3x60xf32>
    %add3A_149 = arith.addf %dot_general3A_144, %add3A_148 : vector<150x3x60xf32>
    %max3A_150 = arith.constant 0.000000e+00 : f32
    %max3A_151 = vector.broadcast %max3A_150 : f32 to vector<150x3x60xf32>
    %max3A_152 = arith.maximumf %add3A_149, %max3A_151 : vector<150x3x60xf32>
    %broadcast_in_dim3A_153 = vector.shape_cast %max3A_152 : vector<150x3x60xf32> to vector<150x3x1x60xf32>
    %slice3A_154 = vector.extract_strided_slice %concatenate3A {offsets = [0, 0, 4, 0], sizes = [150, 3, 1, 60], strides = [1, 1, 1, 1]} : vector<150x3x25x60xf32> to vector<150x3x1x60xf32>
    %squeeze3A_155 = vector.shape_cast %slice3A_154 : vector<150x3x1x60xf32> to vector<150x3x60xf32>
    %get3A_156 = arith.constant 4 : index
    %get3A_157 = arith.constant 0 : index
    %get3A_158 = arith.constant 0 : index
    %get3A_159 = vector.load %arg4[%get3A_156, %get3A_157, %get3A_158] : memref<25x60x60xf32, #tpu.memory_space<vmem>>, vector<1x60x60xf32>
    %get3A_160 = vector.shape_cast %get3A_159 : vector<1x60x60xf32> to vector<60x60xf32>
    %convert_element_type3A_161 = arith.truncf %squeeze3A_155 : vector<150x3x60xf32> to vector<150x3x60xbf16>
    %convert_element_type3A_162 = arith.truncf %get3A_160 : vector<60x60xf32> to vector<60x60xbf16>
    %dot_general3A_163 = arith.constant dense<0.000000e+00> : vector<150x3x60xf32>
    %dot_general3A_164 = tpu.matmul %convert_element_type3A_161, %convert_element_type3A_162, %dot_general3A_163 {dimension_numbers = #tpu.dot_dimension_numbers<[2], [1], [0, 1], [0], [0, 0, 0, 1, 1, 0], [], []>, transpose_lhs_hint = false} : vector<150x3x60xbf16>, vector<60x60xbf16>, vector<150x3x60xf32> -> vector<150x3x60xf32>
    %slice3A_165 = vector.extract_strided_slice %add3A_72 {offsets = [0, 4, 0], sizes = [150, 1, 60], strides = [1, 1, 1]} : vector<150x25x60xf32> to vector<150x1x60xf32>
    %squeeze3A_166 = vector.shape_cast %slice3A_165 : vector<150x1x60xf32> to vector<150x60xf32>
    %broadcast_in_dim3A_167 = vector.shape_cast %squeeze3A_166 : vector<150x60xf32> to vector<150x1x60xf32>
    %add3A_168 = vector.broadcast %broadcast_in_dim3A_167 : vector<150x1x60xf32> to vector<150x3x60xf32>
    %add3A_169 = arith.addf %dot_general3A_164, %add3A_168 : vector<150x3x60xf32>
    %max3A_170 = arith.constant 0.000000e+00 : f32
    %max3A_171 = vector.broadcast %max3A_170 : f32 to vector<150x3x60xf32>
    %max3A_172 = arith.maximumf %add3A_169, %max3A_171 : vector<150x3x60xf32>
    %broadcast_in_dim3A_173 = vector.shape_cast %max3A_172 : vector<150x3x60xf32> to vector<150x3x1x60xf32>
    %slice3A_174 = vector.extract_strided_slice %concatenate3A {offsets = [0, 0, 5, 0], sizes = [150, 3, 1, 60], strides = [1, 1, 1, 1]} : vector<150x3x25x60xf32> to vector<150x3x1x60xf32>
    %squeeze3A_175 = vector.shape_cast %slice3A_174 : vector<150x3x1x60xf32> to vector<150x3x60xf32>
    %get3A_176 = arith.constant 5 : index
    %get3A_177 = arith.constant 0 : index
    %get3A_178 = arith.constant 0 : index
    %get3A_179 = vector.load %arg4[%get3A_176, %get3A_177, %get3A_178] : memref<25x60x60xf32, #tpu.memory_space<vmem>>, vector<1x60x60xf32>
    %get3A_180 = vector.shape_cast %get3A_179 : vector<1x60x60xf32> to vector<60x60xf32>
    %convert_element_type3A_181 = arith.truncf %squeeze3A_175 : vector<150x3x60xf32> to vector<150x3x60xbf16>
    %convert_element_type3A_182 = arith.truncf %get3A_180 : vector<60x60xf32> to vector<60x60xbf16>
    %dot_general3A_183 = arith.constant dense<0.000000e+00> : vector<150x3x60xf32>
    %dot_general3A_184 = tpu.matmul %convert_element_type3A_181, %convert_element_type3A_182, %dot_general3A_183 {dimension_numbers = #tpu.dot_dimension_numbers<[2], [1], [0, 1], [0], [0, 0, 0, 1, 1, 0], [], []>, transpose_lhs_hint = false} : vector<150x3x60xbf16>, vector<60x60xbf16>, vector<150x3x60xf32> -> vector<150x3x60xf32>
    %slice3A_185 = vector.extract_strided_slice %add3A_72 {offsets = [0, 5, 0], sizes = [150, 1, 60], strides = [1, 1, 1]} : vector<150x25x60xf32> to vector<150x1x60xf32>
    %squeeze3A_186 = vector.shape_cast %slice3A_185 : vector<150x1x60xf32> to vector<150x60xf32>
    %broadcast_in_dim3A_187 = vector.shape_cast %squeeze3A_186 : vector<150x60xf32> to vector<150x1x60xf32>
    %add3A_188 = vector.broadcast %broadcast_in_dim3A_187 : vector<150x1x60xf32> to vector<150x3x60xf32>
    %add3A_189 = arith.addf %dot_general3A_184, %add3A_188 : vector<150x3x60xf32>
    %max3A_190 = arith.constant 0.000000e+00 : f32
    %max3A_191 = vector.broadcast %max3A_190 : f32 to vector<150x3x60xf32>
    %max3A_192 = arith.maximumf %add3A_189, %max3A_191 : vector<150x3x60xf32>
    %broadcast_in_dim3A_193 = vector.shape_cast %max3A_192 : vector<150x3x60xf32> to vector<150x3x1x60xf32>
    %slice3A_194 = vector.extract_strided_slice %concatenate3A {offsets = [0, 0, 6, 0], sizes = [150, 3, 1, 60], strides = [1, 1, 1, 1]} : vector<150x3x25x60xf32> to vector<150x3x1x60xf32>
    %squeeze3A_195 = vector.shape_cast %slice3A_194 : vector<150x3x1x60xf32> to vector<150x3x60xf32>
    %get3A_196 = arith.constant 6 : index
    %get3A_197 = arith.constant 0 : index
    %get3A_198 = arith.constant 0 : index
    %get3A_199 = vector.load %arg4[%get3A_196, %get3A_197, %get3A_198] : memref<25x60x60xf32, #tpu.memory_space<vmem>>, vector<1x60x60xf32>
    %get3A_200 = vector.shape_cast %get3A_199 : vector<1x60x60xf32> to vector<60x60xf32>
    %convert_element_type3A_201 = arith.truncf %squeeze3A_195 : vector<150x3x60xf32> to vector<150x3x60xbf16>
    %convert_element_type3A_202 = arith.truncf %get3A_200 : vector<60x60xf32> to vector<60x60xbf16>
    %dot_general3A_203 = arith.constant dense<0.000000e+00> : vector<150x3x60xf32>
    %dot_general3A_204 = tpu.matmul %convert_element_type3A_201, %convert_element_type3A_202, %dot_general3A_203 {dimension_numbers = #tpu.dot_dimension_numbers<[2], [1], [0, 1], [0], [0, 0, 0, 1, 1, 0], [], []>, transpose_lhs_hint = false} : vector<150x3x60xbf16>, vector<60x60xbf16>, vector<150x3x60xf32> -> vector<150x3x60xf32>
    %slice3A_205 = vector.extract_strided_slice %add3A_72 {offsets = [0, 6, 0], sizes = [150, 1, 60], strides = [1, 1, 1]} : vector<150x25x60xf32> to vector<150x1x60xf32>
    %squeeze3A_206 = vector.shape_cast %slice3A_205 : vector<150x1x60xf32> to vector<150x60xf32>
    %broadcast_in_dim3A_207 = vector.shape_cast %squeeze3A_206 : vector<150x60xf32> to vector<150x1x60xf32>
    %add3A_208 = vector.broadcast %broadcast_in_dim3A_207 : vector<150x1x60xf32> to vector<150x3x60xf32>
    %add3A_209 = arith.addf %dot_general3A_204, %add3A_208 : vector<150x3x60xf32>
    %max3A_210 = arith.constant 0.000000e+00 : f32
    %max3A_211 = vector.broadcast %max3A_210 : f32 to vector<150x3x60xf32>
    %max3A_212 = arith.maximumf %add3A_209, %max3A_211 : vector<150x3x60xf32>
    %broadcast_in_dim3A_213 = vector.shape_cast %max3A_212 : vector<150x3x60xf32> to vector<150x3x1x60xf32>
    %slice3A_214 = vector.extract_strided_slice %concatenate3A {offsets = [0, 0, 7, 0], sizes = [150, 3, 1, 60], strides = [1, 1, 1, 1]} : vector<150x3x25x60xf32> to vector<150x3x1x60xf32>
    %squeeze3A_215 = vector.shape_cast %slice3A_214 : vector<150x3x1x60xf32> to vector<150x3x60xf32>
    %get3A_216 = arith.constant 7 : index
    %get3A_217 = arith.constant 0 : index
    %get3A_218 = arith.constant 0 : index
    %get3A_219 = vector.load %arg4[%get3A_216, %get3A_217, %get3A_218] : memref<25x60x60xf32, #tpu.memory_space<vmem>>, vector<1x60x60xf32>
    %get3A_220 = vector.shape_cast %get3A_219 : vector<1x60x60xf32> to vector<60x60xf32>
    %convert_element_type3A_221 = arith.truncf %squeeze3A_215 : vector<150x3x60xf32> to vector<150x3x60xbf16>
    %convert_element_type3A_222 = arith.truncf %get3A_220 : vector<60x60xf32> to vector<60x60xbf16>
    %dot_general3A_223 = arith.constant dense<0.000000e+00> : vector<150x3x60xf32>
    %dot_general3A_224 = tpu.matmul %convert_element_type3A_221, %convert_element_type3A_222, %dot_general3A_223 {dimension_numbers = #tpu.dot_dimension_numbers<[2], [1], [0, 1], [0], [0, 0, 0, 1, 1, 0], [], []>, transpose_lhs_hint = false} : vector<150x3x60xbf16>, vector<60x60xbf16>, vector<150x3x60xf32> -> vector<150x3x60xf32>
    %slice3A_225 = vector.extract_strided_slice %add3A_72 {offsets = [0, 7, 0], sizes = [150, 1, 60], strides = [1, 1, 1]} : vector<150x25x60xf32> to vector<150x1x60xf32>
    %squeeze3A_226 = vector.shape_cast %slice3A_225 : vector<150x1x60xf32> to vector<150x60xf32>
    %broadcast_in_dim3A_227 = vector.shape_cast %squeeze3A_226 : vector<150x60xf32> to vector<150x1x60xf32>
    %add3A_228 = vector.broadcast %broadcast_in_dim3A_227 : vector<150x1x60xf32> to vector<150x3x60xf32>
    %add3A_229 = arith.addf %dot_general3A_224, %add3A_228 : vector<150x3x60xf32>
    %max3A_230 = arith.constant 0.000000e+00 : f32
    %max3A_231 = vector.broadcast %max3A_230 : f32 to vector<150x3x60xf32>
    %max3A_232 = arith.maximumf %add3A_229, %max3A_231 : vector<150x3x60xf32>
    %broadcast_in_dim3A_233 = vector.shape_cast %max3A_232 : vector<150x3x60xf32> to vector<150x3x1x60xf32>
    %slice3A_234 = vector.extract_strided_slice %concatenate3A {offsets = [0, 0, 8, 0], sizes = [150, 3, 1, 60], strides = [1, 1, 1, 1]} : vector<150x3x25x60xf32> to vector<150x3x1x60xf32>
    %squeeze3A_235 = vector.shape_cast %slice3A_234 : vector<150x3x1x60xf32> to vector<150x3x60xf32>
    %get3A_236 = arith.constant 8 : index
    %get3A_237 = arith.constant 0 : index
    %get3A_238 = arith.constant 0 : index
    %get3A_239 = vector.load %arg4[%get3A_236, %get3A_237, %get3A_238] : memref<25x60x60xf32, #tpu.memory_space<vmem>>, vector<1x60x60xf32>
    %get3A_240 = vector.shape_cast %get3A_239 : vector<1x60x60xf32> to vector<60x60xf32>
    %convert_element_type3A_241 = arith.truncf %squeeze3A_235 : vector<150x3x60xf32> to vector<150x3x60xbf16>
    %convert_element_type3A_242 = arith.truncf %get3A_240 : vector<60x60xf32> to vector<60x60xbf16>
    %dot_general3A_243 = arith.constant dense<0.000000e+00> : vector<150x3x60xf32>
    %dot_general3A_244 = tpu.matmul %convert_element_type3A_241, %convert_element_type3A_242, %dot_general3A_243 {dimension_numbers = #tpu.dot_dimension_numbers<[2], [1], [0, 1], [0], [0, 0, 0, 1, 1, 0], [], []>, transpose_lhs_hint = false} : vector<150x3x60xbf16>, vector<60x60xbf16>, vector<150x3x60xf32> -> vector<150x3x60xf32>
    %slice3A_245 = vector.extract_strided_slice %add3A_72 {offsets = [0, 8, 0], sizes = [150, 1, 60], strides = [1, 1, 1]} : vector<150x25x60xf32> to vector<150x1x60xf32>
    %squeeze3A_246 = vector.shape_cast %slice3A_245 : vector<150x1x60xf32> to vector<150x60xf32>
    %broadcast_in_dim3A_247 = vector.shape_cast %squeeze3A_246 : vector<150x60xf32> to vector<150x1x60xf32>
    %add3A_248 = vector.broadcast %broadcast_in_dim3A_247 : vector<150x1x60xf32> to vector<150x3x60xf32>
    %add3A_249 = arith.addf %dot_general3A_244, %add3A_248 : vector<150x3x60xf32>
    %max3A_250 = arith.constant 0.000000e+00 : f32
    %max3A_251 = vector.broadcast %max3A_250 : f32 to vector<150x3x60xf32>
    %max3A_252 = arith.maximumf %add3A_249, %max3A_251 : vector<150x3x60xf32>
    %broadcast_in_dim3A_253 = vector.shape_cast %max3A_252 : vector<150x3x60xf32> to vector<150x3x1x60xf32>
    %slice3A_254 = vector.extract_strided_slice %concatenate3A {offsets = [0, 0, 9, 0], sizes = [150, 3, 1, 60], strides = [1, 1, 1, 1]} : vector<150x3x25x60xf32> to vector<150x3x1x60xf32>
    %squeeze3A_255 = vector.shape_cast %slice3A_254 : vector<150x3x1x60xf32> to vector<150x3x60xf32>
    %get3A_256 = arith.constant 9 : index
    %get3A_257 = arith.constant 0 : index
    %get3A_258 = arith.constant 0 : index
    %get3A_259 = vector.load %arg4[%get3A_256, %get3A_257, %get3A_258] : memref<25x60x60xf32, #tpu.memory_space<vmem>>, vector<1x60x60xf32>
    %get3A_260 = vector.shape_cast %get3A_259 : vector<1x60x60xf32> to vector<60x60xf32>
    %convert_element_type3A_261 = arith.truncf %squeeze3A_255 : vector<150x3x60xf32> to vector<150x3x60xbf16>
    %convert_element_type3A_262 = arith.truncf %get3A_260 : vector<60x60xf32> to vector<60x60xbf16>
    %dot_general3A_263 = arith.constant dense<0.000000e+00> : vector<150x3x60xf32>
    %dot_general3A_264 = tpu.matmul %convert_element_type3A_261, %convert_element_type3A_262, %dot_general3A_263 {dimension_numbers = #tpu.dot_dimension_numbers<[2], [1], [0, 1], [0], [0, 0, 0, 1, 1, 0], [], []>, transpose_lhs_hint = false} : vector<150x3x60xbf16>, vector<60x60xbf16>, vector<150x3x60xf32> -> vector<150x3x60xf32>
    %slice3A_265 = vector.extract_strided_slice %add3A_72 {offsets = [0, 9, 0], sizes = [150, 1, 60], strides = [1, 1, 1]} : vector<150x25x60xf32> to vector<150x1x60xf32>
    %squeeze3A_266 = vector.shape_cast %slice3A_265 : vector<150x1x60xf32> to vector<150x60xf32>
    %broadcast_in_dim3A_267 = vector.shape_cast %squeeze3A_266 : vector<150x60xf32> to vector<150x1x60xf32>
    %add3A_268 = vector.broadcast %broadcast_in_dim3A_267 : vector<150x1x60xf32> to vector<150x3x60xf32>
    %add3A_269 = arith.addf %dot_general3A_264, %add3A_268 : vector<150x3x60xf32>
    %max3A_270 = arith.constant 0.000000e+00 : f32
    %max3A_271 = vector.broadcast %max3A_270 : f32 to vector<150x3x60xf32>
    %max3A_272 = arith.maximumf %add3A_269, %max3A_271 : vector<150x3x60xf32>
    %broadcast_in_dim3A_273 = vector.shape_cast %max3A_272 : vector<150x3x60xf32> to vector<150x3x1x60xf32>
    %slice3A_274 = vector.extract_strided_slice %concatenate3A {offsets = [0, 0, 10, 0], sizes = [150, 3, 1, 60], strides = [1, 1, 1, 1]} : vector<150x3x25x60xf32> to vector<150x3x1x60xf32>
    %squeeze3A_275 = vector.shape_cast %slice3A_274 : vector<150x3x1x60xf32> to vector<150x3x60xf32>
    %get3A_276 = arith.constant 10 : index
    %get3A_277 = arith.constant 0 : index
    %get3A_278 = arith.constant 0 : index
    %get3A_279 = vector.load %arg4[%get3A_276, %get3A_277, %get3A_278] : memref<25x60x60xf32, #tpu.memory_space<vmem>>, vector<1x60x60xf32>
    %get3A_280 = vector.shape_cast %get3A_279 : vector<1x60x60xf32> to vector<60x60xf32>
    %convert_element_type3A_281 = arith.truncf %squeeze3A_275 : vector<150x3x60xf32> to vector<150x3x60xbf16>
    %convert_element_type3A_282 = arith.truncf %get3A_280 : vector<60x60xf32> to vector<60x60xbf16>
    %dot_general3A_283 = arith.constant dense<0.000000e+00> : vector<150x3x60xf32>
    %dot_general3A_284 = tpu.matmul %convert_element_type3A_281, %convert_element_type3A_282, %dot_general3A_283 {dimension_numbers = #tpu.dot_dimension_numbers<[2], [1], [0, 1], [0], [0, 0, 0, 1, 1, 0], [], []>, transpose_lhs_hint = false} : vector<150x3x60xbf16>, vector<60x60xbf16>, vector<150x3x60xf32> -> vector<150x3x60xf32>
    %slice3A_285 = vector.extract_strided_slice %add3A_72 {offsets = [0, 10, 0], sizes = [150, 1, 60], strides = [1, 1, 1]} : vector<150x25x60xf32> to vector<150x1x60xf32>
    %squeeze3A_286 = vector.shape_cast %slice3A_285 : vector<150x1x60xf32> to vector<150x60xf32>
    %broadcast_in_dim3A_287 = vector.shape_cast %squeeze3A_286 : vector<150x60xf32> to vector<150x1x60xf32>
    %add3A_288 = vector.broadcast %broadcast_in_dim3A_287 : vector<150x1x60xf32> to vector<150x3x60xf32>
    %add3A_289 = arith.addf %dot_general3A_284, %add3A_288 : vector<150x3x60xf32>
    %max3A_290 = arith.constant 0.000000e+00 : f32
    %max3A_291 = vector.broadcast %max3A_290 : f32 to vector<150x3x60xf32>
    %max3A_292 = arith.maximumf %add3A_289, %max3A_291 : vector<150x3x60xf32>
    %broadcast_in_dim3A_293 = vector.shape_cast %max3A_292 : vector<150x3x60xf32> to vector<150x3x1x60xf32>
    %slice3A_294 = vector.extract_strided_slice %concatenate3A {offsets = [0, 0, 11, 0], sizes = [150, 3, 1, 60], strides = [1, 1, 1, 1]} : vector<150x3x25x60xf32> to vector<150x3x1x60xf32>
    %squeeze3A_295 = vector.shape_cast %slice3A_294 : vector<150x3x1x60xf32> to vector<150x3x60xf32>
    %get3A_296 = arith.constant 11 : index
    %get3A_297 = arith.constant 0 : index
    %get3A_298 = arith.constant 0 : index
    %get3A_299 = vector.load %arg4[%get3A_296, %get3A_297, %get3A_298] : memref<25x60x60xf32, #tpu.memory_space<vmem>>, vector<1x60x60xf32>
    %get3A_300 = vector.shape_cast %get3A_299 : vector<1x60x60xf32> to vector<60x60xf32>
    %convert_element_type3A_301 = arith.truncf %squeeze3A_295 : vector<150x3x60xf32> to vector<150x3x60xbf16>
    %convert_element_type3A_302 = arith.truncf %get3A_300 : vector<60x60xf32> to vector<60x60xbf16>
    %dot_general3A_303 = arith.constant dense<0.000000e+00> : vector<150x3x60xf32>
    %dot_general3A_304 = tpu.matmul %convert_element_type3A_301, %convert_element_type3A_302, %dot_general3A_303 {dimension_numbers = #tpu.dot_dimension_numbers<[2], [1], [0, 1], [0], [0, 0, 0, 1, 1, 0], [], []>, transpose_lhs_hint = false} : vector<150x3x60xbf16>, vector<60x60xbf16>, vector<150x3x60xf32> -> vector<150x3x60xf32>
    %slice3A_305 = vector.extract_strided_slice %add3A_72 {offsets = [0, 11, 0], sizes = [150, 1, 60], strides = [1, 1, 1]} : vector<150x25x60xf32> to vector<150x1x60xf32>
    %squeeze3A_306 = vector.shape_cast %slice3A_305 : vector<150x1x60xf32> to vector<150x60xf32>
    %broadcast_in_dim3A_307 = vector.shape_cast %squeeze3A_306 : vector<150x60xf32> to vector<150x1x60xf32>
    %add3A_308 = vector.broadcast %broadcast_in_dim3A_307 : vector<150x1x60xf32> to vector<150x3x60xf32>
    %add3A_309 = arith.addf %dot_general3A_304, %add3A_308 : vector<150x3x60xf32>
    %max3A_310 = arith.constant 0.000000e+00 : f32
    %max3A_311 = vector.broadcast %max3A_310 : f32 to vector<150x3x60xf32>
    %max3A_312 = arith.maximumf %add3A_309, %max3A_311 : vector<150x3x60xf32>
    %broadcast_in_dim3A_313 = vector.shape_cast %max3A_312 : vector<150x3x60xf32> to vector<150x3x1x60xf32>
    %slice3A_314 = vector.extract_strided_slice %concatenate3A {offsets = [0, 0, 12, 0], sizes = [150, 3, 1, 60], strides = [1, 1, 1, 1]} : vector<150x3x25x60xf32> to vector<150x3x1x60xf32>
    %squeeze3A_315 = vector.shape_cast %slice3A_314 : vector<150x3x1x60xf32> to vector<150x3x60xf32>
    %get3A_316 = arith.constant 12 : index
    %get3A_317 = arith.constant 0 : index
    %get3A_318 = arith.constant 0 : index
    %get3A_319 = vector.load %arg4[%get3A_316, %get3A_317, %get3A_318] : memref<25x60x60xf32, #tpu.memory_space<vmem>>, vector<1x60x60xf32>
    %get3A_320 = vector.shape_cast %get3A_319 : vector<1x60x60xf32> to vector<60x60xf32>
    %convert_element_type3A_321 = arith.truncf %squeeze3A_315 : vector<150x3x60xf32> to vector<150x3x60xbf16>
    %convert_element_type3A_322 = arith.truncf %get3A_320 : vector<60x60xf32> to vector<60x60xbf16>
    %dot_general3A_323 = arith.constant dense<0.000000e+00> : vector<150x3x60xf32>
    %dot_general3A_324 = tpu.matmul %convert_element_type3A_321, %convert_element_type3A_322, %dot_general3A_323 {dimension_numbers = #tpu.dot_dimension_numbers<[2], [1], [0, 1], [0], [0, 0, 0, 1, 1, 0], [], []>, transpose_lhs_hint = false} : vector<150x3x60xbf16>, vector<60x60xbf16>, vector<150x3x60xf32> -> vector<150x3x60xf32>
    %slice3A_325 = vector.extract_strided_slice %add3A_72 {offsets = [0, 12, 0], sizes = [150, 1, 60], strides = [1, 1, 1]} : vector<150x25x60xf32> to vector<150x1x60xf32>
    %squeeze3A_326 = vector.shape_cast %slice3A_325 : vector<150x1x60xf32> to vector<150x60xf32>
    %broadcast_in_dim3A_327 = vector.shape_cast %squeeze3A_326 : vector<150x60xf32> to vector<150x1x60xf32>
    %add3A_328 = vector.broadcast %broadcast_in_dim3A_327 : vector<150x1x60xf32> to vector<150x3x60xf32>
    %add3A_329 = arith.addf %dot_general3A_324, %add3A_328 : vector<150x3x60xf32>
    %max3A_330 = arith.constant 0.000000e+00 : f32
    %max3A_331 = vector.broadcast %max3A_330 : f32 to vector<150x3x60xf32>
    %max3A_332 = arith.maximumf %add3A_329, %max3A_331 : vector<150x3x60xf32>
    %broadcast_in_dim3A_333 = vector.shape_cast %max3A_332 : vector<150x3x60xf32> to vector<150x3x1x60xf32>
    %slice3A_334 = vector.extract_strided_slice %concatenate3A {offsets = [0, 0, 13, 0], sizes = [150, 3, 1, 60], strides = [1, 1, 1, 1]} : vector<150x3x25x60xf32> to vector<150x3x1x60xf32>
    %squeeze3A_335 = vector.shape_cast %slice3A_334 : vector<150x3x1x60xf32> to vector<150x3x60xf32>
    %get3A_336 = arith.constant 13 : index
    %get3A_337 = arith.constant 0 : index
    %get3A_338 = arith.constant 0 : index
    %get3A_339 = vector.load %arg4[%get3A_336, %get3A_337, %get3A_338] : memref<25x60x60xf32, #tpu.memory_space<vmem>>, vector<1x60x60xf32>
    %get3A_340 = vector.shape_cast %get3A_339 : vector<1x60x60xf32> to vector<60x60xf32>
    %convert_element_type3A_341 = arith.truncf %squeeze3A_335 : vector<150x3x60xf32> to vector<150x3x60xbf16>
    %convert_element_type3A_342 = arith.truncf %get3A_340 : vector<60x60xf32> to vector<60x60xbf16>
    %dot_general3A_343 = arith.constant dense<0.000000e+00> : vector<150x3x60xf32>
    %dot_general3A_344 = tpu.matmul %convert_element_type3A_341, %convert_element_type3A_342, %dot_general3A_343 {dimension_numbers = #tpu.dot_dimension_numbers<[2], [1], [0, 1], [0], [0, 0, 0, 1, 1, 0], [], []>, transpose_lhs_hint = false} : vector<150x3x60xbf16>, vector<60x60xbf16>, vector<150x3x60xf32> -> vector<150x3x60xf32>
    %slice3A_345 = vector.extract_strided_slice %add3A_72 {offsets = [0, 13, 0], sizes = [150, 1, 60], strides = [1, 1, 1]} : vector<150x25x60xf32> to vector<150x1x60xf32>
    %squeeze3A_346 = vector.shape_cast %slice3A_345 : vector<150x1x60xf32> to vector<150x60xf32>
    %broadcast_in_dim3A_347 = vector.shape_cast %squeeze3A_346 : vector<150x60xf32> to vector<150x1x60xf32>
    %add3A_348 = vector.broadcast %broadcast_in_dim3A_347 : vector<150x1x60xf32> to vector<150x3x60xf32>
    %add3A_349 = arith.addf %dot_general3A_344, %add3A_348 : vector<150x3x60xf32>
    %max3A_350 = arith.constant 0.000000e+00 : f32
    %max3A_351 = vector.broadcast %max3A_350 : f32 to vector<150x3x60xf32>
    %max3A_352 = arith.maximumf %add3A_349, %max3A_351 : vector<150x3x60xf32>
    %broadcast_in_dim3A_353 = vector.shape_cast %max3A_352 : vector<150x3x60xf32> to vector<150x3x1x60xf32>
    %slice3A_354 = vector.extract_strided_slice %concatenate3A {offsets = [0, 0, 14, 0], sizes = [150, 3, 1, 60], strides = [1, 1, 1, 1]} : vector<150x3x25x60xf32> to vector<150x3x1x60xf32>
    %squeeze3A_355 = vector.shape_cast %slice3A_354 : vector<150x3x1x60xf32> to vector<150x3x60xf32>
    %get3A_356 = arith.constant 14 : index
    %get3A_357 = arith.constant 0 : index
    %get3A_358 = arith.constant 0 : index
    %get3A_359 = vector.load %arg4[%get3A_356, %get3A_357, %get3A_358] : memref<25x60x60xf32, #tpu.memory_space<vmem>>, vector<1x60x60xf32>
    %get3A_360 = vector.shape_cast %get3A_359 : vector<1x60x60xf32> to vector<60x60xf32>
    %convert_element_type3A_361 = arith.truncf %squeeze3A_355 : vector<150x3x60xf32> to vector<150x3x60xbf16>
    %convert_element_type3A_362 = arith.truncf %get3A_360 : vector<60x60xf32> to vector<60x60xbf16>
    %dot_general3A_363 = arith.constant dense<0.000000e+00> : vector<150x3x60xf32>
    %dot_general3A_364 = tpu.matmul %convert_element_type3A_361, %convert_element_type3A_362, %dot_general3A_363 {dimension_numbers = #tpu.dot_dimension_numbers<[2], [1], [0, 1], [0], [0, 0, 0, 1, 1, 0], [], []>, transpose_lhs_hint = false} : vector<150x3x60xbf16>, vector<60x60xbf16>, vector<150x3x60xf32> -> vector<150x3x60xf32>
    %slice3A_365 = vector.extract_strided_slice %add3A_72 {offsets = [0, 14, 0], sizes = [150, 1, 60], strides = [1, 1, 1]} : vector<150x25x60xf32> to vector<150x1x60xf32>
    %squeeze3A_366 = vector.shape_cast %slice3A_365 : vector<150x1x60xf32> to vector<150x60xf32>
    %broadcast_in_dim3A_367 = vector.shape_cast %squeeze3A_366 : vector<150x60xf32> to vector<150x1x60xf32>
    %add3A_368 = vector.broadcast %broadcast_in_dim3A_367 : vector<150x1x60xf32> to vector<150x3x60xf32>
    %add3A_369 = arith.addf %dot_general3A_364, %add3A_368 : vector<150x3x60xf32>
    %max3A_370 = arith.constant 0.000000e+00 : f32
    %max3A_371 = vector.broadcast %max3A_370 : f32 to vector<150x3x60xf32>
    %max3A_372 = arith.maximumf %add3A_369, %max3A_371 : vector<150x3x60xf32>
    %broadcast_in_dim3A_373 = vector.shape_cast %max3A_372 : vector<150x3x60xf32> to vector<150x3x1x60xf32>
    %slice3A_374 = vector.extract_strided_slice %concatenate3A {offsets = [0, 0, 15, 0], sizes = [150, 3, 1, 60], strides = [1, 1, 1, 1]} : vector<150x3x25x60xf32> to vector<150x3x1x60xf32>
    %squeeze3A_375 = vector.shape_cast %slice3A_374 : vector<150x3x1x60xf32> to vector<150x3x60xf32>
    %get3A_376 = arith.constant 15 : index
    %get3A_377 = arith.constant 0 : index
    %get3A_378 = arith.constant 0 : index
    %get3A_379 = vector.load %arg4[%get3A_376, %get3A_377, %get3A_378] : memref<25x60x60xf32, #tpu.memory_space<vmem>>, vector<1x60x60xf32>
    %get3A_380 = vector.shape_cast %get3A_379 : vector<1x60x60xf32> to vector<60x60xf32>
    %convert_element_type3A_381 = arith.truncf %squeeze3A_375 : vector<150x3x60xf32> to vector<150x3x60xbf16>
    %convert_element_type3A_382 = arith.truncf %get3A_380 : vector<60x60xf32> to vector<60x60xbf16>
    %dot_general3A_383 = arith.constant dense<0.000000e+00> : vector<150x3x60xf32>
    %dot_general3A_384 = tpu.matmul %convert_element_type3A_381, %convert_element_type3A_382, %dot_general3A_383 {dimension_numbers = #tpu.dot_dimension_numbers<[2], [1], [0, 1], [0], [0, 0, 0, 1, 1, 0], [], []>, transpose_lhs_hint = false} : vector<150x3x60xbf16>, vector<60x60xbf16>, vector<150x3x60xf32> -> vector<150x3x60xf32>
    %slice3A_385 = vector.extract_strided_slice %add3A_72 {offsets = [0, 15, 0], sizes = [150, 1, 60], strides = [1, 1, 1]} : vector<150x25x60xf32> to vector<150x1x60xf32>
    %squeeze3A_386 = vector.shape_cast %slice3A_385 : vector<150x1x60xf32> to vector<150x60xf32>
    %broadcast_in_dim3A_387 = vector.shape_cast %squeeze3A_386 : vector<150x60xf32> to vector<150x1x60xf32>
    %add3A_388 = vector.broadcast %broadcast_in_dim3A_387 : vector<150x1x60xf32> to vector<150x3x60xf32>
    %add3A_389 = arith.addf %dot_general3A_384, %add3A_388 : vector<150x3x60xf32>
    %max3A_390 = arith.constant 0.000000e+00 : f32
    %max3A_391 = vector.broadcast %max3A_390 : f32 to vector<150x3x60xf32>
    %max3A_392 = arith.maximumf %add3A_389, %max3A_391 : vector<150x3x60xf32>
    %broadcast_in_dim3A_393 = vector.shape_cast %max3A_392 : vector<150x3x60xf32> to vector<150x3x1x60xf32>
    %slice3A_394 = vector.extract_strided_slice %concatenate3A {offsets = [0, 0, 16, 0], sizes = [150, 3, 1, 60], strides = [1, 1, 1, 1]} : vector<150x3x25x60xf32> to vector<150x3x1x60xf32>
    %squeeze3A_395 = vector.shape_cast %slice3A_394 : vector<150x3x1x60xf32> to vector<150x3x60xf32>
    %get3A_396 = arith.constant 16 : index
    %get3A_397 = arith.constant 0 : index
    %get3A_398 = arith.constant 0 : index
    %get3A_399 = vector.load %arg4[%get3A_396, %get3A_397, %get3A_398] : memref<25x60x60xf32, #tpu.memory_space<vmem>>, vector<1x60x60xf32>
    %get3A_400 = vector.shape_cast %get3A_399 : vector<1x60x60xf32> to vector<60x60xf32>
    %convert_element_type3A_401 = arith.truncf %squeeze3A_395 : vector<150x3x60xf32> to vector<150x3x60xbf16>
    %convert_element_type3A_402 = arith.truncf %get3A_400 : vector<60x60xf32> to vector<60x60xbf16>
    %dot_general3A_403 = arith.constant dense<0.000000e+00> : vector<150x3x60xf32>
    %dot_general3A_404 = tpu.matmul %convert_element_type3A_401, %convert_element_type3A_402, %dot_general3A_403 {dimension_numbers = #tpu.dot_dimension_numbers<[2], [1], [0, 1], [0], [0, 0, 0, 1, 1, 0], [], []>, transpose_lhs_hint = false} : vector<150x3x60xbf16>, vector<60x60xbf16>, vector<150x3x60xf32> -> vector<150x3x60xf32>
    %slice3A_405 = vector.extract_strided_slice %add3A_72 {offsets = [0, 16, 0], sizes = [150, 1, 60], strides = [1, 1, 1]} : vector<150x25x60xf32> to vector<150x1x60xf32>
    %squeeze3A_406 = vector.shape_cast %slice3A_405 : vector<150x1x60xf32> to vector<150x60xf32>
    %broadcast_in_dim3A_407 = vector.shape_cast %squeeze3A_406 : vector<150x60xf32> to vector<150x1x60xf32>
    %add3A_408 = vector.broadcast %broadcast_in_dim3A_407 : vector<150x1x60xf32> to vector<150x3x60xf32>
    %add3A_409 = arith.addf %dot_general3A_404, %add3A_408 : vector<150x3x60xf32>
    %max3A_410 = arith.constant 0.000000e+00 : f32
    %max3A_411 = vector.broadcast %max3A_410 : f32 to vector<150x3x60xf32>
    %max3A_412 = arith.maximumf %add3A_409, %max3A_411 : vector<150x3x60xf32>
    %broadcast_in_dim3A_413 = vector.shape_cast %max3A_412 : vector<150x3x60xf32> to vector<150x3x1x60xf32>
    %slice3A_414 = vector.extract_strided_slice %concatenate3A {offsets = [0, 0, 17, 0], sizes = [150, 3, 1, 60], strides = [1, 1, 1, 1]} : vector<150x3x25x60xf32> to vector<150x3x1x60xf32>
    %squeeze3A_415 = vector.shape_cast %slice3A_414 : vector<150x3x1x60xf32> to vector<150x3x60xf32>
    %get3A_416 = arith.constant 17 : index
    %get3A_417 = arith.constant 0 : index
    %get3A_418 = arith.constant 0 : index
    %get3A_419 = vector.load %arg4[%get3A_416, %get3A_417, %get3A_418] : memref<25x60x60xf32, #tpu.memory_space<vmem>>, vector<1x60x60xf32>
    %get3A_420 = vector.shape_cast %get3A_419 : vector<1x60x60xf32> to vector<60x60xf32>
    %convert_element_type3A_421 = arith.truncf %squeeze3A_415 : vector<150x3x60xf32> to vector<150x3x60xbf16>
    %convert_element_type3A_422 = arith.truncf %get3A_420 : vector<60x60xf32> to vector<60x60xbf16>
    %dot_general3A_423 = arith.constant dense<0.000000e+00> : vector<150x3x60xf32>
    %dot_general3A_424 = tpu.matmul %convert_element_type3A_421, %convert_element_type3A_422, %dot_general3A_423 {dimension_numbers = #tpu.dot_dimension_numbers<[2], [1], [0, 1], [0], [0, 0, 0, 1, 1, 0], [], []>, transpose_lhs_hint = false} : vector<150x3x60xbf16>, vector<60x60xbf16>, vector<150x3x60xf32> -> vector<150x3x60xf32>
    %slice3A_425 = vector.extract_strided_slice %add3A_72 {offsets = [0, 17, 0], sizes = [150, 1, 60], strides = [1, 1, 1]} : vector<150x25x60xf32> to vector<150x1x60xf32>
    %squeeze3A_426 = vector.shape_cast %slice3A_425 : vector<150x1x60xf32> to vector<150x60xf32>
    %broadcast_in_dim3A_427 = vector.shape_cast %squeeze3A_426 : vector<150x60xf32> to vector<150x1x60xf32>
    %add3A_428 = vector.broadcast %broadcast_in_dim3A_427 : vector<150x1x60xf32> to vector<150x3x60xf32>
    %add3A_429 = arith.addf %dot_general3A_424, %add3A_428 : vector<150x3x60xf32>
    %max3A_430 = arith.constant 0.000000e+00 : f32
    %max3A_431 = vector.broadcast %max3A_430 : f32 to vector<150x3x60xf32>
    %max3A_432 = arith.maximumf %add3A_429, %max3A_431 : vector<150x3x60xf32>
    %broadcast_in_dim3A_433 = vector.shape_cast %max3A_432 : vector<150x3x60xf32> to vector<150x3x1x60xf32>
    %slice3A_434 = vector.extract_strided_slice %concatenate3A {offsets = [0, 0, 18, 0], sizes = [150, 3, 1, 60], strides = [1, 1, 1, 1]} : vector<150x3x25x60xf32> to vector<150x3x1x60xf32>
    %squeeze3A_435 = vector.shape_cast %slice3A_434 : vector<150x3x1x60xf32> to vector<150x3x60xf32>
    %get3A_436 = arith.constant 18 : index
    %get3A_437 = arith.constant 0 : index
    %get3A_438 = arith.constant 0 : index
    %get3A_439 = vector.load %arg4[%get3A_436, %get3A_437, %get3A_438] : memref<25x60x60xf32, #tpu.memory_space<vmem>>, vector<1x60x60xf32>
    %get3A_440 = vector.shape_cast %get3A_439 : vector<1x60x60xf32> to vector<60x60xf32>
    %convert_element_type3A_441 = arith.truncf %squeeze3A_435 : vector<150x3x60xf32> to vector<150x3x60xbf16>
    %convert_element_type3A_442 = arith.truncf %get3A_440 : vector<60x60xf32> to vector<60x60xbf16>
    %dot_general3A_443 = arith.constant dense<0.000000e+00> : vector<150x3x60xf32>
    %dot_general3A_444 = tpu.matmul %convert_element_type3A_441, %convert_element_type3A_442, %dot_general3A_443 {dimension_numbers = #tpu.dot_dimension_numbers<[2], [1], [0, 1], [0], [0, 0, 0, 1, 1, 0], [], []>, transpose_lhs_hint = false} : vector<150x3x60xbf16>, vector<60x60xbf16>, vector<150x3x60xf32> -> vector<150x3x60xf32>
    %slice3A_445 = vector.extract_strided_slice %add3A_72 {offsets = [0, 18, 0], sizes = [150, 1, 60], strides = [1, 1, 1]} : vector<150x25x60xf32> to vector<150x1x60xf32>
    %squeeze3A_446 = vector.shape_cast %slice3A_445 : vector<150x1x60xf32> to vector<150x60xf32>
    %broadcast_in_dim3A_447 = vector.shape_cast %squeeze3A_446 : vector<150x60xf32> to vector<150x1x60xf32>
    %add3A_448 = vector.broadcast %broadcast_in_dim3A_447 : vector<150x1x60xf32> to vector<150x3x60xf32>
    %add3A_449 = arith.addf %dot_general3A_444, %add3A_448 : vector<150x3x60xf32>
    %max3A_450 = arith.constant 0.000000e+00 : f32
    %max3A_451 = vector.broadcast %max3A_450 : f32 to vector<150x3x60xf32>
    %max3A_452 = arith.maximumf %add3A_449, %max3A_451 : vector<150x3x60xf32>
    %broadcast_in_dim3A_453 = vector.shape_cast %max3A_452 : vector<150x3x60xf32> to vector<150x3x1x60xf32>
    %slice3A_454 = vector.extract_strided_slice %concatenate3A {offsets = [0, 0, 19, 0], sizes = [150, 3, 1, 60], strides = [1, 1, 1, 1]} : vector<150x3x25x60xf32> to vector<150x3x1x60xf32>
    %squeeze3A_455 = vector.shape_cast %slice3A_454 : vector<150x3x1x60xf32> to vector<150x3x60xf32>
    %get3A_456 = arith.constant 19 : index
    %get3A_457 = arith.constant 0 : index
    %get3A_458 = arith.constant 0 : index
    %get3A_459 = vector.load %arg4[%get3A_456, %get3A_457, %get3A_458] : memref<25x60x60xf32, #tpu.memory_space<vmem>>, vector<1x60x60xf32>
    %get3A_460 = vector.shape_cast %get3A_459 : vector<1x60x60xf32> to vector<60x60xf32>
    %convert_element_type3A_461 = arith.truncf %squeeze3A_455 : vector<150x3x60xf32> to vector<150x3x60xbf16>
    %convert_element_type3A_462 = arith.truncf %get3A_460 : vector<60x60xf32> to vector<60x60xbf16>
    %dot_general3A_463 = arith.constant dense<0.000000e+00> : vector<150x3x60xf32>
    %dot_general3A_464 = tpu.matmul %convert_element_type3A_461, %convert_element_type3A_462, %dot_general3A_463 {dimension_numbers = #tpu.dot_dimension_numbers<[2], [1], [0, 1], [0], [0, 0, 0, 1, 1, 0], [], []>, transpose_lhs_hint = false} : vector<150x3x60xbf16>, vector<60x60xbf16>, vector<150x3x60xf32> -> vector<150x3x60xf32>
    %slice3A_465 = vector.extract_strided_slice %add3A_72 {offsets = [0, 19, 0], sizes = [150, 1, 60], strides = [1, 1, 1]} : vector<150x25x60xf32> to vector<150x1x60xf32>
    %squeeze3A_466 = vector.shape_cast %slice3A_465 : vector<150x1x60xf32> to vector<150x60xf32>
    %broadcast_in_dim3A_467 = vector.shape_cast %squeeze3A_466 : vector<150x60xf32> to vector<150x1x60xf32>
    %add3A_468 = vector.broadcast %broadcast_in_dim3A_467 : vector<150x1x60xf32> to vector<150x3x60xf32>
    %add3A_469 = arith.addf %dot_general3A_464, %add3A_468 : vector<150x3x60xf32>
    %max3A_470 = arith.constant 0.000000e+00 : f32
    %max3A_471 = vector.broadcast %max3A_470 : f32 to vector<150x3x60xf32>
    %max3A_472 = arith.maximumf %add3A_469, %max3A_471 : vector<150x3x60xf32>
    %broadcast_in_dim3A_473 = vector.shape_cast %max3A_472 : vector<150x3x60xf32> to vector<150x3x1x60xf32>
    %slice3A_474 = vector.extract_strided_slice %concatenate3A {offsets = [0, 0, 20, 0], sizes = [150, 3, 1, 60], strides = [1, 1, 1, 1]} : vector<150x3x25x60xf32> to vector<150x3x1x60xf32>
    %squeeze3A_475 = vector.shape_cast %slice3A_474 : vector<150x3x1x60xf32> to vector<150x3x60xf32>
    %get3A_476 = arith.constant 20 : index
    %get3A_477 = arith.constant 0 : index
    %get3A_478 = arith.constant 0 : index
    %get3A_479 = vector.load %arg4[%get3A_476, %get3A_477, %get3A_478] : memref<25x60x60xf32, #tpu.memory_space<vmem>>, vector<1x60x60xf32>
    %get3A_480 = vector.shape_cast %get3A_479 : vector<1x60x60xf32> to vector<60x60xf32>
    %convert_element_type3A_481 = arith.truncf %squeeze3A_475 : vector<150x3x60xf32> to vector<150x3x60xbf16>
    %convert_element_type3A_482 = arith.truncf %get3A_480 : vector<60x60xf32> to vector<60x60xbf16>
    %dot_general3A_483 = arith.constant dense<0.000000e+00> : vector<150x3x60xf32>
    %dot_general3A_484 = tpu.matmul %convert_element_type3A_481, %convert_element_type3A_482, %dot_general3A_483 {dimension_numbers = #tpu.dot_dimension_numbers<[2], [1], [0, 1], [0], [0, 0, 0, 1, 1, 0], [], []>, transpose_lhs_hint = false} : vector<150x3x60xbf16>, vector<60x60xbf16>, vector<150x3x60xf32> -> vector<150x3x60xf32>
    %slice3A_485 = vector.extract_strided_slice %add3A_72 {offsets = [0, 20, 0], sizes = [150, 1, 60], strides = [1, 1, 1]} : vector<150x25x60xf32> to vector<150x1x60xf32>
    %squeeze3A_486 = vector.shape_cast %slice3A_485 : vector<150x1x60xf32> to vector<150x60xf32>
    %broadcast_in_dim3A_487 = vector.shape_cast %squeeze3A_486 : vector<150x60xf32> to vector<150x1x60xf32>
    %add3A_488 = vector.broadcast %broadcast_in_dim3A_487 : vector<150x1x60xf32> to vector<150x3x60xf32>
    %add3A_489 = arith.addf %dot_general3A_484, %add3A_488 : vector<150x3x60xf32>
    %max3A_490 = arith.constant 0.000000e+00 : f32
    %max3A_491 = vector.broadcast %max3A_490 : f32 to vector<150x3x60xf32>
    %max3A_492 = arith.maximumf %add3A_489, %max3A_491 : vector<150x3x60xf32>
    %broadcast_in_dim3A_493 = vector.shape_cast %max3A_492 : vector<150x3x60xf32> to vector<150x3x1x60xf32>
    %slice3A_494 = vector.extract_strided_slice %concatenate3A {offsets = [0, 0, 21, 0], sizes = [150, 3, 1, 60], strides = [1, 1, 1, 1]} : vector<150x3x25x60xf32> to vector<150x3x1x60xf32>
    %squeeze3A_495 = vector.shape_cast %slice3A_494 : vector<150x3x1x60xf32> to vector<150x3x60xf32>
    %get3A_496 = arith.constant 21 : index
    %get3A_497 = arith.constant 0 : index
    %get3A_498 = arith.constant 0 : index
    %get3A_499 = vector.load %arg4[%get3A_496, %get3A_497, %get3A_498] : memref<25x60x60xf32, #tpu.memory_space<vmem>>, vector<1x60x60xf32>
    %get3A_500 = vector.shape_cast %get3A_499 : vector<1x60x60xf32> to vector<60x60xf32>
    %convert_element_type3A_501 = arith.truncf %squeeze3A_495 : vector<150x3x60xf32> to vector<150x3x60xbf16>
    %convert_element_type3A_502 = arith.truncf %get3A_500 : vector<60x60xf32> to vector<60x60xbf16>
    %dot_general3A_503 = arith.constant dense<0.000000e+00> : vector<150x3x60xf32>
    %dot_general3A_504 = tpu.matmul %convert_element_type3A_501, %convert_element_type3A_502, %dot_general3A_503 {dimension_numbers = #tpu.dot_dimension_numbers<[2], [1], [0, 1], [0], [0, 0, 0, 1, 1, 0], [], []>, transpose_lhs_hint = false} : vector<150x3x60xbf16>, vector<60x60xbf16>, vector<150x3x60xf32> -> vector<150x3x60xf32>
    %slice3A_505 = vector.extract_strided_slice %add3A_72 {offsets = [0, 21, 0], sizes = [150, 1, 60], strides = [1, 1, 1]} : vector<150x25x60xf32> to vector<150x1x60xf32>
    %squeeze3A_506 = vector.shape_cast %slice3A_505 : vector<150x1x60xf32> to vector<150x60xf32>
    %broadcast_in_dim3A_507 = vector.shape_cast %squeeze3A_506 : vector<150x60xf32> to vector<150x1x60xf32>
    %add3A_508 = vector.broadcast %broadcast_in_dim3A_507 : vector<150x1x60xf32> to vector<150x3x60xf32>
    %add3A_509 = arith.addf %dot_general3A_504, %add3A_508 : vector<150x3x60xf32>
    %max3A_510 = arith.constant 0.000000e+00 : f32
    %max3A_511 = vector.broadcast %max3A_510 : f32 to vector<150x3x60xf32>
    %max3A_512 = arith.maximumf %add3A_509, %max3A_511 : vector<150x3x60xf32>
    %broadcast_in_dim3A_513 = vector.shape_cast %max3A_512 : vector<150x3x60xf32> to vector<150x3x1x60xf32>
    %slice3A_514 = vector.extract_strided_slice %concatenate3A {offsets = [0, 0, 22, 0], sizes = [150, 3, 1, 60], strides = [1, 1, 1, 1]} : vector<150x3x25x60xf32> to vector<150x3x1x60xf32>
    %squeeze3A_515 = vector.shape_cast %slice3A_514 : vector<150x3x1x60xf32> to vector<150x3x60xf32>
    %get3A_516 = arith.constant 22 : index
    %get3A_517 = arith.constant 0 : index
    %get3A_518 = arith.constant 0 : index
    %get3A_519 = vector.load %arg4[%get3A_516, %get3A_517, %get3A_518] : memref<25x60x60xf32, #tpu.memory_space<vmem>>, vector<1x60x60xf32>
    %get3A_520 = vector.shape_cast %get3A_519 : vector<1x60x60xf32> to vector<60x60xf32>
    %convert_element_type3A_521 = arith.truncf %squeeze3A_515 : vector<150x3x60xf32> to vector<150x3x60xbf16>
    %convert_element_type3A_522 = arith.truncf %get3A_520 : vector<60x60xf32> to vector<60x60xbf16>
    %dot_general3A_523 = arith.constant dense<0.000000e+00> : vector<150x3x60xf32>
    %dot_general3A_524 = tpu.matmul %convert_element_type3A_521, %convert_element_type3A_522, %dot_general3A_523 {dimension_numbers = #tpu.dot_dimension_numbers<[2], [1], [0, 1], [0], [0, 0, 0, 1, 1, 0], [], []>, transpose_lhs_hint = false} : vector<150x3x60xbf16>, vector<60x60xbf16>, vector<150x3x60xf32> -> vector<150x3x60xf32>
    %slice3A_525 = vector.extract_strided_slice %add3A_72 {offsets = [0, 22, 0], sizes = [150, 1, 60], strides = [1, 1, 1]} : vector<150x25x60xf32> to vector<150x1x60xf32>
    %squeeze3A_526 = vector.shape_cast %slice3A_525 : vector<150x1x60xf32> to vector<150x60xf32>
    %broadcast_in_dim3A_527 = vector.shape_cast %squeeze3A_526 : vector<150x60xf32> to vector<150x1x60xf32>
    %add3A_528 = vector.broadcast %broadcast_in_dim3A_527 : vector<150x1x60xf32> to vector<150x3x60xf32>
    %add3A_529 = arith.addf %dot_general3A_524, %add3A_528 : vector<150x3x60xf32>
    %max3A_530 = arith.constant 0.000000e+00 : f32
    %max3A_531 = vector.broadcast %max3A_530 : f32 to vector<150x3x60xf32>
    %max3A_532 = arith.maximumf %add3A_529, %max3A_531 : vector<150x3x60xf32>
    %broadcast_in_dim3A_533 = vector.shape_cast %max3A_532 : vector<150x3x60xf32> to vector<150x3x1x60xf32>
    %slice3A_534 = vector.extract_strided_slice %concatenate3A {offsets = [0, 0, 23, 0], sizes = [150, 3, 1, 60], strides = [1, 1, 1, 1]} : vector<150x3x25x60xf32> to vector<150x3x1x60xf32>
    %squeeze3A_535 = vector.shape_cast %slice3A_534 : vector<150x3x1x60xf32> to vector<150x3x60xf32>
    %get3A_536 = arith.constant 23 : index
    %get3A_537 = arith.constant 0 : index
    %get3A_538 = arith.constant 0 : index
    %get3A_539 = vector.load %arg4[%get3A_536, %get3A_537, %get3A_538] : memref<25x60x60xf32, #tpu.memory_space<vmem>>, vector<1x60x60xf32>
    %get3A_540 = vector.shape_cast %get3A_539 : vector<1x60x60xf32> to vector<60x60xf32>
    %convert_element_type3A_541 = arith.truncf %squeeze3A_535 : vector<150x3x60xf32> to vector<150x3x60xbf16>
    %convert_element_type3A_542 = arith.truncf %get3A_540 : vector<60x60xf32> to vector<60x60xbf16>
    %dot_general3A_543 = arith.constant dense<0.000000e+00> : vector<150x3x60xf32>
    %dot_general3A_544 = tpu.matmul %convert_element_type3A_541, %convert_element_type3A_542, %dot_general3A_543 {dimension_numbers = #tpu.dot_dimension_numbers<[2], [1], [0, 1], [0], [0, 0, 0, 1, 1, 0], [], []>, transpose_lhs_hint = false} : vector<150x3x60xbf16>, vector<60x60xbf16>, vector<150x3x60xf32> -> vector<150x3x60xf32>
    %slice3A_545 = vector.extract_strided_slice %add3A_72 {offsets = [0, 23, 0], sizes = [150, 1, 60], strides = [1, 1, 1]} : vector<150x25x60xf32> to vector<150x1x60xf32>
    %squeeze3A_546 = vector.shape_cast %slice3A_545 : vector<150x1x60xf32> to vector<150x60xf32>
    %broadcast_in_dim3A_547 = vector.shape_cast %squeeze3A_546 : vector<150x60xf32> to vector<150x1x60xf32>
    %add3A_548 = vector.broadcast %broadcast_in_dim3A_547 : vector<150x1x60xf32> to vector<150x3x60xf32>
    %add3A_549 = arith.addf %dot_general3A_544, %add3A_548 : vector<150x3x60xf32>
    %max3A_550 = arith.constant 0.000000e+00 : f32
    %max3A_551 = vector.broadcast %max3A_550 : f32 to vector<150x3x60xf32>
    %max3A_552 = arith.maximumf %add3A_549, %max3A_551 : vector<150x3x60xf32>
    %broadcast_in_dim3A_553 = vector.shape_cast %max3A_552 : vector<150x3x60xf32> to vector<150x3x1x60xf32>
    %slice3A_554 = vector.extract_strided_slice %concatenate3A {offsets = [0, 0, 24, 0], sizes = [150, 3, 1, 60], strides = [1, 1, 1, 1]} : vector<150x3x25x60xf32> to vector<150x3x1x60xf32>
    %squeeze3A_555 = vector.shape_cast %slice3A_554 : vector<150x3x1x60xf32> to vector<150x3x60xf32>
    %get3A_556 = arith.constant 24 : index
    %get3A_557 = arith.constant 0 : index
    %get3A_558 = arith.constant 0 : index
    %get3A_559 = vector.load %arg4[%get3A_556, %get3A_557, %get3A_558] : memref<25x60x60xf32, #tpu.memory_space<vmem>>, vector<1x60x60xf32>
    %get3A_560 = vector.shape_cast %get3A_559 : vector<1x60x60xf32> to vector<60x60xf32>
    %convert_element_type3A_561 = arith.truncf %squeeze3A_555 : vector<150x3x60xf32> to vector<150x3x60xbf16>
    %convert_element_type3A_562 = arith.truncf %get3A_560 : vector<60x60xf32> to vector<60x60xbf16>
    %dot_general3A_563 = arith.constant dense<0.000000e+00> : vector<150x3x60xf32>
    %dot_general3A_564 = tpu.matmul %convert_element_type3A_561, %convert_element_type3A_562, %dot_general3A_563 {dimension_numbers = #tpu.dot_dimension_numbers<[2], [1], [0, 1], [0], [0, 0, 0, 1, 1, 0], [], []>, transpose_lhs_hint = false} : vector<150x3x60xbf16>, vector<60x60xbf16>, vector<150x3x60xf32> -> vector<150x3x60xf32>
    %slice3A_565 = vector.extract_strided_slice %add3A_72 {offsets = [0, 24, 0], sizes = [150, 1, 60], strides = [1, 1, 1]} : vector<150x25x60xf32> to vector<150x1x60xf32>
    %squeeze3A_566 = vector.shape_cast %slice3A_565 : vector<150x1x60xf32> to vector<150x60xf32>
    %broadcast_in_dim3A_567 = vector.shape_cast %squeeze3A_566 : vector<150x60xf32> to vector<150x1x60xf32>
    %add3A_568 = vector.broadcast %broadcast_in_dim3A_567 : vector<150x1x60xf32> to vector<150x3x60xf32>
    %add3A_569 = arith.addf %dot_general3A_564, %add3A_568 : vector<150x3x60xf32>
    %max3A_570 = arith.constant 0.000000e+00 : f32
    %max3A_571 = vector.broadcast %max3A_570 : f32 to vector<150x3x60xf32>
    %max3A_572 = arith.maximumf %add3A_569, %max3A_571 : vector<150x3x60xf32>
    %broadcast_in_dim3A_573 = vector.shape_cast %max3A_572 : vector<150x3x60xf32> to vector<150x3x1x60xf32>
    %concatenate3A_574 = tpu.concatenate %broadcast_in_dim3A_93, %broadcast_in_dim3A_113, %broadcast_in_dim3A_133, %broadcast_in_dim3A_153, %broadcast_in_dim3A_173, %broadcast_in_dim3A_193, %broadcast_in_dim3A_213, %broadcast_in_dim3A_233, %broadcast_in_dim3A_253, %broadcast_in_dim3A_273, %broadcast_in_dim3A_293, %broadcast_in_dim3A_313, %broadcast_in_dim3A_333, %broadcast_in_dim3A_353, %broadcast_in_dim3A_373, %broadcast_in_dim3A_393, %broadcast_in_dim3A_413, %broadcast_in_dim3A_433, %broadcast_in_dim3A_453, %broadcast_in_dim3A_473, %broadcast_in_dim3A_493, %broadcast_in_dim3A_513, %broadcast_in_dim3A_533, %broadcast_in_dim3A_553, %broadcast_in_dim3A_573 in 2 : vector<150x3x1x60xf32>, vector<150x3x1x60xf32>, vector<150x3x1x60xf32>, vector<150x3x1x60xf32>, vector<150x3x1x60xf32>, vector<150x3x1x60xf32>, vector<150x3x1x60xf32>, vector<150x3x1x60xf32>, vector<150x3x1x60xf32>, vector<150x3x1x60xf32>, vector<150x3x1x60xf32>, vector<150x3x1x60xf32>, vector<150x3x1x60xf32>, vector<150x3x1x60xf32>, vector<150x3x1x60xf32>, vector<150x3x1x60xf32>, vector<150x3x1x60xf32>, vector<150x3x1x60xf32>, vector<150x3x1x60xf32>, vector<150x3x1x60xf32>, vector<150x3x1x60xf32>, vector<150x3x1x60xf32>, vector<150x3x1x60xf32>, vector<150x3x1x60xf32>, vector<150x3x1x60xf32> -> vector<150x3x25x60xf32>
    %slice3A_575 = vector.extract_strided_slice %concatenate3A_574 {offsets = [0, 0, 0, 0], sizes = [150, 1, 25, 60], strides = [1, 1, 1, 1]} : vector<150x3x25x60xf32> to vector<150x1x25x60xf32>
    %squeeze3A_576 = vector.shape_cast %slice3A_575 : vector<150x1x25x60xf32> to vector<150x25x60xf32>
    %reshape3A_577 = vector.shape_cast %squeeze3A_576 : vector<150x25x60xf32> to vector<3750x60xf32>
    %get3A_578 = arith.constant 0 : index
    %get3A_579 = arith.constant 0 : index
    %get3A_580 = arith.constant 0 : index
    %get3A_581 = vector.load %arg5[%get3A_578, %get3A_579, %get3A_580] : memref<3x60x60xf32, #tpu.memory_space<vmem>>, vector<1x60x60xf32>
    %get3A_582 = vector.shape_cast %get3A_581 : vector<1x60x60xf32> to vector<60x60xf32>
    %convert_element_type3A_583 = arith.truncf %reshape3A_577 : vector<3750x60xf32> to vector<3750x60xbf16>
    %convert_element_type3A_584 = arith.truncf %get3A_582 : vector<60x60xf32> to vector<60x60xbf16>
    %dot_general3A_585 = arith.constant dense<0.000000e+00> : vector<3750x60xf32>
    %dot_general3A_586 = tpu.matmul %convert_element_type3A_583, %convert_element_type3A_584, %dot_general3A_585 {dimension_numbers = #tpu.dot_dimension_numbers<[1], [0], [0], [1], [0, 0, 1, 1], [], []>, transpose_lhs_hint = false} : vector<3750x60xbf16>, vector<60x60xbf16>, vector<3750x60xf32> -> vector<3750x60xf32>
    %slice3A_587 = vector.extract_strided_slice %concatenate3A_574 {offsets = [0, 1, 0, 0], sizes = [150, 1, 25, 60], strides = [1, 1, 1, 1]} : vector<150x3x25x60xf32> to vector<150x1x25x60xf32>
    %squeeze3A_588 = vector.shape_cast %slice3A_587 : vector<150x1x25x60xf32> to vector<150x25x60xf32>
    %reshape3A_589 = vector.shape_cast %squeeze3A_588 : vector<150x25x60xf32> to vector<3750x60xf32>
    %get3A_590 = arith.constant 1 : index
    %get3A_591 = arith.constant 0 : index
    %get3A_592 = arith.constant 0 : index
    %get3A_593 = vector.load %arg5[%get3A_590, %get3A_591, %get3A_592] : memref<3x60x60xf32, #tpu.memory_space<vmem>>, vector<1x60x60xf32>
    %get3A_594 = vector.shape_cast %get3A_593 : vector<1x60x60xf32> to vector<60x60xf32>
    %convert_element_type3A_595 = arith.truncf %reshape3A_589 : vector<3750x60xf32> to vector<3750x60xbf16>
    %convert_element_type3A_596 = arith.truncf %get3A_594 : vector<60x60xf32> to vector<60x60xbf16>
    %dot_general3A_597 = arith.constant dense<0.000000e+00> : vector<3750x60xf32>
    %dot_general3A_598 = tpu.matmul %convert_element_type3A_595, %convert_element_type3A_596, %dot_general3A_597 {dimension_numbers = #tpu.dot_dimension_numbers<[1], [0], [0], [1], [0, 0, 1, 1], [], []>, transpose_lhs_hint = false} : vector<3750x60xbf16>, vector<60x60xbf16>, vector<3750x60xf32> -> vector<3750x60xf32>
    %add3A_599 = arith.addf %dot_general3A_586, %dot_general3A_598 : vector<3750x60xf32>
    %slice3A_600 = vector.extract_strided_slice %concatenate3A_574 {offsets = [0, 2, 0, 0], sizes = [150, 1, 25, 60], strides = [1, 1, 1, 1]} : vector<150x3x25x60xf32> to vector<150x1x25x60xf32>
    %squeeze3A_601 = vector.shape_cast %slice3A_600 : vector<150x1x25x60xf32> to vector<150x25x60xf32>
    %reshape3A_602 = vector.shape_cast %squeeze3A_601 : vector<150x25x60xf32> to vector<3750x60xf32>
    %get3A_603 = arith.constant 2 : index
    %get3A_604 = arith.constant 0 : index
    %get3A_605 = arith.constant 0 : index
    %get3A_606 = vector.load %arg5[%get3A_603, %get3A_604, %get3A_605] : memref<3x60x60xf32, #tpu.memory_space<vmem>>, vector<1x60x60xf32>
    %get3A_607 = vector.shape_cast %get3A_606 : vector<1x60x60xf32> to vector<60x60xf32>
    %convert_element_type3A_608 = arith.truncf %reshape3A_602 : vector<3750x60xf32> to vector<3750x60xbf16>
    %convert_element_type3A_609 = arith.truncf %get3A_607 : vector<60x60xf32> to vector<60x60xbf16>
    %dot_general3A_610 = arith.constant dense<0.000000e+00> : vector<3750x60xf32>
    %dot_general3A_611 = tpu.matmul %convert_element_type3A_608, %convert_element_type3A_609, %dot_general3A_610 {dimension_numbers = #tpu.dot_dimension_numbers<[1], [0], [0], [1], [0, 0, 1, 1], [], []>, transpose_lhs_hint = false} : vector<3750x60xbf16>, vector<60x60xbf16>, vector<3750x60xf32> -> vector<3750x60xf32>
    %add3A_612 = arith.addf %add3A_599, %dot_general3A_611 : vector<3750x60xf32>
    %reshape3A_613 = vector.shape_cast %add3A_612 : vector<3750x60xf32> to vector<150x25x60xf32>
    %swap3A = arith.constant 0 : index
    %swap3A_614 = arith.constant 0 : index
    %swap3A_615 = arith.constant 0 : index
    %swap3A_616 = arith.constant 0 : index
    %swap3A_617 = vector.load %arg6[%swap3A, %swap3A_614, %swap3A_615, %swap3A_616] : memref<1x150x25x60xf32, #tpu.memory_space<vmem>>, vector<1x150x25x60xf32>
    %swap3A_618 = vector.shape_cast %swap3A_617 : vector<1x150x25x60xf32> to vector<150x25x60xf32>
    %swap3A_619 = vector.shape_cast %reshape3A_613 : vector<150x25x60xf32> to vector<1x150x25x60xf32>
    tpu.vector_store %arg6[%swap3A, %swap3A_614, %swap3A_615, %swap3A_616], %swap3A_619 {strides = array<i32>} : memref<1x150x25x60xf32, #tpu.memory_space<vmem>>, vector<1x150x25x60xf32>,
    return
  }
  func.func @transform_0(%arg0: i32) -> (i32, i32, i32, i32) {
    %c0_i32 = arith.constant 0 : i32
    %c0_i32_0 = arith.constant 0 : i32
    %c0_i32_1 = arith.constant 0 : i32
    %c0_i32_2 = arith.constant 0 : i32
    return %arg0, %c0_i32, %c0_i32_0, %c0_i32_1 : i32, i32, i32, i32
  }
  func.func @transform_1(%arg0: i32) -> (i32, i32) {
    %c0_i32 = arith.constant 0 : i32
    %c0_i32_0 = arith.constant 0 : i32
    %c0_i32_1 = arith.constant 0 : i32
    return %c0_i32, %c0_i32_0 : i32, i32
  }
  func.func @transform_2(%arg0: i32) -> (i32, i32) {
    %c0_i32 = arith.constant 0 : i32
    %c0_i32_0 = arith.constant 0 : i32
    %c0_i32_1 = arith.constant 0 : i32
    return %c0_i32, %c0_i32_0 : i32, i32
  }
  func.func @transform_3(%arg0: i32) -> (i32, i32, i32) {
    %c0_i32 = arith.constant 0 : i32
    %c0_i32_0 = arith.constant 0 : i32
    %c0_i32_1 = arith.constant 0 : i32
    %c0_i32_2 = arith.constant 0 : i32
    return %c0_i32, %c0_i32_0, %c0_i32_1 : i32, i32, i32
  }
  func.func @transform_4(%arg0: i32) -> (i32, i32, i32) {
    %c0_i32 = arith.constant 0 : i32
    %c0_i32_0 = arith.constant 0 : i32
    %c0_i32_1 = arith.constant 0 : i32
    %c0_i32_2 = arith.constant 0 : i32
    return %c0_i32, %c0_i32_0, %c0_i32_1 : i32, i32, i32
  }
  func.func @transform_5(%arg0: i32) -> (i32, i32, i32, i32) {
    %c0_i32 = arith.constant 0 : i32
    %c0_i32_0 = arith.constant 0 : i32
    %c0_i32_1 = arith.constant 0 : i32
    %c0_i32_2 = arith.constant 0 : i32
    return %arg0, %c0_i32, %c0_i32_0, %c0_i32_1 : i32, i32, i32, i32
  }
}

module attributes {stable_mosaic.version = 14 : i64} {
  func.func @body(%arg0: i32, %arg1: memref<1x150x25x60xf32, #tpu.memory_space<vmem>>, %arg2: memref<1x150x25x60xf32, #tpu.memory_space<vmem>>, %arg3: memref<1x150x25x60xf32, #tpu.memory_space<vmem>>, %arg4: memref<60x60xf32, #tpu.memory_space<vmem>>, %arg5: memref<120x40xf32, #tpu.memory_space<vmem>>, %arg6: memref<1x150x25x60xf32, #tpu.memory_space<vmem>>) attributes {dimension_semantics = [#tpu.dimension_semantics<parallel>], iteration_bounds = array<i64: 64>, scalar_prefetch = 0 : i64, scratch_operands = 0 : i64, tpu.core_type = #tpu.core_type<tc>, window_params = [{transform_indices = @transform_0, window_bounds = array<i64: 1, 150, 25, 60>}, {transform_indices = @transform_1, window_bounds = array<i64: 1, 150, 25, 60>}, {transform_indices = @transform_2, window_bounds = array<i64: 1, 150, 25, 60>}, {pipeline_mode = #tpu.pipeline_mode<synchronous>, transform_indices = @transform_3, window_bounds = array<i64: 60, 60>}, {pipeline_mode = #tpu.pipeline_mode<synchronous>, transform_indices = @transform_4, window_bounds = array<i64: 120, 40>}, {transform_indices = @transform_5, window_bounds = array<i64: 1, 150, 25, 60>}]} {
    %get3A = arith.constant 0 : index
    %get3A_0 = arith.constant 0 : index
    %get3A_1 = arith.constant 0 : index
    %get3A_2 = arith.constant 0 : index
    %get3A_3 = vector.load %arg1[%get3A, %get3A_0, %get3A_1, %get3A_2] : memref<1x150x25x60xf32, #tpu.memory_space<vmem>>, vector<1x150x25x60xf32>
    %get3A_4 = vector.shape_cast %get3A_3 : vector<1x150x25x60xf32> to vector<150x25x60xf32>
    %get3A_5 = arith.constant 0 : index
    %get3A_6 = arith.constant 0 : index
    %get3A_7 = arith.constant 0 : index
    %get3A_8 = arith.constant 0 : index
    %get3A_9 = vector.load %arg2[%get3A_5, %get3A_6, %get3A_7, %get3A_8] : memref<1x150x25x60xf32, #tpu.memory_space<vmem>>, vector<1x150x25x60xf32>
    %get3A_10 = vector.shape_cast %get3A_9 : vector<1x150x25x60xf32> to vector<150x25x60xf32>
    %add3A = arith.addf %get3A_4, %get3A_10 : vector<150x25x60xf32>
    %get3A_11 = arith.constant 0 : index
    %get3A_12 = arith.constant 0 : index
    %get3A_13 = arith.constant 0 : index
    %get3A_14 = arith.constant 0 : index
    %get3A_15 = vector.load %arg3[%get3A_11, %get3A_12, %get3A_13, %get3A_14] : memref<1x150x25x60xf32, #tpu.memory_space<vmem>>, vector<1x150x25x60xf32>
    %get3A_16 = vector.shape_cast %get3A_15 : vector<1x150x25x60xf32> to vector<150x25x60xf32>
    %add3A_17 = arith.addf %add3A, %get3A_16 : vector<150x25x60xf32>
    %max3A = arith.constant 0.000000e+00 : f32
    %max3A_18 = vector.broadcast %max3A : f32 to vector<150x25x60xf32>
    %max3A_19 = arith.maximumf %add3A_17, %max3A_18 : vector<150x25x60xf32>
    %reshape3A = vector.shape_cast %max3A_19 : vector<150x25x60xf32> to vector<3750x60xf32>
    %get3A_20 = arith.constant 0 : index
    %get3A_21 = arith.constant 0 : index
    %get3A_22 = vector.load %arg4[%get3A_20, %get3A_21] : memref<60x60xf32, #tpu.memory_space<vmem>>, vector<60x60xf32>
    %convert_element_type3A = arith.truncf %reshape3A : vector<3750x60xf32> to vector<3750x60xbf16>
    %convert_element_type3A_23 = arith.truncf %get3A_22 : vector<60x60xf32> to vector<60x60xbf16>
    %dot_general3A = arith.constant dense<0.000000e+00> : vector<3750x60xf32>
    %dot_general3A_24 = tpu.matmul %convert_element_type3A, %convert_element_type3A_23, %dot_general3A {dimension_numbers = #tpu.dot_dimension_numbers<[1], [1], [0], [0], [0, 0, 1, 0], [], []>, transpose_lhs_hint = false} : vector<3750x60xbf16>, vector<60x60xbf16>, vector<3750x60xf32> -> vector<3750x60xf32>
    %reshape3A_25 = vector.shape_cast %dot_general3A_24 : vector<3750x60xf32> to vector<150x25x60xf32>
    %slice3A = vector.extract_strided_slice %reshape3A_25 {offsets = [0, 0, 0], sizes = [150, 25, 50], strides = [1, 1, 1]} : vector<150x25x60xf32> to vector<150x25x50xf32>
    %max3A_26 = arith.constant 0.000000e+00 : f32
    %max3A_27 = vector.broadcast %max3A_26 : f32 to vector<150x25x50xf32>
    %max3A_28 = arith.maximumf %slice3A, %max3A_27 : vector<150x25x50xf32>
    %slice3A_29 = vector.extract_strided_slice %max3A_28 {offsets = [0, 0, 0], sizes = [150, 25, 40], strides = [1, 1, 1]} : vector<150x25x50xf32> to vector<150x25x40xf32>
    %jit3A = arith.constant 0 : i32
    %convert_element_type3A_30 = arith.sitofp %jit3A : i32 to f32
    %pad3A = vector.broadcast %convert_element_type3A_30 : f32 to vector<4x25x40xf32>
    %pad3A_31 = tpu.concatenate %pad3A, %slice3A_29 in 0 : vector<4x25x40xf32>, vector<150x25x40xf32> -> vector<154x25x40xf32>
    %pad3A_32 = vector.broadcast %convert_element_type3A_30 : f32 to vector<4x25x40xf32>
    %pad3A_33 = tpu.concatenate %pad3A_31, %pad3A_32 in 0 : vector<154x25x40xf32>, vector<4x25x40xf32> -> vector<158x25x40xf32>
    %slice3A_34 = vector.extract_strided_slice %pad3A_33 {offsets = [3, 0, 0], sizes = [150, 25, 10], strides = [1, 1, 1]} : vector<158x25x40xf32> to vector<150x25x10xf32>
    %slice3A_35 = vector.extract_strided_slice %pad3A_33 {offsets = [2, 0, 10], sizes = [150, 25, 10], strides = [1, 1, 1]} : vector<158x25x40xf32> to vector<150x25x10xf32>
    %slice3A_36 = vector.extract_strided_slice %pad3A_33 {offsets = [1, 0, 20], sizes = [150, 25, 10], strides = [1, 1, 1]} : vector<158x25x40xf32> to vector<150x25x10xf32>
    %slice3A_37 = vector.extract_strided_slice %pad3A_33 {offsets = [0, 0, 30], sizes = [150, 25, 10], strides = [1, 1, 1]} : vector<158x25x40xf32> to vector<150x25x10xf32>
    %slice3A_38 = vector.extract_strided_slice %pad3A_33 {offsets = [4, 0, 0], sizes = [150, 25, 10], strides = [1, 1, 1]} : vector<158x25x40xf32> to vector<150x25x10xf32>
    %slice3A_39 = vector.extract_strided_slice %pad3A_33 {offsets = [4, 0, 10], sizes = [150, 25, 10], strides = [1, 1, 1]} : vector<158x25x40xf32> to vector<150x25x10xf32>
    %slice3A_40 = vector.extract_strided_slice %pad3A_33 {offsets = [4, 0, 20], sizes = [150, 25, 10], strides = [1, 1, 1]} : vector<158x25x40xf32> to vector<150x25x10xf32>
    %slice3A_41 = vector.extract_strided_slice %pad3A_33 {offsets = [4, 0, 30], sizes = [150, 25, 10], strides = [1, 1, 1]} : vector<158x25x40xf32> to vector<150x25x10xf32>
    %slice3A_42 = vector.extract_strided_slice %pad3A_33 {offsets = [5, 0, 0], sizes = [150, 25, 10], strides = [1, 1, 1]} : vector<158x25x40xf32> to vector<150x25x10xf32>
    %slice3A_43 = vector.extract_strided_slice %pad3A_33 {offsets = [6, 0, 10], sizes = [150, 25, 10], strides = [1, 1, 1]} : vector<158x25x40xf32> to vector<150x25x10xf32>
    %slice3A_44 = vector.extract_strided_slice %pad3A_33 {offsets = [7, 0, 20], sizes = [150, 25, 10], strides = [1, 1, 1]} : vector<158x25x40xf32> to vector<150x25x10xf32>
    %slice3A_45 = vector.extract_strided_slice %pad3A_33 {offsets = [8, 0, 30], sizes = [150, 25, 10], strides = [1, 1, 1]} : vector<158x25x40xf32> to vector<150x25x10xf32>
    %concatenate3A = tpu.concatenate %slice3A_34, %slice3A_35, %slice3A_36, %slice3A_37, %slice3A_38, %slice3A_39, %slice3A_40, %slice3A_41, %slice3A_42, %slice3A_43, %slice3A_44, %slice3A_45 in 2 : vector<150x25x10xf32>, vector<150x25x10xf32>, vector<150x25x10xf32>, vector<150x25x10xf32>, vector<150x25x10xf32>, vector<150x25x10xf32>, vector<150x25x10xf32>, vector<150x25x10xf32>, vector<150x25x10xf32>, vector<150x25x10xf32>, vector<150x25x10xf32>, vector<150x25x10xf32> -> vector<150x25x120xf32>
    %reshape3A_46 = vector.shape_cast %concatenate3A : vector<150x25x120xf32> to vector<3750x120xf32>
    %get3A_47 = arith.constant 0 : index
    %get3A_48 = arith.constant 0 : index
    %get3A_49 = vector.load %arg5[%get3A_47, %get3A_48] : memref<120x40xf32, #tpu.memory_space<vmem>>, vector<120x40xf32>
    %convert_element_type3A_50 = arith.truncf %reshape3A_46 : vector<3750x120xf32> to vector<3750x120xbf16>
    %convert_element_type3A_51 = arith.truncf %get3A_49 : vector<120x40xf32> to vector<120x40xbf16>
    %dot_general3A_52 = arith.constant dense<0.000000e+00> : vector<3750x40xf32>
    %dot_general3A_53 = tpu.matmul %convert_element_type3A_50, %convert_element_type3A_51, %dot_general3A_52 {dimension_numbers = #tpu.dot_dimension_numbers<[1], [0], [0], [1], [0, 0, 1, 1], [], []>, transpose_lhs_hint = false} : vector<3750x120xbf16>, vector<120x40xbf16>, vector<3750x40xf32> -> vector<3750x40xf32>
    %slice3A_54 = vector.extract_strided_slice %max3A_28 {offsets = [0, 0, 40], sizes = [150, 25, 10], strides = [1, 1, 1]} : vector<150x25x50xf32> to vector<150x25x10xf32>
    %jit3A_55 = arith.constant -1.000000e+30 : f32
    %pad3A_56 = vector.broadcast %jit3A_55 : f32 to vector<1x25x10xf32>
    %pad3A_57 = tpu.concatenate %pad3A_56, %slice3A_54 in 0 : vector<1x25x10xf32>, vector<150x25x10xf32> -> vector<151x25x10xf32>
    %pad3A_58 = vector.broadcast %jit3A_55 : f32 to vector<1x25x10xf32>
    %pad3A_59 = tpu.concatenate %pad3A_57, %pad3A_58 in 0 : vector<151x25x10xf32>, vector<1x25x10xf32> -> vector<152x25x10xf32>
    %slice3A_60 = vector.extract_strided_slice %pad3A_59 {offsets = [0, 0, 0], sizes = [150, 25, 10], strides = [1, 1, 1]} : vector<152x25x10xf32> to vector<150x25x10xf32>
    %slice3A_61 = vector.extract_strided_slice %pad3A_59 {offsets = [1, 0, 0], sizes = [150, 25, 10], strides = [1, 1, 1]} : vector<152x25x10xf32> to vector<150x25x10xf32>
    %max3A_62 = arith.maximumf %slice3A_60, %slice3A_61 : vector<150x25x10xf32>
    %slice3A_63 = vector.extract_strided_slice %pad3A_59 {offsets = [2, 0, 0], sizes = [150, 25, 10], strides = [1, 1, 1]} : vector<152x25x10xf32> to vector<150x25x10xf32>
    %max3A_64 = arith.maximumf %max3A_62, %slice3A_63 : vector<150x25x10xf32>
    %reshape3A_65 = vector.shape_cast %max3A_64 : vector<150x25x10xf32> to vector<3750x10xf32>
    %slice3A_66 = vector.extract_strided_slice %reshape3A_25 {offsets = [0, 0, 50], sizes = [150, 25, 10], strides = [1, 1, 1]} : vector<150x25x60xf32> to vector<150x25x10xf32>
    %reshape3A_67 = vector.shape_cast %slice3A_66 : vector<150x25x10xf32> to vector<3750x10xf32>
    %concatenate3A_68 = tpu.concatenate %dot_general3A_53, %reshape3A_65, %reshape3A_67 in 1 : vector<3750x40xf32>, vector<3750x10xf32>, vector<3750x10xf32> -> vector<3750x60xf32>
    %add3A_69 = arith.addf %concatenate3A_68, %reshape3A : vector<3750x60xf32>
    %max3A_70 = arith.constant 0.000000e+00 : f32
    %max3A_71 = vector.broadcast %max3A_70 : f32 to vector<3750x60xf32>
    %max3A_72 = arith.maximumf %add3A_69, %max3A_71 : vector<3750x60xf32>
    %reshape3A_73 = vector.shape_cast %max3A_72 : vector<3750x60xf32> to vector<150x25x60xf32>
    %swap3A = arith.constant 0 : index
    %swap3A_74 = arith.constant 0 : index
    %swap3A_75 = arith.constant 0 : index
    %swap3A_76 = arith.constant 0 : index
    %swap3A_77 = vector.load %arg6[%swap3A, %swap3A_74, %swap3A_75, %swap3A_76] : memref<1x150x25x60xf32, #tpu.memory_space<vmem>>, vector<1x150x25x60xf32>
    %swap3A_78 = vector.shape_cast %swap3A_77 : vector<1x150x25x60xf32> to vector<150x25x60xf32>
    %swap3A_79 = vector.shape_cast %reshape3A_73 : vector<150x25x60xf32> to vector<1x150x25x60xf32>
    tpu.vector_store %arg6[%swap3A, %swap3A_74, %swap3A_75, %swap3A_76], %swap3A_79 {strides = array<i32>} : memref<1x150x25x60xf32, #tpu.memory_space<vmem>>, vector<1x150x25x60xf32>,
    return
  }
  func.func @transform_0(%arg0: i32) -> (i32, i32, i32, i32) {
    %c0_i32 = arith.constant 0 : i32
    %c0_i32_0 = arith.constant 0 : i32
    %c0_i32_1 = arith.constant 0 : i32
    %c0_i32_2 = arith.constant 0 : i32
    return %arg0, %c0_i32, %c0_i32_0, %c0_i32_1 : i32, i32, i32, i32
  }
  func.func @transform_1(%arg0: i32) -> (i32, i32, i32, i32) {
    %c0_i32 = arith.constant 0 : i32
    %c0_i32_0 = arith.constant 0 : i32
    %c0_i32_1 = arith.constant 0 : i32
    %c0_i32_2 = arith.constant 0 : i32
    return %arg0, %c0_i32, %c0_i32_0, %c0_i32_1 : i32, i32, i32, i32
  }
  func.func @transform_2(%arg0: i32) -> (i32, i32, i32, i32) {
    %c0_i32 = arith.constant 0 : i32
    %c0_i32_0 = arith.constant 0 : i32
    %c0_i32_1 = arith.constant 0 : i32
    %c0_i32_2 = arith.constant 0 : i32
    return %arg0, %c0_i32, %c0_i32_0, %c0_i32_1 : i32, i32, i32, i32
  }
  func.func @transform_3(%arg0: i32) -> (i32, i32) {
    %c0_i32 = arith.constant 0 : i32
    %c0_i32_0 = arith.constant 0 : i32
    %c0_i32_1 = arith.constant 0 : i32
    return %c0_i32, %c0_i32_0 : i32, i32
  }
  func.func @transform_4(%arg0: i32) -> (i32, i32) {
    %c0_i32 = arith.constant 0 : i32
    %c0_i32_0 = arith.constant 0 : i32
    %c0_i32_1 = arith.constant 0 : i32
    return %c0_i32, %c0_i32_0 : i32, i32
  }
  func.func @transform_5(%arg0: i32) -> (i32, i32, i32, i32) {
    %c0_i32 = arith.constant 0 : i32
    %c0_i32_0 = arith.constant 0 : i32
    %c0_i32_1 = arith.constant 0 : i32
    %c0_i32_2 = arith.constant 0 : i32
    return %arg0, %c0_i32, %c0_i32_0, %c0_i32_1 : i32, i32, i32, i32
  }
}

module attributes {stable_mosaic.version = 14 : i64} {
  func.func @_pool_body(%arg0: i32, %arg1: memref<8x1500x150xf32, #tpu.memory_space<vmem>>, %arg2: memref<60x60xf32, #tpu.memory_space<vmem>>, %arg3: memref<1x60xf32, #tpu.memory_space<vmem>>, %arg4: memref<8x60xf32, #tpu.memory_space<vmem>>) attributes {dimension_semantics = [#tpu.dimension_semantics<parallel>], iteration_bounds = array<i64: 8>, scalar_prefetch = 0 : i64, scratch_operands = 0 : i64, tpu.core_type = #tpu.core_type<tc>, window_params = [{transform_indices = @transform_0, window_bounds = array<i64: 8, 1500, 150>}, {pipeline_mode = #tpu.pipeline_mode<synchronous>, transform_indices = @transform_1, window_bounds = array<i64: 60, 60>}, {pipeline_mode = #tpu.pipeline_mode<synchronous>, transform_indices = @transform_2, window_bounds = array<i64: 1, 60>}, {transform_indices = @transform_3, window_bounds = array<i64: 8, 60>}]} {
    %get3A = arith.constant 0 : index
    %get3A_0 = arith.constant 0 : index
    %get3A_1 = arith.constant 0 : index
    %get3A_2 = vector.load %arg1[%get3A, %get3A_0, %get3A_1] : memref<8x1500x150xf32, #tpu.memory_space<vmem>>, vector<8x1500x150xf32>
    %reshape3A = vector.shape_cast %get3A_2 : vector<8x1500x150xf32> to vector<8x25x60x150xf32>
    %reduce_sum3A = arith.constant dense<0.000000e+00> : vector<8x60xf32>
    %reduce_sum3A_3 = vector.multi_reduction <add>, %reshape3A, %reduce_sum3A [1, 3] : vector<8x25x60x150xf32> to vector<8x60xf32>
    %get3A_4 = arith.constant 0 : index
    %get3A_5 = arith.constant 0 : index
    %get3A_6 = vector.load %arg2[%get3A_4, %get3A_5] : memref<60x60xf32, #tpu.memory_space<vmem>>, vector<60x60xf32>
    %dot_general3A = arith.constant dense<0.000000e+00> : vector<8x60xf32>
    %dot_general3A_7 = tpu.matmul %reduce_sum3A_3, %get3A_6, %dot_general3A {dimension_numbers = #tpu.dot_dimension_numbers<[1], [0], [0], [1], [0, 0, 1, 1], [], []>, transpose_lhs_hint = false} : vector<8x60xf32>, vector<60x60xf32>, vector<8x60xf32> -> vector<8x60xf32>
    %mul3A = arith.constant 2.6666667E-4 : f32
    %mul3A_8 = vector.broadcast %mul3A : f32 to vector<8x60xf32>
    %mul3A_9 = arith.mulf %dot_general3A_7, %mul3A_8 : vector<8x60xf32>
    %get3A_10 = arith.constant 0 : index
    %get3A_11 = arith.constant 0 : index
    %get3A_12 = vector.load %arg3[%get3A_10, %get3A_11] : memref<1x60xf32, #tpu.memory_space<vmem>>, vector<1x60xf32>
    %add3A = vector.broadcast %get3A_12 : vector<1x60xf32> to vector<8x60xf32>
    %add3A_13 = arith.addf %mul3A_9, %add3A : vector<8x60xf32>
    %reduce_max3A = arith.constant dense<0xFF800000> : vector<8xf32>
    %reduce_max3A_14 = vector.multi_reduction <maximumf>, %add3A_13, %reduce_max3A [1] : vector<8x60xf32> to vector<8xf32>
    %broadcast_in_dim3A = vector.shape_cast %reduce_max3A_14 : vector<8xf32> to vector<8x1xf32>
    %sub3A = vector.broadcast %broadcast_in_dim3A : vector<8x1xf32> to vector<8x60xf32>
    %sub3A_15 = arith.subf %add3A_13, %sub3A : vector<8x60xf32>
    %exp3A = math.exp %sub3A_15 : vector<8x60xf32>
    %reduce_sum3A_16 = arith.constant dense<0.000000e+00> : vector<8xf32>
    %reduce_sum3A_17 = vector.multi_reduction <add>, %exp3A, %reduce_sum3A_16 [1] : vector<8x60xf32> to vector<8xf32>
    %broadcast_in_dim3A_18 = vector.shape_cast %reduce_sum3A_17 : vector<8xf32> to vector<8x1xf32>
    %log3A = math.log %broadcast_in_dim3A_18 : vector<8x1xf32>
    %sub3A_19 = vector.broadcast %log3A : vector<8x1xf32> to vector<8x60xf32>
    %sub3A_20 = arith.subf %sub3A_15, %sub3A_19 : vector<8x60xf32>
    %swap3A = arith.constant 0 : index
    %swap3A_21 = arith.constant 0 : index
    %swap3A_22 = vector.load %arg4[%swap3A, %swap3A_21] : memref<8x60xf32, #tpu.memory_space<vmem>>, vector<8x60xf32>
    tpu.vector_store %arg4[%swap3A, %swap3A_21], %sub3A_20 {strides = array<i32>} : memref<8x60xf32, #tpu.memory_space<vmem>>, vector<8x60xf32>,
    return
  }
  func.func @transform_0(%arg0: i32) -> (i32, i32, i32) {
    %c0_i32 = arith.constant 0 : i32
    %c0_i32_0 = arith.constant 0 : i32
    %c0_i32_1 = arith.constant 0 : i32
    return %arg0, %c0_i32, %c0_i32_0 : i32, i32, i32
  }
  func.func @transform_1(%arg0: i32) -> (i32, i32) {
    %c0_i32 = arith.constant 0 : i32
    %c0_i32_0 = arith.constant 0 : i32
    %c0_i32_1 = arith.constant 0 : i32
    return %c0_i32, %c0_i32_0 : i32, i32
  }
  func.func @transform_2(%arg0: i32) -> (i32, i32) {
    %c0_i32 = arith.constant 0 : i32
    %c0_i32_0 = arith.constant 0 : i32
    %c0_i32_1 = arith.constant 0 : i32
    return %c0_i32, %c0_i32_0 : i32, i32
  }
  func.func @transform_3(%arg0: i32) -> (i32, i32) {
    %c0_i32 = arith.constant 0 : i32
    %c0_i32_0 = arith.constant 0 : i32
    return %arg0, %c0_i32 : i32, i32
  }
}

</mosaic_0001>

<sc_bundles>
// kernel: sparse-core-data-format-call.cloned.1.call-start
scs
called_computation_lowered:
.L_overlay_start_0:
0x0: {  	s1 =	sld [smem:$0x3FD9]  }
0x1: {  	s2 =	sld [smem:$0x3FFE];
	_ =	sdelay $0x1  }
0x2: {  	s3 =	srdreg.scid  }
0x3: {  	s0 =	sand.u32 $0x1, s3  }
0x4: {  	s17 =	sshll.u32 s0, $0xA;
	s1 =	sadd.s32 s2, s1  }
0x5: {  	s1 =	sadd.s32 s1, s17  }
0x6: {  	[smem:$0x3FB9] =	sst s1  }
0x7: {  	_ = 	snop  }
0x8: {  	(tm) =	ssettm $0x1  }
0x9: {  	s18 =	sld [smem:$0x3FFB];
	_ =	sdelay $0x3  }
0xa: {  	_ =	strace s18  }
0xb: {  	s1 =	sld [smem:$0x3FFC];
	_ =	sdelay $0x3  }
0xc: {  	_ =	strace s1  }
0xd: {  	s1 =	sld [smem:$0x3FFD];
	_ =	sdelay $0x3  }
0xe: {  	_ =	strace s1  }
0xf: {  	_ =	strace $0x8FFFFFFF  }
0x10: {  	s19 =	sld [smem:$0x3FDB];
	_ =	sdelay $0x1  }
0x11: {  	s20 =	simm.s32 $_scs_section_size  }
0x12: {  	s4 =	simm.s32 $_size__tile_overlayer_lowered;
	s5 =	simm.s32 $_tile_overlayer_lowered  }
0x13: {  	s23 =	simm.s32 $0x1BFF;
	s22 =	sshll.u32 s5, $0x1;
	s1 =	sadd.s32 s20, s19  }
0x14: {  	s6 =	simm.s32 $0x0;
	s21 =	sshll.u32 s4, $0x1;
	s4 =	sadd.s32 s22, s1  }
0x15: {  	[timem:s6], [sflag:s23] =	dma.local [hbm:s4], s21  }
0x16: {  	_ =	swait.ge [sflag:s23], s21  }
0x17: {  	s2 =	ssub.s32 $0x0, s21;
	[sflag:s23] =	ssyncset.done $0x0  }
0x18: {  	[sflag:s23] =	ssyncadd.s32 s2;
	_ =	sdelay $0x1  }
0x19: {  	s24 =	simm.s32 $0x1B8B  }
0x1a: {  	_ =	swait.ge [sflag:s24], $0x1  }
0x1b: {  	[sflag:s24] =	ssyncset.done $0x0  }
0x1c: {  	s26 =	simm.s32 $0x1B8E;
	s25 =	sld [smem:$0x3FFE];
	[sflag:s24] =	ssyncadd.s32 $0xFFFFFFFF  }
0x1d: {  	s27 =	simm.s32 $execute0_lowered;
	[smem:$0x3FD2] =	sst s26  }
0x1e: {  	s4 =	sshll.u32 s27, $0x1;
	_ =	strace $0x80000046;
	[dreg:$0x1] =	wrdreg $0xFFFFFFFF  }
0x1f: {  	s28 =	simm.s32 $_size_execute0_lowered;
	s1 =	sadd.s32 s1, s4;
	[dreg:$0x0] =	wrdreg $0x0  }
0x20: {  	s4 =	sshll.u32 s28, $0x1;
	[dreg:$0x2] =	wrdreg s1  }
0x21: {  	[dreg:$0x3] =	wrdreg s4  }
0x22: {  	[dreg:$0x4] =	wrdreg $0xC0  }
0x23: {  	_ =	task [dreg:s6], $0x5FFFF  }
0x24: {  	[dreg:$0x1] =	wrdreg $0xFFFFFFFF  }
0x25: {  	[dreg:$0x0] =	wrdreg $0x60  }
0x26: {  	[dreg:$0x2] =	wrdreg s25  }
0x27: {  	[dreg:$0x3] =	wrdreg $0x9  }
0x28: {  	_ =	task.clear_ibuf [dreg:s6], $0x4FFFF;
	_ =	strace $0x90000046  }
0x29: {  	s29 =	simm.s32 $0x9;
	_ =	strace $0x80000048  }
0x2a: {  	_ =	swait.ge [sflag:s29], $0x1  }
0x2b: {  	[sflag:s29] =	ssyncadd.s32 $0xFFFFFFFF  }
0x2c: {  	_ =	strace $0x90000048  }
0x2d: {  	_ =	sfence  }
0x2e: {  	s30 =	sld [smem:$0x0];
	_ =	sdelay $0x2  }
0x2f: {  	s31 =	sshll.u32 s3, $0xD;
	s3 =	sshrl.u32 s3, $0x2  }
0x30: {  	s2 =	sand.u32 $0x4000, s31;
	s1 =	sadd.s32 s3, s30  }
0x31: {  	s0 =	sor.u32 s2, s0;
	s1 =	sshll.u32 s1, $0x11  }
0x32: {  	s0 =	sor.u32 s1, s0  }
0x33: {  	s0 =	sadd.s32 $0x8F2B, s0  }
0x34: {  	[sflag:s0] =	ssyncadd.remote.s32 $0x1  }
0x35: {  	_ =	sfence.sel $0xFFFF  }
0x36: {  	[dreg:$0x0] =	wrdreg $0xFFFFFFFF;
	(pc) =	sbr.abs _section_cstart, $3  }
0x37: {  	[dreg:$0x1] =	wrdreg $0xFFFFFFFF  }
0x38: {  	_ =	task.clear_ibuf [dreg:s6], $0x2FFFF;
	_ =	strace $0x9FFFFFFF  }
0x39: {  	(tm) =	ssettm $0x7FFFFFFF  }
tec
execute0_lowered:
.L_overlay_start_1:
0x0: {  	(tag) =	ssettag $0x1  }
0x1: {  	s4 =	rddreg [dreg:$0x0]  }
0x2: {  	s0 =	rddreg [dreg:$0x1];
	_ =	strace $0x80000047;
	s3 =	srdreg.scid  }
0x3: {  	s1 =	stileid.u32;
	s6 =	simm.s32 $0x2;
	s13 =	simm.s32 $0x0  }
0x4: {  	p0 =	por $0x0, $0x0;
	s7 =	simm.s32 $0x4C00;
	s14 =	simm.s32 $0x0  }
.Ltmp0:
0x5: {  	s9 =	simm.s32 $0x0;
	s10 =	simm.s32 $0x0;
	(pc) =	sbr.rel .LBB1_1-.Ltmp0, $4  }
0x6: {  	s11 =	simm.s32 $0x0;
	s8 =	simm.s32 $0x0;
	s5 =	sshll.u32 s3, $0x4  }
0x7: {  	s2 =	sadd.s32 $0x5A00, s4;
	s3 =	simm.s32 $0x1;
	s5 =	sand.u32 $0x10, s5  }
0x8: {  	s4 =	sadd.s32 $0x4B5A00, s4;
	[sflag:s3] =	ssyncpa.u1 $0x0;
	s5 =	sor.u32 s1, s5  }
0x9: {  	[sflag:s6] =	ssyncpa.u1 $0x0;
	s6 =	simm.s32 $0x20;
	s12 =	smov.u32 s5  }
.LBB1_5:
0xa: {  	p1 =	slt.u32 s8, $0x2  }
0xb: {  	p2 =	sgt.s32 @!p1 s14, $0x3F  }
0xc: {  	s15 =	smov.u32 s14;
	s16 =	sshra.s32 @!p1 s14, $0x1F;
	p2 =	por !p2, p1  }
0xd: {  	s17 =	sshra.s32 @!p1 s13, $0x1F;
	s15 =	simm.s32 @p2 $0x3F;
	p2 =	sgt.s32 @!p1 s13, $0x97  }
0xe: {  	s14 =	sand.u32 @!p1 s16, s14;
	s16 =	smov.u32 s13;
	p2 =	por !p2, p1  }
0xf: {  	s13 =	sand.u32 @!p1 s17, s13;
	s14 =	ssub.s32 @!p1 s15, s14;
	s16 =	simm.s32 @p2 $0x97  }
0x10: {  	s17 =	smov.u32 s12;
	s15 =	sadd.s32 @!p1 $0xFFFFFFC1, s14;
	s13 =	ssub.s32 @!p1 s16, s13  }
0x11: {  	s14 =	ssub.s32 @!p1 $0x40, s14;
	p2 =	sgt.s32 @!p1 s15, $0x0;
	s13 =	sadd.s32 @!p1 $0xFFFFFF69, s13  }
0x12: {  	s14 =	smul.u32 @!p1 $0x3C, s14;
	p3 =	sgt.s32 @!p1 s13, $0x0;
	s13 =	sshll.u32 @!p1 s13, $0x5  }
0x13: {  	p2 =	por !p2, p1;
	s13 =	ssub.s32 @!p1 $0x20, s13;
	p3 =	por !p3, p1  }
0x14: {  	s15 =	sadd.s32 $0x1, s11;
	s14 =	simm.s32 @!p2 $0x0;
	s13 =	simm.s32 @!p3 $0x0  }
0x15: {  	p2 =	sgt.s32 s15, $0x95;
	s13 =	smul.u32 @!p1 s14, s13;
	s14 =	sadd.s32 $0x20, s12  }
0x16: {  	s17 =	smov.u32 @p2 s14  }
0x17: {  	s8 =	sadd.s32 $0x1, s8;
	s15 =	simm.s32 @p2 $0x0;
	p2 =	sgt.s32 s17, $0x3F  }
0x18: {  	s17 =	smov.u32 @p2 s5;
	p2 =	sne.s32 s8, $0x12E  }
.Ltmp1:
0x19: {  	p0 =	por !p0, !p0;
	(pc) =	sbr.rel @!p2 .LBB1_6-.Ltmp1, $4  }
0x1a: {  	s16 =	simm.s32 @!p1 $0x2;
	s14 =	smov.u32 s10;
	s13 =	sand.u32 @!p1 $0x3FFFFF80, s13  }
0x1b: {  	s10 =	smov.u32 s12;
	_ =	swait.ge @!p1 [sflag:s16], s13;
	s18 =	ssub.s32 @!p1 $0x0, s13  }
0x1c: {  	s13 =	smov.u32 s9;
	s9 =	smov.u32 s11;
	[sflag:s16] =	ssyncset.done @!p1 $0x0  }
0x1d: {  	s11 =	smov.u32 s15;
	s12 =	smov.u32 s17;
	[sflag:s16] =	ssyncadd.s32 @!p1 s18  }
.LBB1_1:
0x1e: {  	p1 =	sgt.u32 s8, $0x12B  }
0x1f: {  	s16 =	smul.u32 @!p1 $0x12C00, s12  }
0x20: {  	s15 =	sxor.u32 @!p1 $0xFFFFFFFF, s8;
	s17 =	sshll.u32 @!p1 s11, $0x9  }
0x21: {  	s18 =	simm.s32 @!p1 $0x80;
	s15 =	sshll.u32 @!p1 s15, $0xB;
	s16 =	sadd.s32 @!p1 s2, s16  }
0x22: {  	s15 =	sand.u32 @!p1 $0x800, s15;
	s16 =	sadd.s32 @!p1 s17, s16;
	s17 =	simm.s32 @!p1 $0x40  }
0x23: {  	[tilespmem:s15], [sflag:$0x1] =	stream.strided.gather @!p1 [hbm4b:s16+s17], $0x800, s18, s17, $0x38;
	[tilespmem:$0x2080] =	vst v63  }
0x24: {  	p1 =	seq.s32 s8, $0x0  }
0x25: {  	p2 =	seq.s32 @!p1 s8, $0x12D  }
0x26: {  	p1 =	por p1, p2  }
.Ltmp2:
0x27: {  	_ = 	snop;
	(pc) =	sbr.rel @p1 .LBB1_5-.Ltmp2, $1  }
0x28: {  	_ =	sdelay $0x3  }
0x29: {  	s15 =	simm.s32 $0x1  }
0x2a: {  	_ =	swait.ge [sflag:s3], $0x800;
	s15 =	simm.s32 @!p0 $0x0  }
0x2b: {  	[sflag:s3] =	ssyncset.done $0x0;
	s16 =	sshll.u32 s15, $0xB  }
0x2c: {  	[sflag:s3] =	ssyncadd.s32 $0xFFFFF800;
	s19 =	sor.u32 $0x20, s16  }
0x2d: {  	s15 =	smul.u32 $0x2100, s15;
	v3 =	vld [tilespmem:s19+$0x10]  }
0x2e: {  	s30 =	sand.u32 $0x1, s8;
	v1 =	vld [tilespmem:s19+$0xFFFFFFF0]  }
0x2f: {  	s16 =	smul.u32 $0x2100, s30;
	s15 =	sshrl.u32 s15, $0x2;
	v0 =	vld [tilespmem:s19+$0x0]  }
0x30: {  	v2 =	vld [tilespmem:s19+$0xFFFFFFE0];
	s17 =	sor.u32 $0x1000, s15  }
0x31: {  	s31 =	sshrl.u32 s16, $0x2;
	s16 =	sadd.s32 $0x0, s17  }
0x32: {  	s18 =	simm.s32 $0x4;
	s19 =	sadd.s32 $0x40, s19;
	s15 =	sor.u32 $0x1000, s31;
	[tilespmem:s16+$0x630 ss:$0x21] =	vst.msk $0xffff, v3  }
.LBB1_3:
0x33: {  	v3 =	vld [tilespmem:s19+$0x10];
	p1 =	sne.s32 s18, $0x7C;
	[tilespmem:s16+$0x210 ss:$0x21] =	vst.msk $0xffff, v1;
	s20 =	smov.u32 s18;
	s18 =	sadd.s32 $0x4, s18  }
.Ltmp3:
0x34: {  	v1 =	vld [tilespmem:s19+$0xFFFFFFF0];
	[tilespmem:s16+$0x420 ss:$0x21] =	vst.msk $0xffff, v0;
	(pc) =	sbr.rel @p1 .LBB1_3-.Ltmp3, $4  }
0x35: {  	v0 =	vld [tilespmem:s19+$0x0];
	[tilespmem:s16+$0x0 ss:$0x21] =	vst.msk $0xffff, v2  }
0x36: {  	s16 =	sshra.s32 s20, $0x2;
	v2 =	vld [tilespmem:s19+$0xFFFFFFE0]  }
0x37: {  	s16 =	sadd.s32 s16, s17  }
0x38: {  	s19 =	sadd.s32 $0x40, s19;
	[tilespmem:s16+$0x630 ss:$0x21] =	vst.msk $0xffff, v3  }
0x39: {  	p1 =	sgt.s32 s10, $0x3F  }
0x3a: {  	s17 =	smov.u32 s10;
	s18 =	sand.u32 $0x1FFFFFF, s9;
	s19 =	sshra.s32 s10, $0x1F  }
0x3b: {  	s20 =	smov.u32 s9;
	s21 =	sshra.s32 s9, $0x1F;
	s29 =	smul.u32 $0x23A00, s10  }
0x3c: {  	s17 =	simm.s32 @!p1 $0x3F;
	s19 =	sand.u32 s19, s10;
	p1 =	sgt.s32 s9, $0x97  }
0x3d: {  	s25 =	sand.u32 s21, s9;
	s17 =	ssub.s32 s17, s19;
	s20 =	simm.s32 @!p1 $0x97  }
0x3e: {  	s26 =	smulhi.u32 $0x1AF286C, s18;
	s19 =	ssub.s32 s20, s25;
	s27 =	ssub.s32 $0x40, s17  }
0x3f: {  	s17 =	sadd.s32 $0xFFFFFFC1, s17;
	s20 =	smul.u32 $0x3C, s27;
	s19 =	sadd.s32 $0xFFFFFF69, s19  }
0x40: {  	s21 =	smul.u32 $0x98, s26;
	p1 =	sgt.s32 s17, $0x0;
	s28 =	sshll.u32 s19, $0x5  }
0x41: {  	s20 =	simm.s32 @p1 $0x0;
	p1 =	sgt.s32 s19, $0x0;
	s17 =	ssub.s32 $0x20, s28  }
.Ltmp4:
0x42: {  	s17 =	simm.s32 @p1 $0x0;
	(pc) =	sbr.rel .LBB1_5-.Ltmp4, $4  }
0x43: {  	[tilespmem:s16+$0x210 ss:$0x21] =	vst.msk $0xffff, v1;
	s18 =	ssub.s32 s18, s21;
	s17 =	smul.u32 s20, s17  }
0x44: {  	[tilespmem:s16+$0x420 ss:$0x21] =	vst.msk $0xffff, v0;
	s18 =	sshll.u32 s18, $0x4;
	s19 =	sadd.s32 s4, s29  }
0x45: {  	[tilespmem:s16+$0x0 ss:$0x21] =	vst.msk $0xffff, v2;
	s31 =	sadd.s32 s18, s19;
	s30 =	sand.u32 $0x3FFFFF80, s17  }
0x46: {  	[hbm4b:s31+s6] =	stream.strided.scatter [tilespmem:s15], [sflag:$0x2], s30, s7, s6, $0x10;
	[tilespmem:$0x2080] =	vst v63  }
.LBB1_6:
0x47: {  	_ =	sfence.sel $0x180000  }
0x48: {  	s2 =	simm.s32 $0x1;
	[bflag:$0x0] =	sbarrier.arrive $0xFFFF  }
0x49: {  	s31 =	simm.s32 $0x2;
	[sflag:s2] =	ssyncpa.u1 $0x1  }
0x4a: {  	[sflag:s31] =	ssyncpa.u1 $0x1  }
0x4b: {  	p0 =	sne.s32 s1, $0x0;
	_ =	strace $0x90000047  }
0x4c: {  	s0 =	sadd.s32 @!p0 $0x100000, s0;
	[bflag:$0x2] =	sbarrier.arrive $0xFFFF  }
0x4d: {  	[sflag:s0] =	ssyncadd.tile.s32 @!p0 $0x1;
	_ =	shalt  }
.Lfunc_end1:
_tile_overlayer_lowered:
.L_overlay_start_2:
0x4e: {  	(tag) =	ssettag $0x2  }
0x4f: {  	s0 =	rddreg [dreg:$0x0];
	s2 =	stileid.u32  }
0x50: {  	s1 =	rddreg [dreg:$0x1];
	p0 =	sne.s32 s2, $0x0  }
0x51: {  	s3 =	rddreg [dreg:$0x2];
	[bflag:$0x3] =	sbarrier.arrive $0xFFFF;
	s2 =	simm.s32 @!p0 $0x1C01  }
0x52: {  	[timem:s3], [sflag:s2] =	dma.local @!p0 [hbm:s0], s1  }
0x53: {  	s0 =	simm.s32 @!p0 $0x1  }
0x54: {  	_ =	swait.ge @!p0 [sflag:s0], s1  }
0x55: {  	s1 =	ssub.s32 @!p0 $0x0, s1;
	[sflag:s0] =	ssyncset.done @!p0 $0x0  }
0x56: {  	[sflag:s0] =	ssyncadd.s32 @!p0 s1  }
0x57: {  	[bflag:$0x3] =	sbarrier.arrive $0xFFFF  }
0x58: {  	_ =	shalt  }

</sc_bundles>
